<compile_context>
chip_gen: v7x
topology: tpu7x:2x2x1
jax: 0.10.2.dev20260603
libtpu: 0.0.44.dev20260713+nightly
codegen_flags: <defaults>
</compile_context>

<pallas_src>
import functools

import jax
import jax.numpy as jnp
from jax import lax
from jax.experimental import pallas as pl
from jax.experimental.pallas import tpu as pltpu
from jax.experimental.pallas import tpu_sc as plsc

D = 64
L = 16
CHUNK = 512
NG = 2
GROWS = CHUNK // NG
NW = 32
UNROLL = 16


def _lookup(ids_flat, weight):
    b_total = ids_flat.shape[0]
    per_w = b_total // NW
    nch = per_w // CHUNK
    assert nch % 2 == 0

    mesh = plsc.VectorSubcoreMesh(core_axis_name="c", subcore_axis_name="s")

    @functools.partial(
        pl.kernel,
        out_type=jax.ShapeDtypeStruct((b_total * D,), jnp.bfloat16),
        mesh=mesh,
        scratch_types=[
            pltpu.VMEM((CHUNK,), jnp.int32),
            pltpu.VMEM((CHUNK,), jnp.int32),
            pltpu.VMEM((CHUNK, D), jnp.float32),
            pltpu.VMEM((CHUNK, D), jnp.float32),
            pltpu.VMEM((CHUNK * D,), jnp.bfloat16),
            pltpu.VMEM((CHUNK * D,), jnp.bfloat16),
            pltpu.SemaphoreType.DMA,
            pltpu.SemaphoreType.DMA,
            pltpu.SemaphoreType.DMA,
            pltpu.SemaphoreType.DMA,
        ],
        compiler_params=pltpu.CompilerParams(
            needs_layout_passes=False, use_tc_tiling_on_sc=False
        ),
    )
    def run(idx_hbm, tbl_hbm, out_hbm, idx_a, idx_b, rows_a, rows_b,
            out_a, out_b, gsem_a, gsem_b, osem_a, osem_b):
        cid = lax.axis_index("c")
        sid = lax.axis_index("s")
        wid = sid * 2 + cid
        flat0 = wid * per_w
        oflat0 = wid * per_w * D

        iota = lax.iota(jnp.int32, L)
        bufs = ((idx_a, rows_a, out_a, gsem_a, osem_a),
                (idx_b, rows_b, out_b, gsem_b, osem_b))

        def start(t, bi):
            idx_v, rows_v, _, gsem, _ = bufs[bi]
            pltpu.sync_copy(
                idx_hbm.at[pl.ds(flat0 + t * CHUNK, CHUNK)], idx_v
            )
            for g in range(NG):
                pltpu.async_copy(
                    tbl_hbm.at[idx_v.at[pl.ds(g * GROWS, GROWS)]],
                    rows_v.at[pl.ds(g * GROWS, GROWS)],
                    gsem,
                )

        def wait_gather(bi, g):
            idx_v, rows_v, _, gsem, _ = bufs[bi]
            pltpu.make_async_copy(
                tbl_hbm.at[idx_v.at[pl.ds(g * GROWS, GROWS)]],
                rows_v.at[pl.ds(g * GROWS, GROWS)],
                gsem,
            ).wait()

        def out_slice(t):
            return out_hbm.at[pl.ds(oflat0 + t * CHUNK * D, CHUNK * D)]

        def fire_out(t, bi):
            _, _, out_v, _, osem = bufs[bi]
            pltpu.async_copy(out_v, out_slice(t), osem)

        def wait_out(t, bi):
            _, _, out_v, _, osem = bufs[bi]
            pltpu.make_async_copy(out_v, out_slice(t), osem).wait()

        def cast(bi, r0, nrows):
            _, rows_v, out_v, _, _ = bufs[bi]

            def cast_body(gi, c2):
                for u in range(UNROLL):
                    j = r0 + gi * (UNROLL // 2) + u // 2
                    jv = jnp.full((L,), j, jnp.int32)
                    c0 = (u % 2) * 32
                    ev = plsc.load_gather(rows_v, [jv, c0 + 2 * iota])
                    od = plsc.load_gather(rows_v, [jv, c0 + 2 * iota + 1])
                    p = plsc.pack(ev, od, format=plsc.PackFormat.INTERLEAVED)
                    out_v[pl.ds(r0 * D + gi * (UNROLL * 32) + u * 32, 32)] = p
                return c2

            lax.fori_loop(0, nrows * D // (UNROLL * 32), cast_body, 0)

        start(0, 0)

        def body(p, carry):
            t0 = 2 * p
            t1 = 2 * p + 1
            start(t1, 1)

            @pl.when(p > 0)
            def _():
                wait_out(t0 - 2, 0)

            for g in range(NG):
                wait_gather(0, g)
                cast(0, g * GROWS, GROWS)
            fire_out(t0, 0)

            @pl.when(p < nch // 2 - 1)
            def _():
                start(t0 + 2, 0)

            @pl.when(p > 0)
            def _():
                wait_out(t1 - 2, 1)

            for g in range(NG):
                wait_gather(1, g)
                cast(1, g * GROWS, GROWS)
            fire_out(t1, 1)
            return carry

        lax.fori_loop(0, nch // 2, body, 0)
        wait_out(nch - 2, 0)
        wait_out(nch - 1, 1)

    return run(ids_flat, weight)


def kernel(input_ids, weight):
    b, s = input_ids.shape
    ids = input_ids.reshape(-1).astype(jnp.int32)
    out = _lookup(ids, weight)
    return out.reshape(b, s, D)

# --- scband reference (transcript-rebuilt; emitter-appended) ---
"""Pipeline reference for scband-casted-embedding-73040213836180 (READ-ONLY COPY).

The authoritative reference and input builder live on the scoring server;
editing this copy changes nothing except your own understanding.
"""

import jax, jax.numpy as jnp
import numpy as np

NUM_EMBEDDINGS = 1000000
EMBEDDING_DIM = 64
INIT_STD = 0.02

def setup_inputs(seed: int = 0) -> dict:
    key = jax.random.key(seed)
    k1, k2 = jax.random.split(key)
    input_ids = jax.random.randint(k1, (16384, 26), 0, NUM_EMBEDDINGS, dtype=jnp.int64 if jax.config.read('jax_enable_x64') else jnp.int32)
    # truncated-normal-ish init (plain normal * std is faithful enough numerically for a reference)
    weight = jax.random.truncated_normal(k2, -2.0, 2.0, (NUM_EMBEDDINGS, EMBEDDING_DIM), dtype=jnp.float32) * INIT_STD
    return {"input_ids": input_ids, "weight": weight}

def reference(input_ids, weight):
    # CastedEmbedding.forward: F.embedding(input_ids, self.weight.to(self.dtype))
    w_cast = weight.astype(jnp.bfloat16)
    return jnp.take(w_cast, input_ids, axis=0)

if __name__ == "__main__":
    import jax
    _d = setup_inputs()
    print(jax.jit(kernel)(*tuple(_d.values())))

</pallas_src>

<mosaic_0001>
#map = affine_map<(d0, d1) -> (0)>
#map1 = affine_map<(d0, d1) -> (0, 0)>
module attributes {stable_mosaic.version = 14 : i64} {
  func.func @run(%arg0: i32, %arg1: i32, %arg2: memref<425984xi32, #tpu.memory_space<hbm>>, %arg3: memref<1000000x64xf32, #tpu.memory_space<hbm>>, %arg4: memref<27262976xbf16, #tpu.memory_space<hbm>>, %arg5: memref<512xi32, #tpu.memory_space<vmem>>, %arg6: memref<512xi32, #tpu.memory_space<vmem>>, %arg7: memref<512x64xf32, #tpu.memory_space<vmem>>, %arg8: memref<512x64xf32, #tpu.memory_space<vmem>>, %arg9: memref<32768xbf16, #tpu.memory_space<vmem>>, %arg10: memref<32768xbf16, #tpu.memory_space<vmem>>, %arg11: memref<!tpu.dma_semaphore, #tpu.memory_space<semaphore_mem>>, %arg12: memref<!tpu.dma_semaphore, #tpu.memory_space<semaphore_mem>>, %arg13: memref<!tpu.dma_semaphore, #tpu.memory_space<semaphore_mem>>, %arg14: memref<!tpu.dma_semaphore, #tpu.memory_space<semaphore_mem>>) attributes {dimension_semantics = [#tpu.dimension_semantics<core_parallel>, #tpu.dimension_semantics<subcore_parallel>], iteration_bounds = array<i64: 2, 16>, scalar_prefetch = 0 : i64, scratch_operands = 10 : i64, tpu.core_type = #tpu.core_type<sc_vector_subcore>, window_params = [{transform_indices = #map}, {transform_indices = #map1}, {transform_indices = #map}]} {
    %mul3A = arith.constant 2 : i32
    %mul3A_0 = arith.muli %arg1, %mul3A : i32
    %add3A = arith.addi %mul3A_0, %arg0 : i32
    %mul3A_1 = arith.constant 13312 : i32
    %mul3A_2 = arith.muli %add3A, %mul3A_1 : i32
    %mul3A_3 = arith.constant 13312 : i32
    %mul3A_4 = arith.muli %add3A, %mul3A_3 : i32
    %mul3A_5 = arith.constant 64 : i32
    %mul3A_6 = arith.muli %mul3A_4, %mul3A_5 : i32
    %iota3A = tpu.iota {dimensions = array<i32: 0>} : vector<16xi32>
    %add3A_7 = arith.constant 0 : i32
    %add3A_8 = arith.addi %mul3A_2, %add3A_7 : i32
    "tpu.region"() ({
      %run_scoped3A = tpu.sem_alloc : memref<!tpu.dma_semaphore, #tpu.memory_space<semaphore_mem>>
      %dma_start3A_36 = tpu.memref_slice %arg2[%add3A_8] : memref<425984xi32, #tpu.memory_space<hbm>> -> memref<512xi32, #tpu.memory_space<hbm>>
      %dma_start3A_37 = tpu.memref_slice %arg2[%add3A_8] : memref<425984xi32, #tpu.memory_space<hbm>> -> memref<512xi32, #tpu.memory_space<hbm>>
      tpu.enqueue_dma source(%dma_start3A_37 : memref<512xi32, #tpu.memory_space<hbm>>) target(%arg5 : memref<512xi32, #tpu.memory_space<vmem>>) target_semaphore(%run_scoped3A : memref<!tpu.dma_semaphore, #tpu.memory_space<semaphore_mem>>)
      %dma_wait3A_38 = tpu.memref_slice %arg2[%add3A_8] : memref<425984xi32, #tpu.memory_space<hbm>> -> memref<512xi32, #tpu.memory_space<hbm>>
      %dma_wait3A_39 = tpu.memref_slice %arg2[%add3A_8] : memref<425984xi32, #tpu.memory_space<hbm>> -> memref<512xi32, #tpu.memory_space<hbm>>
      tpu.wait_dma2 semaphore(%run_scoped3A : memref<!tpu.dma_semaphore, #tpu.memory_space<semaphore_mem>>) src(%dma_wait3A_39 : memref<512xi32, #tpu.memory_space<hbm>>) dst(%arg5 : memref<512xi32, #tpu.memory_space<vmem>>)
      tpu.yield
    }) : () -> ()
    %dma_start3A = arith.constant 0 : i32
    %dma_start3A_9 = arith.constant 0 : i32
    %dma_start3A_10 = tpu.memref_slice %arg7[%dma_start3A, %dma_start3A_9] : memref<512x64xf32, #tpu.memory_space<vmem>> -> memref<256x64xf32, #tpu.memory_space<vmem>>
    %dma_start3A_11 = arith.constant 0 : i32
    %dma_start3A_12 = tpu.memref_slice %arg5[%dma_start3A_11] : memref<512xi32, #tpu.memory_space<vmem>> -> memref<256xi32, #tpu.memory_space<vmem>>
    %dma_start3A_13 = arith.constant 0 : i32
    %dma_start3A_14 = arith.constant 0 : i32
    %dma_start3A_15 = tpu.memref_slice %arg3[%dma_start3A_13, %dma_start3A_14] : memref<1000000x64xf32, #tpu.memory_space<hbm>> -> memref<1000000x64xf32, #tpu.memory_space<hbm>>
    tpu.enqueue_indirect_dma source(%dma_start3A_15 : memref<1000000x64xf32, #tpu.memory_space<hbm>>) target(%dma_start3A_10 : memref<256x64xf32, #tpu.memory_space<vmem>>) offsets(%dma_start3A_12 : memref<256xi32, #tpu.memory_space<vmem>>) semaphore(%arg11 : memref<!tpu.dma_semaphore, #tpu.memory_space<semaphore_mem>>)
    %dma_start3A_16 = arith.constant 256 : i32
    %dma_start3A_17 = arith.constant 0 : i32
    %dma_start3A_18 = tpu.memref_slice %arg7[%dma_start3A_16, %dma_start3A_17] : memref<512x64xf32, #tpu.memory_space<vmem>> -> memref<256x64xf32, #tpu.memory_space<vmem>>
    %dma_start3A_19 = arith.constant 256 : i32
    %dma_start3A_20 = tpu.memref_slice %arg5[%dma_start3A_19] : memref<512xi32, #tpu.memory_space<vmem>> -> memref<256xi32, #tpu.memory_space<vmem>>
    %dma_start3A_21 = arith.constant 0 : i32
    %dma_start3A_22 = arith.constant 0 : i32
    %dma_start3A_23 = tpu.memref_slice %arg3[%dma_start3A_21, %dma_start3A_22] : memref<1000000x64xf32, #tpu.memory_space<hbm>> -> memref<1000000x64xf32, #tpu.memory_space<hbm>>
    tpu.enqueue_indirect_dma source(%dma_start3A_23 : memref<1000000x64xf32, #tpu.memory_space<hbm>>) target(%dma_start3A_18 : memref<256x64xf32, #tpu.memory_space<vmem>>) offsets(%dma_start3A_20 : memref<256xi32, #tpu.memory_space<vmem>>) semaphore(%arg11 : memref<!tpu.dma_semaphore, #tpu.memory_space<semaphore_mem>>)
    %scan3A = arith.constant 0 : i32
    %scan3A_24 = arith.constant 0 : i32
    %scan3A_25 = arith.constant 13 : i32
    %scan3A_26 = arith.addi %scan3A_24, %scan3A_25 : i32
    %scan3A_27 = arith.constant 1 : i32
    scf.for %scan3A_36 = %scan3A_24 to %scan3A_26 step %scan3A_27  : i32 {
      %mul3A_37 = arith.constant 2 : i32
      %mul3A_38 = arith.muli %mul3A_37, %scan3A_36 : i32
      %mul3A_39 = arith.constant 2 : i32
      %mul3A_40 = arith.muli %mul3A_39, %scan3A_36 : i32
      %add3A_41 = arith.constant 1 : i32
      %add3A_42 = arith.addi %mul3A_40, %add3A_41 : i32
      %mul3A_43 = arith.constant 512 : i32
      %mul3A_44 = arith.muli %add3A_42, %mul3A_43 : i32
      %add3A_45 = arith.addi %mul3A_2, %mul3A_44 : i32
      "tpu.region"() ({
        %run_scoped3A = tpu.sem_alloc : memref<!tpu.dma_semaphore, #tpu.memory_space<semaphore_mem>>
        %dma_start3A_143 = tpu.memref_slice %arg2[%add3A_45] : memref<425984xi32, #tpu.memory_space<hbm>> -> memref<512xi32, #tpu.memory_space<hbm>>
        %dma_start3A_144 = tpu.memref_slice %arg2[%add3A_45] : memref<425984xi32, #tpu.memory_space<hbm>> -> memref<512xi32, #tpu.memory_space<hbm>>
        tpu.enqueue_dma source(%dma_start3A_144 : memref<512xi32, #tpu.memory_space<hbm>>) target(%arg6 : memref<512xi32, #tpu.memory_space<vmem>>) target_semaphore(%run_scoped3A : memref<!tpu.dma_semaphore, #tpu.memory_space<semaphore_mem>>)
        %dma_wait3A_145 = tpu.memref_slice %arg2[%add3A_45] : memref<425984xi32, #tpu.memory_space<hbm>> -> memref<512xi32, #tpu.memory_space<hbm>>
        %dma_wait3A_146 = tpu.memref_slice %arg2[%add3A_45] : memref<425984xi32, #tpu.memory_space<hbm>> -> memref<512xi32, #tpu.memory_space<hbm>>
        tpu.wait_dma2 semaphore(%run_scoped3A : memref<!tpu.dma_semaphore, #tpu.memory_space<semaphore_mem>>) src(%dma_wait3A_146 : memref<512xi32, #tpu.memory_space<hbm>>) dst(%arg6 : memref<512xi32, #tpu.memory_space<vmem>>)
        tpu.yield
      }) : () -> ()
      %dma_start3A_46 = arith.constant 0 : i32
      %dma_start3A_47 = arith.constant 0 : i32
      %dma_start3A_48 = tpu.memref_slice %arg8[%dma_start3A_46, %dma_start3A_47] : memref<512x64xf32, #tpu.memory_space<vmem>> -> memref<256x64xf32, #tpu.memory_space<vmem>>
      %dma_start3A_49 = arith.constant 0 : i32
      %dma_start3A_50 = tpu.memref_slice %arg6[%dma_start3A_49] : memref<512xi32, #tpu.memory_space<vmem>> -> memref<256xi32, #tpu.memory_space<vmem>>
      %dma_start3A_51 = arith.constant 0 : i32
      %dma_start3A_52 = arith.constant 0 : i32
      %dma_start3A_53 = tpu.memref_slice %arg3[%dma_start3A_51, %dma_start3A_52] : memref<1000000x64xf32, #tpu.memory_space<hbm>> -> memref<1000000x64xf32, #tpu.memory_space<hbm>>
      tpu.enqueue_indirect_dma source(%dma_start3A_53 : memref<1000000x64xf32, #tpu.memory_space<hbm>>) target(%dma_start3A_48 : memref<256x64xf32, #tpu.memory_space<vmem>>) offsets(%dma_start3A_50 : memref<256xi32, #tpu.memory_space<vmem>>) semaphore(%arg12 : memref<!tpu.dma_semaphore, #tpu.memory_space<semaphore_mem>>)
      %dma_start3A_54 = arith.constant 256 : i32
      %dma_start3A_55 = arith.constant 0 : i32
      %dma_start3A_56 = tpu.memref_slice %arg8[%dma_start3A_54, %dma_start3A_55] : memref<512x64xf32, #tpu.memory_space<vmem>> -> memref<256x64xf32, #tpu.memory_space<vmem>>
      %dma_start3A_57 = arith.constant 256 : i32
      %dma_start3A_58 = tpu.memref_slice %arg6[%dma_start3A_57] : memref<512xi32, #tpu.memory_space<vmem>> -> memref<256xi32, #tpu.memory_space<vmem>>
      %dma_start3A_59 = arith.constant 0 : i32
      %dma_start3A_60 = arith.constant 0 : i32
      %dma_start3A_61 = tpu.memref_slice %arg3[%dma_start3A_59, %dma_start3A_60] : memref<1000000x64xf32, #tpu.memory_space<hbm>> -> memref<1000000x64xf32, #tpu.memory_space<hbm>>
      tpu.enqueue_indirect_dma source(%dma_start3A_61 : memref<1000000x64xf32, #tpu.memory_space<hbm>>) target(%dma_start3A_56 : memref<256x64xf32, #tpu.memory_space<vmem>>) offsets(%dma_start3A_58 : memref<256xi32, #tpu.memory_space<vmem>>) semaphore(%arg12 : memref<!tpu.dma_semaphore, #tpu.memory_space<semaphore_mem>>)
      %gt3A = arith.constant 0 : i32
      %gt3A_62 = arith.cmpi sgt, %scan3A_36, %gt3A : i32
      %convert_element_type3A = arith.extui %gt3A_62 : i1 to i32
      %cond3A = arith.constant 0 : i32
      %cond3A_63 = arith.cmpi ne, %convert_element_type3A, %cond3A : i32
      scf.if %cond3A_63 {
        %sub3A = arith.constant 2 : i32
        %sub3A_143 = arith.subi %mul3A_38, %sub3A : i32
        %mul3A_144 = arith.constant 512 : i32
        %mul3A_145 = arith.muli %sub3A_143, %mul3A_144 : i32
        %mul3A_146 = arith.constant 64 : i32
        %mul3A_147 = arith.muli %mul3A_145, %mul3A_146 : i32
        %add3A_148 = arith.addi %mul3A_6, %mul3A_147 : i32
        %dma_wait3A_149 = tpu.memref_slice %arg4[%add3A_148] : memref<27262976xbf16, #tpu.memory_space<hbm>> -> memref<32768xbf16, #tpu.memory_space<hbm>>
        %dma_wait3A_150 = tpu.memref_slice %arg4[%add3A_148] : memref<27262976xbf16, #tpu.memory_space<hbm>> -> memref<32768xbf16, #tpu.memory_space<hbm>>
        tpu.wait_dma2 semaphore(%arg13 : memref<!tpu.dma_semaphore, #tpu.memory_space<semaphore_mem>>) src(%arg9 : memref<32768xbf16, #tpu.memory_space<vmem>>) dst(%dma_wait3A_150 : memref<32768xbf16, #tpu.memory_space<hbm>>)
      } else {
      }
      %dma_wait3A_64 = arith.constant 0 : i32
      %dma_wait3A_65 = arith.constant 0 : i32
      %dma_wait3A_66 = tpu.memref_slice %arg7[%dma_wait3A_64, %dma_wait3A_65] : memref<512x64xf32, #tpu.memory_space<vmem>> -> memref<256x64xf32, #tpu.memory_space<vmem>>
      %dma_wait3A_67 = arith.constant 0 : i32
      %dma_wait3A_68 = tpu.memref_slice %arg5[%dma_wait3A_67] : memref<512xi32, #tpu.memory_space<vmem>> -> memref<256xi32, #tpu.memory_space<vmem>>
      %dma_wait3A_69 = arith.constant 0 : i32
      %dma_wait3A_70 = arith.constant 0 : i32
      %dma_wait3A_71 = tpu.memref_slice %arg3[%dma_wait3A_69, %dma_wait3A_70] : memref<1000000x64xf32, #tpu.memory_space<hbm>> -> memref<1000000x64xf32, #tpu.memory_space<hbm>>
      tpu.wait_indirect_dma semaphore(%arg11 : memref<!tpu.dma_semaphore, #tpu.memory_space<semaphore_mem>>) src(%dma_wait3A_71 : memref<1000000x64xf32, #tpu.memory_space<hbm>>) dst(%dma_wait3A_66 : memref<256x64xf32, #tpu.memory_space<vmem>>)
      %scan3A_72 = arith.constant 0 : i32
      %scan3A_73 = arith.constant 0 : i32
      %scan3A_74 = arith.constant 32 : i32
      %scan3A_75 = arith.addi %scan3A_73, %scan3A_74 : i32
      %scan3A_76 = arith.constant 1 : i32
      scf.for %scan3A_143 = %scan3A_73 to %scan3A_75 step %scan3A_76  : i32 {
        %mul3A_144 = arith.constant 8 : i32
        %mul3A_145 = arith.muli %scan3A_143, %mul3A_144 : i32
        %add3A_146 = arith.constant 0 : i32
        %add3A_147 = arith.addi %add3A_146, %mul3A_145 : i32
        %add3A_148 = arith.constant 0 : i32
        %add3A_149 = arith.addi %add3A_147, %add3A_148 : i32
        %broadcast_in_dim3A = vector.broadcast %add3A_149 : i32 to vector<16xi32>
        %mul3A_150 = arith.constant 2 : i32
        %mul3A_151 = vector.broadcast %mul3A_150 : i32 to vector<16xi32>
        %mul3A_152 = arith.muli %mul3A_151, %iota3A : vector<16xi32>
        %add3A_153 = arith.constant 0 : i32
        %add3A_154 = vector.broadcast %add3A_153 : i32 to vector<16xi32>
        %add3A_155 = arith.addi %add3A_154, %mul3A_152 : vector<16xi32>
        %gather3A = tpu.vector_load_idx %arg7[%broadcast_in_dim3A, %add3A_155] : memref<512x64xf32, #tpu.memory_space<vmem>>[vector<16xi32>, vector<16xi32>], vector<16xf32>,
        %mul3A_156 = arith.constant 2 : i32
        %mul3A_157 = vector.broadcast %mul3A_156 : i32 to vector<16xi32>
        %mul3A_158 = arith.muli %mul3A_157, %iota3A : vector<16xi32>
        %add3A_159 = arith.constant 0 : i32
        %add3A_160 = vector.broadcast %add3A_159 : i32 to vector<16xi32>
        %add3A_161 = arith.addi %add3A_160, %mul3A_158 : vector<16xi32>
        %add3A_162 = arith.constant 1 : i32
        %add3A_163 = vector.broadcast %add3A_162 : i32 to vector<16xi32>
        %add3A_164 = arith.addi %add3A_161, %add3A_163 : vector<16xi32>
        %gather3A_165 = tpu.vector_load_idx %arg7[%broadcast_in_dim3A, %add3A_164] : memref<512x64xf32, #tpu.memory_space<vmem>>[vector<16xi32>, vector<16xi32>], vector<16xf32>,
        %pack3A = tpu.pack_subelements %gather3A, %gather3A_165 {pack_format = #tpu.pack_format<interleaved>, positions = array<i32: 0, 1>} : vector<16xf32>, vector<16xf32> -> vector<32xbf16>
        %mul3A_166 = arith.constant 512 : i32
        %mul3A_167 = arith.muli %scan3A_143, %mul3A_166 : i32
        %add3A_168 = arith.constant 0 : i32
        %add3A_169 = arith.addi %add3A_168, %mul3A_167 : i32
        %add3A_170 = arith.constant 0 : i32
        %add3A_171 = arith.addi %add3A_169, %add3A_170 : i32
        %swap3A = arith.index_cast %add3A_171 : i32 to index
        %swap3A_172 = tpu.vector_load %arg9[%swap3A] {strides = array<i32>} : memref<32768xbf16, #tpu.memory_space<vmem>>, vector<32xbf16>,
        tpu.vector_store %arg9[%swap3A], %pack3A {strides = array<i32>} : memref<32768xbf16, #tpu.memory_space<vmem>>, vector<32xbf16>,
        %mul3A_173 = arith.constant 8 : i32
        %mul3A_174 = arith.muli %scan3A_143, %mul3A_173 : i32
        %add3A_175 = arith.constant 0 : i32
        %add3A_176 = arith.addi %add3A_175, %mul3A_174 : i32
        %add3A_177 = arith.constant 0 : i32
        %add3A_178 = arith.addi %add3A_176, %add3A_177 : i32
        %broadcast_in_dim3A_179 = vector.broadcast %add3A_178 : i32 to vector<16xi32>
        %mul3A_180 = arith.constant 2 : i32
        %mul3A_181 = vector.broadcast %mul3A_180 : i32 to vector<16xi32>
        %mul3A_182 = arith.muli %mul3A_181, %iota3A : vector<16xi32>
        %add3A_183 = arith.constant 32 : i32
        %add3A_184 = vector.broadcast %add3A_183 : i32 to vector<16xi32>
        %add3A_185 = arith.addi %add3A_184, %mul3A_182 : vector<16xi32>
        %gather3A_186 = tpu.vector_load_idx %arg7[%broadcast_in_dim3A_179, %add3A_185] : memref<512x64xf32, #tpu.memory_space<vmem>>[vector<16xi32>, vector<16xi32>], vector<16xf32>,
        %mul3A_187 = arith.constant 2 : i32
        %mul3A_188 = vector.broadcast %mul3A_187 : i32 to vector<16xi32>
        %mul3A_189 = arith.muli %mul3A_188, %iota3A : vector<16xi32>
        %add3A_190 = arith.constant 32 : i32
        %add3A_191 = vector.broadcast %add3A_190 : i32 to vector<16xi32>
        %add3A_192 = arith.addi %add3A_191, %mul3A_189 : vector<16xi32>
        %add3A_193 = arith.constant 1 : i32
        %add3A_194 = vector.broadcast %add3A_193 : i32 to vector<16xi32>
        %add3A_195 = arith.addi %add3A_192, %add3A_194 : vector<16xi32>
        %gather3A_196 = tpu.vector_load_idx %arg7[%broadcast_in_dim3A_179, %add3A_195] : memref<512x64xf32, #tpu.memory_space<vmem>>[vector<16xi32>, vector<16xi32>], vector<16xf32>,
        %pack3A_197 = tpu.pack_subelements %gather3A_186, %gather3A_196 {pack_format = #tpu.pack_format<interleaved>, positions = array<i32: 0, 1>} : vector<16xf32>, vector<16xf32> -> vector<32xbf16>
        %mul3A_198 = arith.constant 512 : i32
        %mul3A_199 = arith.muli %scan3A_143, %mul3A_198 : i32
        %add3A_200 = arith.constant 0 : i32
        %add3A_201 = arith.addi %add3A_200, %mul3A_199 : i32
        %add3A_202 = arith.constant 32 : i32
        %add3A_203 = arith.addi %add3A_201, %add3A_202 : i32
        %swap3A_204 = arith.index_cast %add3A_203 : i32 to index
        %swap3A_205 = tpu.vector_load %arg9[%swap3A_204] {strides = array<i32>} : memref<32768xbf16, #tpu.memory_space<vmem>>, vector<32xbf16>,
        tpu.vector_store %arg9[%swap3A_204], %pack3A_197 {strides = array<i32>} : memref<32768xbf16, #tpu.memory_space<vmem>>, vector<32xbf16>,
        %mul3A_206 = arith.constant 8 : i32
        %mul3A_207 = arith.muli %scan3A_143, %mul3A_206 : i32
        %add3A_208 = arith.constant 0 : i32
        %add3A_209 = arith.addi %add3A_208, %mul3A_207 : i32
        %add3A_210 = arith.constant 1 : i32
        %add3A_211 = arith.addi %add3A_209, %add3A_210 : i32
        %broadcast_in_dim3A_212 = vector.broadcast %add3A_211 : i32 to vector<16xi32>
        %mul3A_213 = arith.constant 2 : i32
        %mul3A_214 = vector.broadcast %mul3A_213 : i32 to vector<16xi32>
        %mul3A_215 = arith.muli %mul3A_214, %iota3A : vector<16xi32>
        %add3A_216 = arith.constant 0 : i32
        %add3A_217 = vector.broadcast %add3A_216 : i32 to vector<16xi32>
        %add3A_218 = arith.addi %add3A_217, %mul3A_215 : vector<16xi32>
        %gather3A_219 = tpu.vector_load_idx %arg7[%broadcast_in_dim3A_212, %add3A_218] : memref<512x64xf32, #tpu.memory_space<vmem>>[vector<16xi32>, vector<16xi32>], vector<16xf32>,
        %mul3A_220 = arith.constant 2 : i32
        %mul3A_221 = vector.broadcast %mul3A_220 : i32 to vector<16xi32>
        %mul3A_222 = arith.muli %mul3A_221, %iota3A : vector<16xi32>
        %add3A_223 = arith.constant 0 : i32
        %add3A_224 = vector.broadcast %add3A_223 : i32 to vector<16xi32>
        %add3A_225 = arith.addi %add3A_224, %mul3A_222 : vector<16xi32>
        %add3A_226 = arith.constant 1 : i32
        %add3A_227 = vector.broadcast %add3A_226 : i32 to vector<16xi32>
        %add3A_228 = arith.addi %add3A_225, %add3A_227 : vector<16xi32>
        %gather3A_229 = tpu.vector_load_idx %arg7[%broadcast_in_dim3A_212, %add3A_228] : memref<512x64xf32, #tpu.memory_space<vmem>>[vector<16xi32>, vector<16xi32>], vector<16xf32>,
        %pack3A_230 = tpu.pack_subelements %gather3A_219, %gather3A_229 {pack_format = #tpu.pack_format<interleaved>, positions = array<i32: 0, 1>} : vector<16xf32>, vector<16xf32> -> vector<32xbf16>
        %mul3A_231 = arith.constant 512 : i32
        %mul3A_232 = arith.muli %scan3A_143, %mul3A_231 : i32
        %add3A_233 = arith.constant 0 : i32
        %add3A_234 = arith.addi %add3A_233, %mul3A_232 : i32
        %add3A_235 = arith.constant 64 : i32
        %add3A_236 = arith.addi %add3A_234, %add3A_235 : i32
        %swap3A_237 = arith.index_cast %add3A_236 : i32 to index
        %swap3A_238 = tpu.vector_load %arg9[%swap3A_237] {strides = array<i32>} : memref<32768xbf16, #tpu.memory_space<vmem>>, vector<32xbf16>,
        tpu.vector_store %arg9[%swap3A_237], %pack3A_230 {strides = array<i32>} : memref<32768xbf16, #tpu.memory_space<vmem>>, vector<32xbf16>,
        %mul3A_239 = arith.constant 8 : i32
        %mul3A_240 = arith.muli %scan3A_143, %mul3A_239 : i32
        %add3A_241 = arith.constant 0 : i32
        %add3A_242 = arith.addi %add3A_241, %mul3A_240 : i32
        %add3A_243 = arith.constant 1 : i32
        %add3A_244 = arith.addi %add3A_242, %add3A_243 : i32
        %broadcast_in_dim3A_245 = vector.broadcast %add3A_244 : i32 to vector<16xi32>
        %mul3A_246 = arith.constant 2 : i32
        %mul3A_247 = vector.broadcast %mul3A_246 : i32 to vector<16xi32>
        %mul3A_248 = arith.muli %mul3A_247, %iota3A : vector<16xi32>
        %add3A_249 = arith.constant 32 : i32
        %add3A_250 = vector.broadcast %add3A_249 : i32 to vector<16xi32>
        %add3A_251 = arith.addi %add3A_250, %mul3A_248 : vector<16xi32>
        %gather3A_252 = tpu.vector_load_idx %arg7[%broadcast_in_dim3A_245, %add3A_251] : memref<512x64xf32, #tpu.memory_space<vmem>>[vector<16xi32>, vector<16xi32>], vector<16xf32>,
        %mul3A_253 = arith.constant 2 : i32
        %mul3A_254 = vector.broadcast %mul3A_253 : i32 to vector<16xi32>
        %mul3A_255 = arith.muli %mul3A_254, %iota3A : vector<16xi32>
        %add3A_256 = arith.constant 32 : i32
        %add3A_257 = vector.broadcast %add3A_256 : i32 to vector<16xi32>
        %add3A_258 = arith.addi %add3A_257, %mul3A_255 : vector<16xi32>
        %add3A_259 = arith.constant 1 : i32
        %add3A_260 = vector.broadcast %add3A_259 : i32 to vector<16xi32>
        %add3A_261 = arith.addi %add3A_258, %add3A_260 : vector<16xi32>
        %gather3A_262 = tpu.vector_load_idx %arg7[%broadcast_in_dim3A_245, %add3A_261] : memref<512x64xf32, #tpu.memory_space<vmem>>[vector<16xi32>, vector<16xi32>], vector<16xf32>,
        %pack3A_263 = tpu.pack_subelements %gather3A_252, %gather3A_262 {pack_format = #tpu.pack_format<interleaved>, positions = array<i32: 0, 1>} : vector<16xf32>, vector<16xf32> -> vector<32xbf16>
        %mul3A_264 = arith.constant 512 : i32
        %mul3A_265 = arith.muli %scan3A_143, %mul3A_264 : i32
        %add3A_266 = arith.constant 0 : i32
        %add3A_267 = arith.addi %add3A_266, %mul3A_265 : i32
        %add3A_268 = arith.constant 96 : i32
        %add3A_269 = arith.addi %add3A_267, %add3A_268 : i32
        %swap3A_270 = arith.index_cast %add3A_269 : i32 to index
        %swap3A_271 = tpu.vector_load %arg9[%swap3A_270] {strides = array<i32>} : memref<32768xbf16, #tpu.memory_space<vmem>>, vector<32xbf16>,
        tpu.vector_store %arg9[%swap3A_270], %pack3A_263 {strides = array<i32>} : memref<32768xbf16, #tpu.memory_space<vmem>>, vector<32xbf16>,
        %mul3A_272 = arith.constant 8 : i32
        %mul3A_273 = arith.muli %scan3A_143, %mul3A_272 : i32
        %add3A_274 = arith.constant 0 : i32
        %add3A_275 = arith.addi %add3A_274, %mul3A_273 : i32
        %add3A_276 = arith.constant 2 : i32
        %add3A_277 = arith.addi %add3A_275, %add3A_276 : i32
        %broadcast_in_dim3A_278 = vector.broadcast %add3A_277 : i32 to vector<16xi32>
        %mul3A_279 = arith.constant 2 : i32
        %mul3A_280 = vector.broadcast %mul3A_279 : i32 to vector<16xi32>
        %mul3A_281 = arith.muli %mul3A_280, %iota3A : vector<16xi32>
        %add3A_282 = arith.constant 0 : i32
        %add3A_283 = vector.broadcast %add3A_282 : i32 to vector<16xi32>
        %add3A_284 = arith.addi %add3A_283, %mul3A_281 : vector<16xi32>
        %gather3A_285 = tpu.vector_load_idx %arg7[%broadcast_in_dim3A_278, %add3A_284] : memref<512x64xf32, #tpu.memory_space<vmem>>[vector<16xi32>, vector<16xi32>], vector<16xf32>,
        %mul3A_286 = arith.constant 2 : i32
        %mul3A_287 = vector.broadcast %mul3A_286 : i32 to vector<16xi32>
        %mul3A_288 = arith.muli %mul3A_287, %iota3A : vector<16xi32>
        %add3A_289 = arith.constant 0 : i32
        %add3A_290 = vector.broadcast %add3A_289 : i32 to vector<16xi32>
        %add3A_291 = arith.addi %add3A_290, %mul3A_288 : vector<16xi32>
        %add3A_292 = arith.constant 1 : i32
        %add3A_293 = vector.broadcast %add3A_292 : i32 to vector<16xi32>
        %add3A_294 = arith.addi %add3A_291, %add3A_293 : vector<16xi32>
        %gather3A_295 = tpu.vector_load_idx %arg7[%broadcast_in_dim3A_278, %add3A_294] : memref<512x64xf32, #tpu.memory_space<vmem>>[vector<16xi32>, vector<16xi32>], vector<16xf32>,
        %pack3A_296 = tpu.pack_subelements %gather3A_285, %gather3A_295 {pack_format = #tpu.pack_format<interleaved>, positions = array<i32: 0, 1>} : vector<16xf32>, vector<16xf32> -> vector<32xbf16>
        %mul3A_297 = arith.constant 512 : i32
        %mul3A_298 = arith.muli %scan3A_143, %mul3A_297 : i32
        %add3A_299 = arith.constant 0 : i32
        %add3A_300 = arith.addi %add3A_299, %mul3A_298 : i32
        %add3A_301 = arith.constant 128 : i32
        %add3A_302 = arith.addi %add3A_300, %add3A_301 : i32
        %swap3A_303 = arith.index_cast %add3A_302 : i32 to index
        %swap3A_304 = tpu.vector_load %arg9[%swap3A_303] {strides = array<i32>} : memref<32768xbf16, #tpu.memory_space<vmem>>, vector<32xbf16>,
        tpu.vector_store %arg9[%swap3A_303], %pack3A_296 {strides = array<i32>} : memref<32768xbf16, #tpu.memory_space<vmem>>, vector<32xbf16>,
        %mul3A_305 = arith.constant 8 : i32
        %mul3A_306 = arith.muli %scan3A_143, %mul3A_305 : i32
        %add3A_307 = arith.constant 0 : i32
        %add3A_308 = arith.addi %add3A_307, %mul3A_306 : i32
        %add3A_309 = arith.constant 2 : i32
        %add3A_310 = arith.addi %add3A_308, %add3A_309 : i32
        %broadcast_in_dim3A_311 = vector.broadcast %add3A_310 : i32 to vector<16xi32>
        %mul3A_312 = arith.constant 2 : i32
        %mul3A_313 = vector.broadcast %mul3A_312 : i32 to vector<16xi32>
        %mul3A_314 = arith.muli %mul3A_313, %iota3A : vector<16xi32>
        %add3A_315 = arith.constant 32 : i32
        %add3A_316 = vector.broadcast %add3A_315 : i32 to vector<16xi32>
        %add3A_317 = arith.addi %add3A_316, %mul3A_314 : vector<16xi32>
        %gather3A_318 = tpu.vector_load_idx %arg7[%broadcast_in_dim3A_311, %add3A_317] : memref<512x64xf32, #tpu.memory_space<vmem>>[vector<16xi32>, vector<16xi32>], vector<16xf32>,
        %mul3A_319 = arith.constant 2 : i32
        %mul3A_320 = vector.broadcast %mul3A_319 : i32 to vector<16xi32>
        %mul3A_321 = arith.muli %mul3A_320, %iota3A : vector<16xi32>
        %add3A_322 = arith.constant 32 : i32
        %add3A_323 = vector.broadcast %add3A_322 : i32 to vector<16xi32>
        %add3A_324 = arith.addi %add3A_323, %mul3A_321 : vector<16xi32>
        %add3A_325 = arith.constant 1 : i32
        %add3A_326 = vector.broadcast %add3A_325 : i32 to vector<16xi32>
        %add3A_327 = arith.addi %add3A_324, %add3A_326 : vector<16xi32>
        %gather3A_328 = tpu.vector_load_idx %arg7[%broadcast_in_dim3A_311, %add3A_327] : memref<512x64xf32, #tpu.memory_space<vmem>>[vector<16xi32>, vector<16xi32>], vector<16xf32>,
        %pack3A_329 = tpu.pack_subelements %gather3A_318, %gather3A_328 {pack_format = #tpu.pack_format<interleaved>, positions = array<i32: 0, 1>} : vector<16xf32>, vector<16xf32> -> vector<32xbf16>
        %mul3A_330 = arith.constant 512 : i32
        %mul3A_331 = arith.muli %scan3A_143, %mul3A_330 : i32
        %add3A_332 = arith.constant 0 : i32
        %add3A_333 = arith.addi %add3A_332, %mul3A_331 : i32
        %add3A_334 = arith.constant 160 : i32
        %add3A_335 = arith.addi %add3A_333, %add3A_334 : i32
        %swap3A_336 = arith.index_cast %add3A_335 : i32 to index
        %swap3A_337 = tpu.vector_load %arg9[%swap3A_336] {strides = array<i32>} : memref<32768xbf16, #tpu.memory_space<vmem>>, vector<32xbf16>,
        tpu.vector_store %arg9[%swap3A_336], %pack3A_329 {strides = array<i32>} : memref<32768xbf16, #tpu.memory_space<vmem>>, vector<32xbf16>,
        %mul3A_338 = arith.constant 8 : i32
        %mul3A_339 = arith.muli %scan3A_143, %mul3A_338 : i32
        %add3A_340 = arith.constant 0 : i32
        %add3A_341 = arith.addi %add3A_340, %mul3A_339 : i32
        %add3A_342 = arith.constant 3 : i32
        %add3A_343 = arith.addi %add3A_341, %add3A_342 : i32
        %broadcast_in_dim3A_344 = vector.broadcast %add3A_343 : i32 to vector<16xi32>
        %mul3A_345 = arith.constant 2 : i32
        %mul3A_346 = vector.broadcast %mul3A_345 : i32 to vector<16xi32>
        %mul3A_347 = arith.muli %mul3A_346, %iota3A : vector<16xi32>
        %add3A_348 = arith.constant 0 : i32
        %add3A_349 = vector.broadcast %add3A_348 : i32 to vector<16xi32>
        %add3A_350 = arith.addi %add3A_349, %mul3A_347 : vector<16xi32>
        %gather3A_351 = tpu.vector_load_idx %arg7[%broadcast_in_dim3A_344, %add3A_350] : memref<512x64xf32, #tpu.memory_space<vmem>>[vector<16xi32>, vector<16xi32>], vector<16xf32>,
        %mul3A_352 = arith.constant 2 : i32
        %mul3A_353 = vector.broadcast %mul3A_352 : i32 to vector<16xi32>
        %mul3A_354 = arith.muli %mul3A_353, %iota3A : vector<16xi32>
        %add3A_355 = arith.constant 0 : i32
        %add3A_356 = vector.broadcast %add3A_355 : i32 to vector<16xi32>
        %add3A_357 = arith.addi %add3A_356, %mul3A_354 : vector<16xi32>
        %add3A_358 = arith.constant 1 : i32
        %add3A_359 = vector.broadcast %add3A_358 : i32 to vector<16xi32>
        %add3A_360 = arith.addi %add3A_357, %add3A_359 : vector<16xi32>
        %gather3A_361 = tpu.vector_load_idx %arg7[%broadcast_in_dim3A_344, %add3A_360] : memref<512x64xf32, #tpu.memory_space<vmem>>[vector<16xi32>, vector<16xi32>], vector<16xf32>,
        %pack3A_362 = tpu.pack_subelements %gather3A_351, %gather3A_361 {pack_format = #tpu.pack_format<interleaved>, positions = array<i32: 0, 1>} : vector<16xf32>, vector<16xf32> -> vector<32xbf16>
        %mul3A_363 = arith.constant 512 : i32
        %mul3A_364 = arith.muli %scan3A_143, %mul3A_363 : i32
        %add3A_365 = arith.constant 0 : i32
        %add3A_366 = arith.addi %add3A_365, %mul3A_364 : i32
        %add3A_367 = arith.constant 192 : i32
        %add3A_368 = arith.addi %add3A_366, %add3A_367 : i32
        %swap3A_369 = arith.index_cast %add3A_368 : i32 to index
        %swap3A_370 = tpu.vector_load %arg9[%swap3A_369] {strides = array<i32>} : memref<32768xbf16, #tpu.memory_space<vmem>>, vector<32xbf16>,
        tpu.vector_store %arg9[%swap3A_369], %pack3A_362 {strides = array<i32>} : memref<32768xbf16, #tpu.memory_space<vmem>>, vector<32xbf16>,
        %mul3A_371 = arith.constant 8 : i32
        %mul3A_372 = arith.muli %scan3A_143, %mul3A_371 : i32
        %add3A_373 = arith.constant 0 : i32
        %add3A_374 = arith.addi %add3A_373, %mul3A_372 : i32
        %add3A_375 = arith.constant 3 : i32
        %add3A_376 = arith.addi %add3A_374, %add3A_375 : i32
        %broadcast_in_dim3A_377 = vector.broadcast %add3A_376 : i32 to vector<16xi32>
        %mul3A_378 = arith.constant 2 : i32
        %mul3A_379 = vector.broadcast %mul3A_378 : i32 to vector<16xi32>
        %mul3A_380 = arith.muli %mul3A_379, %iota3A : vector<16xi32>
        %add3A_381 = arith.constant 32 : i32
        %add3A_382 = vector.broadcast %add3A_381 : i32 to vector<16xi32>
        %add3A_383 = arith.addi %add3A_382, %mul3A_380 : vector<16xi32>
        %gather3A_384 = tpu.vector_load_idx %arg7[%broadcast_in_dim3A_377, %add3A_383] : memref<512x64xf32, #tpu.memory_space<vmem>>[vector<16xi32>, vector<16xi32>], vector<16xf32>,
        %mul3A_385 = arith.constant 2 : i32
        %mul3A_386 = vector.broadcast %mul3A_385 : i32 to vector<16xi32>
        %mul3A_387 = arith.muli %mul3A_386, %iota3A : vector<16xi32>
        %add3A_388 = arith.constant 32 : i32
        %add3A_389 = vector.broadcast %add3A_388 : i32 to vector<16xi32>
        %add3A_390 = arith.addi %add3A_389, %mul3A_387 : vector<16xi32>
        %add3A_391 = arith.constant 1 : i32
        %add3A_392 = vector.broadcast %add3A_391 : i32 to vector<16xi32>
        %add3A_393 = arith.addi %add3A_390, %add3A_392 : vector<16xi32>
        %gather3A_394 = tpu.vector_load_idx %arg7[%broadcast_in_dim3A_377, %add3A_393] : memref<512x64xf32, #tpu.memory_space<vmem>>[vector<16xi32>, vector<16xi32>], vector<16xf32>,
        %pack3A_395 = tpu.pack_subelements %gather3A_384, %gather3A_394 {pack_format = #tpu.pack_format<interleaved>, positions = array<i32: 0, 1>} : vector<16xf32>, vector<16xf32> -> vector<32xbf16>
        %mul3A_396 = arith.constant 512 : i32
        %mul3A_397 = arith.muli %scan3A_143, %mul3A_396 : i32
        %add3A_398 = arith.constant 0 : i32
        %add3A_399 = arith.addi %add3A_398, %mul3A_397 : i32
        %add3A_400 = arith.constant 224 : i32
        %add3A_401 = arith.addi %add3A_399, %add3A_400 : i32
        %swap3A_402 = arith.index_cast %add3A_401 : i32 to index
        %swap3A_403 = tpu.vector_load %arg9[%swap3A_402] {strides = array<i32>} : memref<32768xbf16, #tpu.memory_space<vmem>>, vector<32xbf16>,
        tpu.vector_store %arg9[%swap3A_402], %pack3A_395 {strides = array<i32>} : memref<32768xbf16, #tpu.memory_space<vmem>>, vector<32xbf16>,
        %mul3A_404 = arith.constant 8 : i32
        %mul3A_405 = arith.muli %scan3A_143, %mul3A_404 : i32
        %add3A_406 = arith.constant 0 : i32
        %add3A_407 = arith.addi %add3A_406, %mul3A_405 : i32
        %add3A_408 = arith.constant 4 : i32
        %add3A_409 = arith.addi %add3A_407, %add3A_408 : i32
        %broadcast_in_dim3A_410 = vector.broadcast %add3A_409 : i32 to vector<16xi32>
        %mul3A_411 = arith.constant 2 : i32
        %mul3A_412 = vector.broadcast %mul3A_411 : i32 to vector<16xi32>
        %mul3A_413 = arith.muli %mul3A_412, %iota3A : vector<16xi32>
        %add3A_414 = arith.constant 0 : i32
        %add3A_415 = vector.broadcast %add3A_414 : i32 to vector<16xi32>
        %add3A_416 = arith.addi %add3A_415, %mul3A_413 : vector<16xi32>
        %gather3A_417 = tpu.vector_load_idx %arg7[%broadcast_in_dim3A_410, %add3A_416] : memref<512x64xf32, #tpu.memory_space<vmem>>[vector<16xi32>, vector<16xi32>], vector<16xf32>,
        %mul3A_418 = arith.constant 2 : i32
        %mul3A_419 = vector.broadcast %mul3A_418 : i32 to vector<16xi32>
        %mul3A_420 = arith.muli %mul3A_419, %iota3A : vector<16xi32>
        %add3A_421 = arith.constant 0 : i32
        %add3A_422 = vector.broadcast %add3A_421 : i32 to vector<16xi32>
        %add3A_423 = arith.addi %add3A_422, %mul3A_420 : vector<16xi32>
        %add3A_424 = arith.constant 1 : i32
        %add3A_425 = vector.broadcast %add3A_424 : i32 to vector<16xi32>
        %add3A_426 = arith.addi %add3A_423, %add3A_425 : vector<16xi32>
        %gather3A_427 = tpu.vector_load_idx %arg7[%broadcast_in_dim3A_410, %add3A_426] : memref<512x64xf32, #tpu.memory_space<vmem>>[vector<16xi32>, vector<16xi32>], vector<16xf32>,
        %pack3A_428 = tpu.pack_subelements %gather3A_417, %gather3A_427 {pack_format = #tpu.pack_format<interleaved>, positions = array<i32: 0, 1>} : vector<16xf32>, vector<16xf32> -> vector<32xbf16>
        %mul3A_429 = arith.constant 512 : i32
        %mul3A_430 = arith.muli %scan3A_143, %mul3A_429 : i32
        %add3A_431 = arith.constant 0 : i32
        %add3A_432 = arith.addi %add3A_431, %mul3A_430 : i32
        %add3A_433 = arith.constant 256 : i32
        %add3A_434 = arith.addi %add3A_432, %add3A_433 : i32
        %swap3A_435 = arith.index_cast %add3A_434 : i32 to index
        %swap3A_436 = tpu.vector_load %arg9[%swap3A_435] {strides = array<i32>} : memref<32768xbf16, #tpu.memory_space<vmem>>, vector<32xbf16>,
        tpu.vector_store %arg9[%swap3A_435], %pack3A_428 {strides = array<i32>} : memref<32768xbf16, #tpu.memory_space<vmem>>, vector<32xbf16>,
        %mul3A_437 = arith.constant 8 : i32
        %mul3A_438 = arith.muli %scan3A_143, %mul3A_437 : i32
        %add3A_439 = arith.constant 0 : i32
        %add3A_440 = arith.addi %add3A_439, %mul3A_438 : i32
        %add3A_441 = arith.constant 4 : i32
        %add3A_442 = arith.addi %add3A_440, %add3A_441 : i32
        %broadcast_in_dim3A_443 = vector.broadcast %add3A_442 : i32 to vector<16xi32>
        %mul3A_444 = arith.constant 2 : i32
        %mul3A_445 = vector.broadcast %mul3A_444 : i32 to vector<16xi32>
        %mul3A_446 = arith.muli %mul3A_445, %iota3A : vector<16xi32>
        %add3A_447 = arith.constant 32 : i32
        %add3A_448 = vector.broadcast %add3A_447 : i32 to vector<16xi32>
        %add3A_449 = arith.addi %add3A_448, %mul3A_446 : vector<16xi32>
        %gather3A_450 = tpu.vector_load_idx %arg7[%broadcast_in_dim3A_443, %add3A_449] : memref<512x64xf32, #tpu.memory_space<vmem>>[vector<16xi32>, vector<16xi32>], vector<16xf32>,
        %mul3A_451 = arith.constant 2 : i32
        %mul3A_452 = vector.broadcast %mul3A_451 : i32 to vector<16xi32>
        %mul3A_453 = arith.muli %mul3A_452, %iota3A : vector<16xi32>
        %add3A_454 = arith.constant 32 : i32
        %add3A_455 = vector.broadcast %add3A_454 : i32 to vector<16xi32>
        %add3A_456 = arith.addi %add3A_455, %mul3A_453 : vector<16xi32>
        %add3A_457 = arith.constant 1 : i32
        %add3A_458 = vector.broadcast %add3A_457 : i32 to vector<16xi32>
        %add3A_459 = arith.addi %add3A_456, %add3A_458 : vector<16xi32>
        %gather3A_460 = tpu.vector_load_idx %arg7[%broadcast_in_dim3A_443, %add3A_459] : memref<512x64xf32, #tpu.memory_space<vmem>>[vector<16xi32>, vector<16xi32>], vector<16xf32>,
        %pack3A_461 = tpu.pack_subelements %gather3A_450, %gather3A_460 {pack_format = #tpu.pack_format<interleaved>, positions = array<i32: 0, 1>} : vector<16xf32>, vector<16xf32> -> vector<32xbf16>
        %mul3A_462 = arith.constant 512 : i32
        %mul3A_463 = arith.muli %scan3A_143, %mul3A_462 : i32
        %add3A_464 = arith.constant 0 : i32
        %add3A_465 = arith.addi %add3A_464, %mul3A_463 : i32
        %add3A_466 = arith.constant 288 : i32
        %add3A_467 = arith.addi %add3A_465, %add3A_466 : i32
        %swap3A_468 = arith.index_cast %add3A_467 : i32 to index
        %swap3A_469 = tpu.vector_load %arg9[%swap3A_468] {strides = array<i32>} : memref<32768xbf16, #tpu.memory_space<vmem>>, vector<32xbf16>,
        tpu.vector_store %arg9[%swap3A_468], %pack3A_461 {strides = array<i32>} : memref<32768xbf16, #tpu.memory_space<vmem>>, vector<32xbf16>,
        %mul3A_470 = arith.constant 8 : i32
        %mul3A_471 = arith.muli %scan3A_143, %mul3A_470 : i32
        %add3A_472 = arith.constant 0 : i32
        %add3A_473 = arith.addi %add3A_472, %mul3A_471 : i32
        %add3A_474 = arith.constant 5 : i32
        %add3A_475 = arith.addi %add3A_473, %add3A_474 : i32
        %broadcast_in_dim3A_476 = vector.broadcast %add3A_475 : i32 to vector<16xi32>
        %mul3A_477 = arith.constant 2 : i32
        %mul3A_478 = vector.broadcast %mul3A_477 : i32 to vector<16xi32>
        %mul3A_479 = arith.muli %mul3A_478, %iota3A : vector<16xi32>
        %add3A_480 = arith.constant 0 : i32
        %add3A_481 = vector.broadcast %add3A_480 : i32 to vector<16xi32>
        %add3A_482 = arith.addi %add3A_481, %mul3A_479 : vector<16xi32>
        %gather3A_483 = tpu.vector_load_idx %arg7[%broadcast_in_dim3A_476, %add3A_482] : memref<512x64xf32, #tpu.memory_space<vmem>>[vector<16xi32>, vector<16xi32>], vector<16xf32>,
        %mul3A_484 = arith.constant 2 : i32
        %mul3A_485 = vector.broadcast %mul3A_484 : i32 to vector<16xi32>
        %mul3A_486 = arith.muli %mul3A_485, %iota3A : vector<16xi32>
        %add3A_487 = arith.constant 0 : i32
        %add3A_488 = vector.broadcast %add3A_487 : i32 to vector<16xi32>
        %add3A_489 = arith.addi %add3A_488, %mul3A_486 : vector<16xi32>
        %add3A_490 = arith.constant 1 : i32
        %add3A_491 = vector.broadcast %add3A_490 : i32 to vector<16xi32>
        %add3A_492 = arith.addi %add3A_489, %add3A_491 : vector<16xi32>
        %gather3A_493 = tpu.vector_load_idx %arg7[%broadcast_in_dim3A_476, %add3A_492] : memref<512x64xf32, #tpu.memory_space<vmem>>[vector<16xi32>, vector<16xi32>], vector<16xf32>,
        %pack3A_494 = tpu.pack_subelements %gather3A_483, %gather3A_493 {pack_format = #tpu.pack_format<interleaved>, positions = array<i32: 0, 1>} : vector<16xf32>, vector<16xf32> -> vector<32xbf16>
        %mul3A_495 = arith.constant 512 : i32
        %mul3A_496 = arith.muli %scan3A_143, %mul3A_495 : i32
        %add3A_497 = arith.constant 0 : i32
        %add3A_498 = arith.addi %add3A_497, %mul3A_496 : i32
        %add3A_499 = arith.constant 320 : i32
        %add3A_500 = arith.addi %add3A_498, %add3A_499 : i32
        %swap3A_501 = arith.index_cast %add3A_500 : i32 to index
        %swap3A_502 = tpu.vector_load %arg9[%swap3A_501] {strides = array<i32>} : memref<32768xbf16, #tpu.memory_space<vmem>>, vector<32xbf16>,
        tpu.vector_store %arg9[%swap3A_501], %pack3A_494 {strides = array<i32>} : memref<32768xbf16, #tpu.memory_space<vmem>>, vector<32xbf16>,
        %mul3A_503 = arith.constant 8 : i32
        %mul3A_504 = arith.muli %scan3A_143, %mul3A_503 : i32
        %add3A_505 = arith.constant 0 : i32
        %add3A_506 = arith.addi %add3A_505, %mul3A_504 : i32
        %add3A_507 = arith.constant 5 : i32
        %add3A_508 = arith.addi %add3A_506, %add3A_507 : i32
        %broadcast_in_dim3A_509 = vector.broadcast %add3A_508 : i32 to vector<16xi32>
        %mul3A_510 = arith.constant 2 : i32
        %mul3A_511 = vector.broadcast %mul3A_510 : i32 to vector<16xi32>
        %mul3A_512 = arith.muli %mul3A_511, %iota3A : vector<16xi32>
        %add3A_513 = arith.constant 32 : i32
        %add3A_514 = vector.broadcast %add3A_513 : i32 to vector<16xi32>
        %add3A_515 = arith.addi %add3A_514, %mul3A_512 : vector<16xi32>
        %gather3A_516 = tpu.vector_load_idx %arg7[%broadcast_in_dim3A_509, %add3A_515] : memref<512x64xf32, #tpu.memory_space<vmem>>[vector<16xi32>, vector<16xi32>], vector<16xf32>,
        %mul3A_517 = arith.constant 2 : i32
        %mul3A_518 = vector.broadcast %mul3A_517 : i32 to vector<16xi32>
        %mul3A_519 = arith.muli %mul3A_518, %iota3A : vector<16xi32>
        %add3A_520 = arith.constant 32 : i32
        %add3A_521 = vector.broadcast %add3A_520 : i32 to vector<16xi32>
        %add3A_522 = arith.addi %add3A_521, %mul3A_519 : vector<16xi32>
        %add3A_523 = arith.constant 1 : i32
        %add3A_524 = vector.broadcast %add3A_523 : i32 to vector<16xi32>
        %add3A_525 = arith.addi %add3A_522, %add3A_524 : vector<16xi32>
        %gather3A_526 = tpu.vector_load_idx %arg7[%broadcast_in_dim3A_509, %add3A_525] : memref<512x64xf32, #tpu.memory_space<vmem>>[vector<16xi32>, vector<16xi32>], vector<16xf32>,
        %pack3A_527 = tpu.pack_subelements %gather3A_516, %gather3A_526 {pack_format = #tpu.pack_format<interleaved>, positions = array<i32: 0, 1>} : vector<16xf32>, vector<16xf32> -> vector<32xbf16>
        %mul3A_528 = arith.constant 512 : i32
        %mul3A_529 = arith.muli %scan3A_143, %mul3A_528 : i32
        %add3A_530 = arith.constant 0 : i32
        %add3A_531 = arith.addi %add3A_530, %mul3A_529 : i32
        %add3A_532 = arith.constant 352 : i32
        %add3A_533 = arith.addi %add3A_531, %add3A_532 : i32
        %swap3A_534 = arith.index_cast %add3A_533 : i32 to index
        %swap3A_535 = tpu.vector_load %arg9[%swap3A_534] {strides = array<i32>} : memref<32768xbf16, #tpu.memory_space<vmem>>, vector<32xbf16>,
        tpu.vector_store %arg9[%swap3A_534], %pack3A_527 {strides = array<i32>} : memref<32768xbf16, #tpu.memory_space<vmem>>, vector<32xbf16>,
        %mul3A_536 = arith.constant 8 : i32
        %mul3A_537 = arith.muli %scan3A_143, %mul3A_536 : i32
        %add3A_538 = arith.constant 0 : i32
        %add3A_539 = arith.addi %add3A_538, %mul3A_537 : i32
        %add3A_540 = arith.constant 6 : i32
        %add3A_541 = arith.addi %add3A_539, %add3A_540 : i32
        %broadcast_in_dim3A_542 = vector.broadcast %add3A_541 : i32 to vector<16xi32>
        %mul3A_543 = arith.constant 2 : i32
        %mul3A_544 = vector.broadcast %mul3A_543 : i32 to vector<16xi32>
        %mul3A_545 = arith.muli %mul3A_544, %iota3A : vector<16xi32>
        %add3A_546 = arith.constant 0 : i32
        %add3A_547 = vector.broadcast %add3A_546 : i32 to vector<16xi32>
        %add3A_548 = arith.addi %add3A_547, %mul3A_545 : vector<16xi32>
        %gather3A_549 = tpu.vector_load_idx %arg7[%broadcast_in_dim3A_542, %add3A_548] : memref<512x64xf32, #tpu.memory_space<vmem>>[vector<16xi32>, vector<16xi32>], vector<16xf32>,
        %mul3A_550 = arith.constant 2 : i32
        %mul3A_551 = vector.broadcast %mul3A_550 : i32 to vector<16xi32>
        %mul3A_552 = arith.muli %mul3A_551, %iota3A : vector<16xi32>
        %add3A_553 = arith.constant 0 : i32
        %add3A_554 = vector.broadcast %add3A_553 : i32 to vector<16xi32>
        %add3A_555 = arith.addi %add3A_554, %mul3A_552 : vector<16xi32>
        %add3A_556 = arith.constant 1 : i32
        %add3A_557 = vector.broadcast %add3A_556 : i32 to vector<16xi32>
        %add3A_558 = arith.addi %add3A_555, %add3A_557 : vector<16xi32>
        %gather3A_559 = tpu.vector_load_idx %arg7[%broadcast_in_dim3A_542, %add3A_558] : memref<512x64xf32, #tpu.memory_space<vmem>>[vector<16xi32>, vector<16xi32>], vector<16xf32>,
        %pack3A_560 = tpu.pack_subelements %gather3A_549, %gather3A_559 {pack_format = #tpu.pack_format<interleaved>, positions = array<i32: 0, 1>} : vector<16xf32>, vector<16xf32> -> vector<32xbf16>
        %mul3A_561 = arith.constant 512 : i32
        %mul3A_562 = arith.muli %scan3A_143, %mul3A_561 : i32
        %add3A_563 = arith.constant 0 : i32
        %add3A_564 = arith.addi %add3A_563, %mul3A_562 : i32
        %add3A_565 = arith.constant 384 : i32
        %add3A_566 = arith.addi %add3A_564, %add3A_565 : i32
        %swap3A_567 = arith.index_cast %add3A_566 : i32 to index
        %swap3A_568 = tpu.vector_load %arg9[%swap3A_567] {strides = array<i32>} : memref<32768xbf16, #tpu.memory_space<vmem>>, vector<32xbf16>,
        tpu.vector_store %arg9[%swap3A_567], %pack3A_560 {strides = array<i32>} : memref<32768xbf16, #tpu.memory_space<vmem>>, vector<32xbf16>,
        %mul3A_569 = arith.constant 8 : i32
        %mul3A_570 = arith.muli %scan3A_143, %mul3A_569 : i32
        %add3A_571 = arith.constant 0 : i32
        %add3A_572 = arith.addi %add3A_571, %mul3A_570 : i32
        %add3A_573 = arith.constant 6 : i32
        %add3A_574 = arith.addi %add3A_572, %add3A_573 : i32
        %broadcast_in_dim3A_575 = vector.broadcast %add3A_574 : i32 to vector<16xi32>
        %mul3A_576 = arith.constant 2 : i32
        %mul3A_577 = vector.broadcast %mul3A_576 : i32 to vector<16xi32>
        %mul3A_578 = arith.muli %mul3A_577, %iota3A : vector<16xi32>
        %add3A_579 = arith.constant 32 : i32
        %add3A_580 = vector.broadcast %add3A_579 : i32 to vector<16xi32>
        %add3A_581 = arith.addi %add3A_580, %mul3A_578 : vector<16xi32>
        %gather3A_582 = tpu.vector_load_idx %arg7[%broadcast_in_dim3A_575, %add3A_581] : memref<512x64xf32, #tpu.memory_space<vmem>>[vector<16xi32>, vector<16xi32>], vector<16xf32>,
        %mul3A_583 = arith.constant 2 : i32
        %mul3A_584 = vector.broadcast %mul3A_583 : i32 to vector<16xi32>
        %mul3A_585 = arith.muli %mul3A_584, %iota3A : vector<16xi32>
        %add3A_586 = arith.constant 32 : i32
        %add3A_587 = vector.broadcast %add3A_586 : i32 to vector<16xi32>
        %add3A_588 = arith.addi %add3A_587, %mul3A_585 : vector<16xi32>
        %add3A_589 = arith.constant 1 : i32
        %add3A_590 = vector.broadcast %add3A_589 : i32 to vector<16xi32>
        %add3A_591 = arith.addi %add3A_588, %add3A_590 : vector<16xi32>
        %gather3A_592 = tpu.vector_load_idx %arg7[%broadcast_in_dim3A_575, %add3A_591] : memref<512x64xf32, #tpu.memory_space<vmem>>[vector<16xi32>, vector<16xi32>], vector<16xf32>,
        %pack3A_593 = tpu.pack_subelements %gather3A_582, %gather3A_592 {pack_format = #tpu.pack_format<interleaved>, positions = array<i32: 0, 1>} : vector<16xf32>, vector<16xf32> -> vector<32xbf16>
        %mul3A_594 = arith.constant 512 : i32
        %mul3A_595 = arith.muli %scan3A_143, %mul3A_594 : i32
        %add3A_596 = arith.constant 0 : i32
        %add3A_597 = arith.addi %add3A_596, %mul3A_595 : i32
        %add3A_598 = arith.constant 416 : i32
        %add3A_599 = arith.addi %add3A_597, %add3A_598 : i32
        %swap3A_600 = arith.index_cast %add3A_599 : i32 to index
        %swap3A_601 = tpu.vector_load %arg9[%swap3A_600] {strides = array<i32>} : memref<32768xbf16, #tpu.memory_space<vmem>>, vector<32xbf16>,
        tpu.vector_store %arg9[%swap3A_600], %pack3A_593 {strides = array<i32>} : memref<32768xbf16, #tpu.memory_space<vmem>>, vector<32xbf16>,
        %mul3A_602 = arith.constant 8 : i32
        %mul3A_603 = arith.muli %scan3A_143, %mul3A_602 : i32
        %add3A_604 = arith.constant 0 : i32
        %add3A_605 = arith.addi %add3A_604, %mul3A_603 : i32
        %add3A_606 = arith.constant 7 : i32
        %add3A_607 = arith.addi %add3A_605, %add3A_606 : i32
        %broadcast_in_dim3A_608 = vector.broadcast %add3A_607 : i32 to vector<16xi32>
        %mul3A_609 = arith.constant 2 : i32
        %mul3A_610 = vector.broadcast %mul3A_609 : i32 to vector<16xi32>
        %mul3A_611 = arith.muli %mul3A_610, %iota3A : vector<16xi32>
        %add3A_612 = arith.constant 0 : i32
        %add3A_613 = vector.broadcast %add3A_612 : i32 to vector<16xi32>
        %add3A_614 = arith.addi %add3A_613, %mul3A_611 : vector<16xi32>
        %gather3A_615 = tpu.vector_load_idx %arg7[%broadcast_in_dim3A_608, %add3A_614] : memref<512x64xf32, #tpu.memory_space<vmem>>[vector<16xi32>, vector<16xi32>], vector<16xf32>,
        %mul3A_616 = arith.constant 2 : i32
        %mul3A_617 = vector.broadcast %mul3A_616 : i32 to vector<16xi32>
        %mul3A_618 = arith.muli %mul3A_617, %iota3A : vector<16xi32>
        %add3A_619 = arith.constant 0 : i32
        %add3A_620 = vector.broadcast %add3A_619 : i32 to vector<16xi32>
        %add3A_621 = arith.addi %add3A_620, %mul3A_618 : vector<16xi32>
        %add3A_622 = arith.constant 1 : i32
        %add3A_623 = vector.broadcast %add3A_622 : i32 to vector<16xi32>
        %add3A_624 = arith.addi %add3A_621, %add3A_623 : vector<16xi32>
        %gather3A_625 = tpu.vector_load_idx %arg7[%broadcast_in_dim3A_608, %add3A_624] : memref<512x64xf32, #tpu.memory_space<vmem>>[vector<16xi32>, vector<16xi32>], vector<16xf32>,
        %pack3A_626 = tpu.pack_subelements %gather3A_615, %gather3A_625 {pack_format = #tpu.pack_format<interleaved>, positions = array<i32: 0, 1>} : vector<16xf32>, vector<16xf32> -> vector<32xbf16>
        %mul3A_627 = arith.constant 512 : i32
        %mul3A_628 = arith.muli %scan3A_143, %mul3A_627 : i32
        %add3A_629 = arith.constant 0 : i32
        %add3A_630 = arith.addi %add3A_629, %mul3A_628 : i32
        %add3A_631 = arith.constant 448 : i32
        %add3A_632 = arith.addi %add3A_630, %add3A_631 : i32
        %swap3A_633 = arith.index_cast %add3A_632 : i32 to index
        %swap3A_634 = tpu.vector_load %arg9[%swap3A_633] {strides = array<i32>} : memref<32768xbf16, #tpu.memory_space<vmem>>, vector<32xbf16>,
        tpu.vector_store %arg9[%swap3A_633], %pack3A_626 {strides = array<i32>} : memref<32768xbf16, #tpu.memory_space<vmem>>, vector<32xbf16>,
        %mul3A_635 = arith.constant 8 : i32
        %mul3A_636 = arith.muli %scan3A_143, %mul3A_635 : i32
        %add3A_637 = arith.constant 0 : i32
        %add3A_638 = arith.addi %add3A_637, %mul3A_636 : i32
        %add3A_639 = arith.constant 7 : i32
        %add3A_640 = arith.addi %add3A_638, %add3A_639 : i32
        %broadcast_in_dim3A_641 = vector.broadcast %add3A_640 : i32 to vector<16xi32>
        %mul3A_642 = arith.constant 2 : i32
        %mul3A_643 = vector.broadcast %mul3A_642 : i32 to vector<16xi32>
        %mul3A_644 = arith.muli %mul3A_643, %iota3A : vector<16xi32>
        %add3A_645 = arith.constant 32 : i32
        %add3A_646 = vector.broadcast %add3A_645 : i32 to vector<16xi32>
        %add3A_647 = arith.addi %add3A_646, %mul3A_644 : vector<16xi32>
        %gather3A_648 = tpu.vector_load_idx %arg7[%broadcast_in_dim3A_641, %add3A_647] : memref<512x64xf32, #tpu.memory_space<vmem>>[vector<16xi32>, vector<16xi32>], vector<16xf32>,
        %mul3A_649 = arith.constant 2 : i32
        %mul3A_650 = vector.broadcast %mul3A_649 : i32 to vector<16xi32>
        %mul3A_651 = arith.muli %mul3A_650, %iota3A : vector<16xi32>
        %add3A_652 = arith.constant 32 : i32
        %add3A_653 = vector.broadcast %add3A_652 : i32 to vector<16xi32>
        %add3A_654 = arith.addi %add3A_653, %mul3A_651 : vector<16xi32>
        %add3A_655 = arith.constant 1 : i32
        %add3A_656 = vector.broadcast %add3A_655 : i32 to vector<16xi32>
        %add3A_657 = arith.addi %add3A_654, %add3A_656 : vector<16xi32>
        %gather3A_658 = tpu.vector_load_idx %arg7[%broadcast_in_dim3A_641, %add3A_657] : memref<512x64xf32, #tpu.memory_space<vmem>>[vector<16xi32>, vector<16xi32>], vector<16xf32>,
        %pack3A_659 = tpu.pack_subelements %gather3A_648, %gather3A_658 {pack_format = #tpu.pack_format<interleaved>, positions = array<i32: 0, 1>} : vector<16xf32>, vector<16xf32> -> vector<32xbf16>
        %mul3A_660 = arith.constant 512 : i32
        %mul3A_661 = arith.muli %scan3A_143, %mul3A_660 : i32
        %add3A_662 = arith.constant 0 : i32
        %add3A_663 = arith.addi %add3A_662, %mul3A_661 : i32
        %add3A_664 = arith.constant 480 : i32
        %add3A_665 = arith.addi %add3A_663, %add3A_664 : i32
        %swap3A_666 = arith.index_cast %add3A_665 : i32 to index
        %swap3A_667 = tpu.vector_load %arg9[%swap3A_666] {strides = array<i32>} : memref<32768xbf16, #tpu.memory_space<vmem>>, vector<32xbf16>,
        tpu.vector_store %arg9[%swap3A_666], %pack3A_659 {strides = array<i32>} : memref<32768xbf16, #tpu.memory_space<vmem>>, vector<32xbf16>,
      }
      %scan3A_77 = arith.constant 32 : i32
      %dma_wait3A_78 = arith.constant 256 : i32
      %dma_wait3A_79 = arith.constant 0 : i32
      %dma_wait3A_80 = tpu.memref_slice %arg7[%dma_wait3A_78, %dma_wait3A_79] : memref<512x64xf32, #tpu.memory_space<vmem>> -> memref<256x64xf32, #tpu.memory_space<vmem>>
      %dma_wait3A_81 = arith.constant 256 : i32
      %dma_wait3A_82 = tpu.memref_slice %arg5[%dma_wait3A_81] : memref<512xi32, #tpu.memory_space<vmem>> -> memref<256xi32, #tpu.memory_space<vmem>>
      %dma_wait3A_83 = arith.constant 0 : i32
      %dma_wait3A_84 = arith.constant 0 : i32
      %dma_wait3A_85 = tpu.memref_slice %arg3[%dma_wait3A_83, %dma_wait3A_84] : memref<1000000x64xf32, #tpu.memory_space<hbm>> -> memref<1000000x64xf32, #tpu.memory_space<hbm>>
      tpu.wait_indirect_dma semaphore(%arg11 : memref<!tpu.dma_semaphore, #tpu.memory_space<semaphore_mem>>) src(%dma_wait3A_85 : memref<1000000x64xf32, #tpu.memory_space<hbm>>) dst(%dma_wait3A_80 : memref<256x64xf32, #tpu.memory_space<vmem>>)
      %scan3A_86 = arith.constant 0 : i32
      %scan3A_87 = arith.constant 0 : i32
      %scan3A_88 = arith.constant 32 : i32
      %scan3A_89 = arith.addi %scan3A_87, %scan3A_88 : i32
      %scan3A_90 = arith.constant 1 : i32
      scf.for %scan3A_143 = %scan3A_87 to %scan3A_89 step %scan3A_90  : i32 {
        %mul3A_144 = arith.constant 8 : i32
        %mul3A_145 = arith.muli %scan3A_143, %mul3A_144 : i32
        %add3A_146 = arith.constant 256 : i32
        %add3A_147 = arith.addi %add3A_146, %mul3A_145 : i32
        %add3A_148 = arith.constant 0 : i32
        %add3A_149 = arith.addi %add3A_147, %add3A_148 : i32
        %broadcast_in_dim3A = vector.broadcast %add3A_149 : i32 to vector<16xi32>
        %mul3A_150 = arith.constant 2 : i32
        %mul3A_151 = vector.broadcast %mul3A_150 : i32 to vector<16xi32>
        %mul3A_152 = arith.muli %mul3A_151, %iota3A : vector<16xi32>
        %add3A_153 = arith.constant 0 : i32
        %add3A_154 = vector.broadcast %add3A_153 : i32 to vector<16xi32>
        %add3A_155 = arith.addi %add3A_154, %mul3A_152 : vector<16xi32>
        %gather3A = tpu.vector_load_idx %arg7[%broadcast_in_dim3A, %add3A_155] : memref<512x64xf32, #tpu.memory_space<vmem>>[vector<16xi32>, vector<16xi32>], vector<16xf32>,
        %mul3A_156 = arith.constant 2 : i32
        %mul3A_157 = vector.broadcast %mul3A_156 : i32 to vector<16xi32>
        %mul3A_158 = arith.muli %mul3A_157, %iota3A : vector<16xi32>
        %add3A_159 = arith.constant 0 : i32
        %add3A_160 = vector.broadcast %add3A_159 : i32 to vector<16xi32>
        %add3A_161 = arith.addi %add3A_160, %mul3A_158 : vector<16xi32>
        %add3A_162 = arith.constant 1 : i32
        %add3A_163 = vector.broadcast %add3A_162 : i32 to vector<16xi32>
        %add3A_164 = arith.addi %add3A_161, %add3A_163 : vector<16xi32>
        %gather3A_165 = tpu.vector_load_idx %arg7[%broadcast_in_dim3A, %add3A_164] : memref<512x64xf32, #tpu.memory_space<vmem>>[vector<16xi32>, vector<16xi32>], vector<16xf32>,
        %pack3A = tpu.pack_subelements %gather3A, %gather3A_165 {pack_format = #tpu.pack_format<interleaved>, positions = array<i32: 0, 1>} : vector<16xf32>, vector<16xf32> -> vector<32xbf16>
        %mul3A_166 = arith.constant 512 : i32
        %mul3A_167 = arith.muli %scan3A_143, %mul3A_166 : i32
        %add3A_168 = arith.constant 16384 : i32
        %add3A_169 = arith.addi %add3A_168, %mul3A_167 : i32
        %add3A_170 = arith.constant 0 : i32
        %add3A_171 = arith.addi %add3A_169, %add3A_170 : i32
        %swap3A = arith.index_cast %add3A_171 : i32 to index
        %swap3A_172 = tpu.vector_load %arg9[%swap3A] {strides = array<i32>} : memref<32768xbf16, #tpu.memory_space<vmem>>, vector<32xbf16>,
        tpu.vector_store %arg9[%swap3A], %pack3A {strides = array<i32>} : memref<32768xbf16, #tpu.memory_space<vmem>>, vector<32xbf16>,
        %mul3A_173 = arith.constant 8 : i32
        %mul3A_174 = arith.muli %scan3A_143, %mul3A_173 : i32
        %add3A_175 = arith.constant 256 : i32
        %add3A_176 = arith.addi %add3A_175, %mul3A_174 : i32
        %add3A_177 = arith.constant 0 : i32
        %add3A_178 = arith.addi %add3A_176, %add3A_177 : i32
        %broadcast_in_dim3A_179 = vector.broadcast %add3A_178 : i32 to vector<16xi32>
        %mul3A_180 = arith.constant 2 : i32
        %mul3A_181 = vector.broadcast %mul3A_180 : i32 to vector<16xi32>
        %mul3A_182 = arith.muli %mul3A_181, %iota3A : vector<16xi32>
        %add3A_183 = arith.constant 32 : i32
        %add3A_184 = vector.broadcast %add3A_183 : i32 to vector<16xi32>
        %add3A_185 = arith.addi %add3A_184, %mul3A_182 : vector<16xi32>
        %gather3A_186 = tpu.vector_load_idx %arg7[%broadcast_in_dim3A_179, %add3A_185] : memref<512x64xf32, #tpu.memory_space<vmem>>[vector<16xi32>, vector<16xi32>], vector<16xf32>,
        %mul3A_187 = arith.constant 2 : i32
        %mul3A_188 = vector.broadcast %mul3A_187 : i32 to vector<16xi32>
        %mul3A_189 = arith.muli %mul3A_188, %iota3A : vector<16xi32>
        %add3A_190 = arith.constant 32 : i32
        %add3A_191 = vector.broadcast %add3A_190 : i32 to vector<16xi32>
        %add3A_192 = arith.addi %add3A_191, %mul3A_189 : vector<16xi32>
        %add3A_193 = arith.constant 1 : i32
        %add3A_194 = vector.broadcast %add3A_193 : i32 to vector<16xi32>
        %add3A_195 = arith.addi %add3A_192, %add3A_194 : vector<16xi32>
        %gather3A_196 = tpu.vector_load_idx %arg7[%broadcast_in_dim3A_179, %add3A_195] : memref<512x64xf32, #tpu.memory_space<vmem>>[vector<16xi32>, vector<16xi32>], vector<16xf32>,
        %pack3A_197 = tpu.pack_subelements %gather3A_186, %gather3A_196 {pack_format = #tpu.pack_format<interleaved>, positions = array<i32: 0, 1>} : vector<16xf32>, vector<16xf32> -> vector<32xbf16>
        %mul3A_198 = arith.constant 512 : i32
        %mul3A_199 = arith.muli %scan3A_143, %mul3A_198 : i32
        %add3A_200 = arith.constant 16384 : i32
        %add3A_201 = arith.addi %add3A_200, %mul3A_199 : i32
        %add3A_202 = arith.constant 32 : i32
        %add3A_203 = arith.addi %add3A_201, %add3A_202 : i32
        %swap3A_204 = arith.index_cast %add3A_203 : i32 to index
        %swap3A_205 = tpu.vector_load %arg9[%swap3A_204] {strides = array<i32>} : memref<32768xbf16, #tpu.memory_space<vmem>>, vector<32xbf16>,
        tpu.vector_store %arg9[%swap3A_204], %pack3A_197 {strides = array<i32>} : memref<32768xbf16, #tpu.memory_space<vmem>>, vector<32xbf16>,
        %mul3A_206 = arith.constant 8 : i32
        %mul3A_207 = arith.muli %scan3A_143, %mul3A_206 : i32
        %add3A_208 = arith.constant 256 : i32
        %add3A_209 = arith.addi %add3A_208, %mul3A_207 : i32
        %add3A_210 = arith.constant 1 : i32
        %add3A_211 = arith.addi %add3A_209, %add3A_210 : i32
        %broadcast_in_dim3A_212 = vector.broadcast %add3A_211 : i32 to vector<16xi32>
        %mul3A_213 = arith.constant 2 : i32
        %mul3A_214 = vector.broadcast %mul3A_213 : i32 to vector<16xi32>
        %mul3A_215 = arith.muli %mul3A_214, %iota3A : vector<16xi32>
        %add3A_216 = arith.constant 0 : i32
        %add3A_217 = vector.broadcast %add3A_216 : i32 to vector<16xi32>
        %add3A_218 = arith.addi %add3A_217, %mul3A_215 : vector<16xi32>
        %gather3A_219 = tpu.vector_load_idx %arg7[%broadcast_in_dim3A_212, %add3A_218] : memref<512x64xf32, #tpu.memory_space<vmem>>[vector<16xi32>, vector<16xi32>], vector<16xf32>,
        %mul3A_220 = arith.constant 2 : i32
        %mul3A_221 = vector.broadcast %mul3A_220 : i32 to vector<16xi32>
        %mul3A_222 = arith.muli %mul3A_221, %iota3A : vector<16xi32>
        %add3A_223 = arith.constant 0 : i32
        %add3A_224 = vector.broadcast %add3A_223 : i32 to vector<16xi32>
        %add3A_225 = arith.addi %add3A_224, %mul3A_222 : vector<16xi32>
        %add3A_226 = arith.constant 1 : i32
        %add3A_227 = vector.broadcast %add3A_226 : i32 to vector<16xi32>
        %add3A_228 = arith.addi %add3A_225, %add3A_227 : vector<16xi32>
        %gather3A_229 = tpu.vector_load_idx %arg7[%broadcast_in_dim3A_212, %add3A_228] : memref<512x64xf32, #tpu.memory_space<vmem>>[vector<16xi32>, vector<16xi32>], vector<16xf32>,
        %pack3A_230 = tpu.pack_subelements %gather3A_219, %gather3A_229 {pack_format = #tpu.pack_format<interleaved>, positions = array<i32: 0, 1>} : vector<16xf32>, vector<16xf32> -> vector<32xbf16>
        %mul3A_231 = arith.constant 512 : i32
        %mul3A_232 = arith.muli %scan3A_143, %mul3A_231 : i32
        %add3A_233 = arith.constant 16384 : i32
        %add3A_234 = arith.addi %add3A_233, %mul3A_232 : i32
        %add3A_235 = arith.constant 64 : i32
        %add3A_236 = arith.addi %add3A_234, %add3A_235 : i32
        %swap3A_237 = arith.index_cast %add3A_236 : i32 to index
        %swap3A_238 = tpu.vector_load %arg9[%swap3A_237] {strides = array<i32>} : memref<32768xbf16, #tpu.memory_space<vmem>>, vector<32xbf16>,
        tpu.vector_store %arg9[%swap3A_237], %pack3A_230 {strides = array<i32>} : memref<32768xbf16, #tpu.memory_space<vmem>>, vector<32xbf16>,
        %mul3A_239 = arith.constant 8 : i32
        %mul3A_240 = arith.muli %scan3A_143, %mul3A_239 : i32
        %add3A_241 = arith.constant 256 : i32
        %add3A_242 = arith.addi %add3A_241, %mul3A_240 : i32
        %add3A_243 = arith.constant 1 : i32
        %add3A_244 = arith.addi %add3A_242, %add3A_243 : i32
        %broadcast_in_dim3A_245 = vector.broadcast %add3A_244 : i32 to vector<16xi32>
        %mul3A_246 = arith.constant 2 : i32
        %mul3A_247 = vector.broadcast %mul3A_246 : i32 to vector<16xi32>
        %mul3A_248 = arith.muli %mul3A_247, %iota3A : vector<16xi32>
        %add3A_249 = arith.constant 32 : i32
        %add3A_250 = vector.broadcast %add3A_249 : i32 to vector<16xi32>
        %add3A_251 = arith.addi %add3A_250, %mul3A_248 : vector<16xi32>
        %gather3A_252 = tpu.vector_load_idx %arg7[%broadcast_in_dim3A_245, %add3A_251] : memref<512x64xf32, #tpu.memory_space<vmem>>[vector<16xi32>, vector<16xi32>], vector<16xf32>,
        %mul3A_253 = arith.constant 2 : i32
        %mul3A_254 = vector.broadcast %mul3A_253 : i32 to vector<16xi32>
        %mul3A_255 = arith.muli %mul3A_254, %iota3A : vector<16xi32>
        %add3A_256 = arith.constant 32 : i32
        %add3A_257 = vector.broadcast %add3A_256 : i32 to vector<16xi32>
        %add3A_258 = arith.addi %add3A_257, %mul3A_255 : vector<16xi32>
        %add3A_259 = arith.constant 1 : i32
        %add3A_260 = vector.broadcast %add3A_259 : i32 to vector<16xi32>
        %add3A_261 = arith.addi %add3A_258, %add3A_260 : vector<16xi32>
        %gather3A_262 = tpu.vector_load_idx %arg7[%broadcast_in_dim3A_245, %add3A_261] : memref<512x64xf32, #tpu.memory_space<vmem>>[vector<16xi32>, vector<16xi32>], vector<16xf32>,
        %pack3A_263 = tpu.pack_subelements %gather3A_252, %gather3A_262 {pack_format = #tpu.pack_format<interleaved>, positions = array<i32: 0, 1>} : vector<16xf32>, vector<16xf32> -> vector<32xbf16>
        %mul3A_264 = arith.constant 512 : i32
        %mul3A_265 = arith.muli %scan3A_143, %mul3A_264 : i32
        %add3A_266 = arith.constant 16384 : i32
        %add3A_267 = arith.addi %add3A_266, %mul3A_265 : i32
        %add3A_268 = arith.constant 96 : i32
        %add3A_269 = arith.addi %add3A_267, %add3A_268 : i32
        %swap3A_270 = arith.index_cast %add3A_269 : i32 to index
        %swap3A_271 = tpu.vector_load %arg9[%swap3A_270] {strides = array<i32>} : memref<32768xbf16, #tpu.memory_space<vmem>>, vector<32xbf16>,
        tpu.vector_store %arg9[%swap3A_270], %pack3A_263 {strides = array<i32>} : memref<32768xbf16, #tpu.memory_space<vmem>>, vector<32xbf16>,
        %mul3A_272 = arith.constant 8 : i32
        %mul3A_273 = arith.muli %scan3A_143, %mul3A_272 : i32
        %add3A_274 = arith.constant 256 : i32
        %add3A_275 = arith.addi %add3A_274, %mul3A_273 : i32
        %add3A_276 = arith.constant 2 : i32
        %add3A_277 = arith.addi %add3A_275, %add3A_276 : i32
        %broadcast_in_dim3A_278 = vector.broadcast %add3A_277 : i32 to vector<16xi32>
        %mul3A_279 = arith.constant 2 : i32
        %mul3A_280 = vector.broadcast %mul3A_279 : i32 to vector<16xi32>
        %mul3A_281 = arith.muli %mul3A_280, %iota3A : vector<16xi32>
        %add3A_282 = arith.constant 0 : i32
        %add3A_283 = vector.broadcast %add3A_282 : i32 to vector<16xi32>
        %add3A_284 = arith.addi %add3A_283, %mul3A_281 : vector<16xi32>
        %gather3A_285 = tpu.vector_load_idx %arg7[%broadcast_in_dim3A_278, %add3A_284] : memref<512x64xf32, #tpu.memory_space<vmem>>[vector<16xi32>, vector<16xi32>], vector<16xf32>,
        %mul3A_286 = arith.constant 2 : i32
        %mul3A_287 = vector.broadcast %mul3A_286 : i32 to vector<16xi32>
        %mul3A_288 = arith.muli %mul3A_287, %iota3A : vector<16xi32>
        %add3A_289 = arith.constant 0 : i32
        %add3A_290 = vector.broadcast %add3A_289 : i32 to vector<16xi32>
        %add3A_291 = arith.addi %add3A_290, %mul3A_288 : vector<16xi32>
        %add3A_292 = arith.constant 1 : i32
        %add3A_293 = vector.broadcast %add3A_292 : i32 to vector<16xi32>
        %add3A_294 = arith.addi %add3A_291, %add3A_293 : vector<16xi32>
        %gather3A_295 = tpu.vector_load_idx %arg7[%broadcast_in_dim3A_278, %add3A_294] : memref<512x64xf32, #tpu.memory_space<vmem>>[vector<16xi32>, vector<16xi32>], vector<16xf32>,
        %pack3A_296 = tpu.pack_subelements %gather3A_285, %gather3A_295 {pack_format = #tpu.pack_format<interleaved>, positions = array<i32: 0, 1>} : vector<16xf32>, vector<16xf32> -> vector<32xbf16>
        %mul3A_297 = arith.constant 512 : i32
        %mul3A_298 = arith.muli %scan3A_143, %mul3A_297 : i32
        %add3A_299 = arith.constant 16384 : i32
        %add3A_300 = arith.addi %add3A_299, %mul3A_298 : i32
        %add3A_301 = arith.constant 128 : i32
        %add3A_302 = arith.addi %add3A_300, %add3A_301 : i32
        %swap3A_303 = arith.index_cast %add3A_302 : i32 to index
        %swap3A_304 = tpu.vector_load %arg9[%swap3A_303] {strides = array<i32>} : memref<32768xbf16, #tpu.memory_space<vmem>>, vector<32xbf16>,
        tpu.vector_store %arg9[%swap3A_303], %pack3A_296 {strides = array<i32>} : memref<32768xbf16, #tpu.memory_space<vmem>>, vector<32xbf16>,
        %mul3A_305 = arith.constant 8 : i32
        %mul3A_306 = arith.muli %scan3A_143, %mul3A_305 : i32
        %add3A_307 = arith.constant 256 : i32
        %add3A_308 = arith.addi %add3A_307, %mul3A_306 : i32
        %add3A_309 = arith.constant 2 : i32
        %add3A_310 = arith.addi %add3A_308, %add3A_309 : i32
        %broadcast_in_dim3A_311 = vector.broadcast %add3A_310 : i32 to vector<16xi32>
        %mul3A_312 = arith.constant 2 : i32
        %mul3A_313 = vector.broadcast %mul3A_312 : i32 to vector<16xi32>
        %mul3A_314 = arith.muli %mul3A_313, %iota3A : vector<16xi32>
        %add3A_315 = arith.constant 32 : i32
        %add3A_316 = vector.broadcast %add3A_315 : i32 to vector<16xi32>
        %add3A_317 = arith.addi %add3A_316, %mul3A_314 : vector<16xi32>
        %gather3A_318 = tpu.vector_load_idx %arg7[%broadcast_in_dim3A_311, %add3A_317] : memref<512x64xf32, #tpu.memory_space<vmem>>[vector<16xi32>, vector<16xi32>], vector<16xf32>,
        %mul3A_319 = arith.constant 2 : i32
        %mul3A_320 = vector.broadcast %mul3A_319 : i32 to vector<16xi32>
        %mul3A_321 = arith.muli %mul3A_320, %iota3A : vector<16xi32>
        %add3A_322 = arith.constant 32 : i32
        %add3A_323 = vector.broadcast %add3A_322 : i32 to vector<16xi32>
        %add3A_324 = arith.addi %add3A_323, %mul3A_321 : vector<16xi32>
        %add3A_325 = arith.constant 1 : i32
        %add3A_326 = vector.broadcast %add3A_325 : i32 to vector<16xi32>
        %add3A_327 = arith.addi %add3A_324, %add3A_326 : vector<16xi32>
        %gather3A_328 = tpu.vector_load_idx %arg7[%broadcast_in_dim3A_311, %add3A_327] : memref<512x64xf32, #tpu.memory_space<vmem>>[vector<16xi32>, vector<16xi32>], vector<16xf32>,
        %pack3A_329 = tpu.pack_subelements %gather3A_318, %gather3A_328 {pack_format = #tpu.pack_format<interleaved>, positions = array<i32: 0, 1>} : vector<16xf32>, vector<16xf32> -> vector<32xbf16>
        %mul3A_330 = arith.constant 512 : i32
        %mul3A_331 = arith.muli %scan3A_143, %mul3A_330 : i32
        %add3A_332 = arith.constant 16384 : i32
        %add3A_333 = arith.addi %add3A_332, %mul3A_331 : i32
        %add3A_334 = arith.constant 160 : i32
        %add3A_335 = arith.addi %add3A_333, %add3A_334 : i32
        %swap3A_336 = arith.index_cast %add3A_335 : i32 to index
        %swap3A_337 = tpu.vector_load %arg9[%swap3A_336] {strides = array<i32>} : memref<32768xbf16, #tpu.memory_space<vmem>>, vector<32xbf16>,
        tpu.vector_store %arg9[%swap3A_336], %pack3A_329 {strides = array<i32>} : memref<32768xbf16, #tpu.memory_space<vmem>>, vector<32xbf16>,
        %mul3A_338 = arith.constant 8 : i32
        %mul3A_339 = arith.muli %scan3A_143, %mul3A_338 : i32
        %add3A_340 = arith.constant 256 : i32
        %add3A_341 = arith.addi %add3A_340, %mul3A_339 : i32
        %add3A_342 = arith.constant 3 : i32
        %add3A_343 = arith.addi %add3A_341, %add3A_342 : i32
        %broadcast_in_dim3A_344 = vector.broadcast %add3A_343 : i32 to vector<16xi32>
        %mul3A_345 = arith.constant 2 : i32
        %mul3A_346 = vector.broadcast %mul3A_345 : i32 to vector<16xi32>
        %mul3A_347 = arith.muli %mul3A_346, %iota3A : vector<16xi32>
        %add3A_348 = arith.constant 0 : i32
        %add3A_349 = vector.broadcast %add3A_348 : i32 to vector<16xi32>
        %add3A_350 = arith.addi %add3A_349, %mul3A_347 : vector<16xi32>
        %gather3A_351 = tpu.vector_load_idx %arg7[%broadcast_in_dim3A_344, %add3A_350] : memref<512x64xf32, #tpu.memory_space<vmem>>[vector<16xi32>, vector<16xi32>], vector<16xf32>,
        %mul3A_352 = arith.constant 2 : i32
        %mul3A_353 = vector.broadcast %mul3A_352 : i32 to vector<16xi32>
        %mul3A_354 = arith.muli %mul3A_353, %iota3A : vector<16xi32>
        %add3A_355 = arith.constant 0 : i32
        %add3A_356 = vector.broadcast %add3A_355 : i32 to vector<16xi32>
        %add3A_357 = arith.addi %add3A_356, %mul3A_354 : vector<16xi32>
        %add3A_358 = arith.constant 1 : i32
        %add3A_359 = vector.broadcast %add3A_358 : i32 to vector<16xi32>
        %add3A_360 = arith.addi %add3A_357, %add3A_359 : vector<16xi32>
        %gather3A_361 = tpu.vector_load_idx %arg7[%broadcast_in_dim3A_344, %add3A_360] : memref<512x64xf32, #tpu.memory_space<vmem>>[vector<16xi32>, vector<16xi32>], vector<16xf32>,
        %pack3A_362 = tpu.pack_subelements %gather3A_351, %gather3A_361 {pack_format = #tpu.pack_format<interleaved>, positions = array<i32: 0, 1>} : vector<16xf32>, vector<16xf32> -> vector<32xbf16>
        %mul3A_363 = arith.constant 512 : i32
        %mul3A_364 = arith.muli %scan3A_143, %mul3A_363 : i32
        %add3A_365 = arith.constant 16384 : i32
        %add3A_366 = arith.addi %add3A_365, %mul3A_364 : i32
        %add3A_367 = arith.constant 192 : i32
        %add3A_368 = arith.addi %add3A_366, %add3A_367 : i32
        %swap3A_369 = arith.index_cast %add3A_368 : i32 to index
        %swap3A_370 = tpu.vector_load %arg9[%swap3A_369] {strides = array<i32>} : memref<32768xbf16, #tpu.memory_space<vmem>>, vector<32xbf16>,
        tpu.vector_store %arg9[%swap3A_369], %pack3A_362 {strides = array<i32>} : memref<32768xbf16, #tpu.memory_space<vmem>>, vector<32xbf16>,
        %mul3A_371 = arith.constant 8 : i32
        %mul3A_372 = arith.muli %scan3A_143, %mul3A_371 : i32
        %add3A_373 = arith.constant 256 : i32
        %add3A_374 = arith.addi %add3A_373, %mul3A_372 : i32
        %add3A_375 = arith.constant 3 : i32
        %add3A_376 = arith.addi %add3A_374, %add3A_375 : i32
        %broadcast_in_dim3A_377 = vector.broadcast %add3A_376 : i32 to vector<16xi32>
        %mul3A_378 = arith.constant 2 : i32
        %mul3A_379 = vector.broadcast %mul3A_378 : i32 to vector<16xi32>
        %mul3A_380 = arith.muli %mul3A_379, %iota3A : vector<16xi32>
        %add3A_381 = arith.constant 32 : i32
        %add3A_382 = vector.broadcast %add3A_381 : i32 to vector<16xi32>
        %add3A_383 = arith.addi %add3A_382, %mul3A_380 : vector<16xi32>
        %gather3A_384 = tpu.vector_load_idx %arg7[%broadcast_in_dim3A_377, %add3A_383] : memref<512x64xf32, #tpu.memory_space<vmem>>[vector<16xi32>, vector<16xi32>], vector<16xf32>,
        %mul3A_385 = arith.constant 2 : i32
        %mul3A_386 = vector.broadcast %mul3A_385 : i32 to vector<16xi32>
        %mul3A_387 = arith.muli %mul3A_386, %iota3A : vector<16xi32>
        %add3A_388 = arith.constant 32 : i32
        %add3A_389 = vector.broadcast %add3A_388 : i32 to vector<16xi32>
        %add3A_390 = arith.addi %add3A_389, %mul3A_387 : vector<16xi32>
        %add3A_391 = arith.constant 1 : i32
        %add3A_392 = vector.broadcast %add3A_391 : i32 to vector<16xi32>
        %add3A_393 = arith.addi %add3A_390, %add3A_392 : vector<16xi32>
        %gather3A_394 = tpu.vector_load_idx %arg7[%broadcast_in_dim3A_377, %add3A_393] : memref<512x64xf32, #tpu.memory_space<vmem>>[vector<16xi32>, vector<16xi32>], vector<16xf32>,
        %pack3A_395 = tpu.pack_subelements %gather3A_384, %gather3A_394 {pack_format = #tpu.pack_format<interleaved>, positions = array<i32: 0, 1>} : vector<16xf32>, vector<16xf32> -> vector<32xbf16>
        %mul3A_396 = arith.constant 512 : i32
        %mul3A_397 = arith.muli %scan3A_143, %mul3A_396 : i32
        %add3A_398 = arith.constant 16384 : i32
        %add3A_399 = arith.addi %add3A_398, %mul3A_397 : i32
        %add3A_400 = arith.constant 224 : i32
        %add3A_401 = arith.addi %add3A_399, %add3A_400 : i32
        %swap3A_402 = arith.index_cast %add3A_401 : i32 to index
        %swap3A_403 = tpu.vector_load %arg9[%swap3A_402] {strides = array<i32>} : memref<32768xbf16, #tpu.memory_space<vmem>>, vector<32xbf16>,
        tpu.vector_store %arg9[%swap3A_402], %pack3A_395 {strides = array<i32>} : memref<32768xbf16, #tpu.memory_space<vmem>>, vector<32xbf16>,
        %mul3A_404 = arith.constant 8 : i32
        %mul3A_405 = arith.muli %scan3A_143, %mul3A_404 : i32
        %add3A_406 = arith.constant 256 : i32
        %add3A_407 = arith.addi %add3A_406, %mul3A_405 : i32
        %add3A_408 = arith.constant 4 : i32
        %add3A_409 = arith.addi %add3A_407, %add3A_408 : i32
        %broadcast_in_dim3A_410 = vector.broadcast %add3A_409 : i32 to vector<16xi32>
        %mul3A_411 = arith.constant 2 : i32
        %mul3A_412 = vector.broadcast %mul3A_411 : i32 to vector<16xi32>
        %mul3A_413 = arith.muli %mul3A_412, %iota3A : vector<16xi32>
        %add3A_414 = arith.constant 0 : i32
        %add3A_415 = vector.broadcast %add3A_414 : i32 to vector<16xi32>
        %add3A_416 = arith.addi %add3A_415, %mul3A_413 : vector<16xi32>
        %gather3A_417 = tpu.vector_load_idx %arg7[%broadcast_in_dim3A_410, %add3A_416] : memref<512x64xf32, #tpu.memory_space<vmem>>[vector<16xi32>, vector<16xi32>], vector<16xf32>,
        %mul3A_418 = arith.constant 2 : i32
        %mul3A_419 = vector.broadcast %mul3A_418 : i32 to vector<16xi32>
        %mul3A_420 = arith.muli %mul3A_419, %iota3A : vector<16xi32>
        %add3A_421 = arith.constant 0 : i32
        %add3A_422 = vector.broadcast %add3A_421 : i32 to vector<16xi32>
        %add3A_423 = arith.addi %add3A_422, %mul3A_420 : vector<16xi32>
        %add3A_424 = arith.constant 1 : i32
        %add3A_425 = vector.broadcast %add3A_424 : i32 to vector<16xi32>
        %add3A_426 = arith.addi %add3A_423, %add3A_425 : vector<16xi32>
        %gather3A_427 = tpu.vector_load_idx %arg7[%broadcast_in_dim3A_410, %add3A_426] : memref<512x64xf32, #tpu.memory_space<vmem>>[vector<16xi32>, vector<16xi32>], vector<16xf32>,
        %pack3A_428 = tpu.pack_subelements %gather3A_417, %gather3A_427 {pack_format = #tpu.pack_format<interleaved>, positions = array<i32: 0, 1>} : vector<16xf32>, vector<16xf32> -> vector<32xbf16>
        %mul3A_429 = arith.constant 512 : i32
        %mul3A_430 = arith.muli %scan3A_143, %mul3A_429 : i32
        %add3A_431 = arith.constant 16384 : i32
        %add3A_432 = arith.addi %add3A_431, %mul3A_430 : i32
        %add3A_433 = arith.constant 256 : i32
        %add3A_434 = arith.addi %add3A_432, %add3A_433 : i32
        %swap3A_435 = arith.index_cast %add3A_434 : i32 to index
        %swap3A_436 = tpu.vector_load %arg9[%swap3A_435] {strides = array<i32>} : memref<32768xbf16, #tpu.memory_space<vmem>>, vector<32xbf16>,
        tpu.vector_store %arg9[%swap3A_435], %pack3A_428 {strides = array<i32>} : memref<32768xbf16, #tpu.memory_space<vmem>>, vector<32xbf16>,
        %mul3A_437 = arith.constant 8 : i32
        %mul3A_438 = arith.muli %scan3A_143, %mul3A_437 : i32
        %add3A_439 = arith.constant 256 : i32
        %add3A_440 = arith.addi %add3A_439, %mul3A_438 : i32
        %add3A_441 = arith.constant 4 : i32
        %add3A_442 = arith.addi %add3A_440, %add3A_441 : i32
        %broadcast_in_dim3A_443 = vector.broadcast %add3A_442 : i32 to vector<16xi32>
        %mul3A_444 = arith.constant 2 : i32
        %mul3A_445 = vector.broadcast %mul3A_444 : i32 to vector<16xi32>
        %mul3A_446 = arith.muli %mul3A_445, %iota3A : vector<16xi32>
        %add3A_447 = arith.constant 32 : i32
        %add3A_448 = vector.broadcast %add3A_447 : i32 to vector<16xi32>
        %add3A_449 = arith.addi %add3A_448, %mul3A_446 : vector<16xi32>
        %gather3A_450 = tpu.vector_load_idx %arg7[%broadcast_in_dim3A_443, %add3A_449] : memref<512x64xf32, #tpu.memory_space<vmem>>[vector<16xi32>, vector<16xi32>], vector<16xf32>,
        %mul3A_451 = arith.constant 2 : i32
        %mul3A_452 = vector.broadcast %mul3A_451 : i32 to vector<16xi32>
        %mul3A_453 = arith.muli %mul3A_452, %iota3A : vector<16xi32>
        %add3A_454 = arith.constant 32 : i32
        %add3A_455 = vector.broadcast %add3A_454 : i32 to vector<16xi32>
        %add3A_456 = arith.addi %add3A_455, %mul3A_453 : vector<16xi32>
        %add3A_457 = arith.constant 1 : i32
        %add3A_458 = vector.broadcast %add3A_457 : i32 to vector<16xi32>
        %add3A_459 = arith.addi %add3A_456, %add3A_458 : vector<16xi32>
        %gather3A_460 = tpu.vector_load_idx %arg7[%broadcast_in_dim3A_443, %add3A_459] : memref<512x64xf32, #tpu.memory_space<vmem>>[vector<16xi32>, vector<16xi32>], vector<16xf32>,
        %pack3A_461 = tpu.pack_subelements %gather3A_450, %gather3A_460 {pack_format = #tpu.pack_format<interleaved>, positions = array<i32: 0, 1>} : vector<16xf32>, vector<16xf32> -> vector<32xbf16>
        %mul3A_462 = arith.constant 512 : i32
        %mul3A_463 = arith.muli %scan3A_143, %mul3A_462 : i32
        %add3A_464 = arith.constant 16384 : i32
        %add3A_465 = arith.addi %add3A_464, %mul3A_463 : i32
        %add3A_466 = arith.constant 288 : i32
        %add3A_467 = arith.addi %add3A_465, %add3A_466 : i32
        %swap3A_468 = arith.index_cast %add3A_467 : i32 to index
        %swap3A_469 = tpu.vector_load %arg9[%swap3A_468] {strides = array<i32>} : memref<32768xbf16, #tpu.memory_space<vmem>>, vector<32xbf16>,
        tpu.vector_store %arg9[%swap3A_468], %pack3A_461 {strides = array<i32>} : memref<32768xbf16, #tpu.memory_space<vmem>>, vector<32xbf16>,
        %mul3A_470 = arith.constant 8 : i32
        %mul3A_471 = arith.muli %scan3A_143, %mul3A_470 : i32
        %add3A_472 = arith.constant 256 : i32
        %add3A_473 = arith.addi %add3A_472, %mul3A_471 : i32
        %add3A_474 = arith.constant 5 : i32
        %add3A_475 = arith.addi %add3A_473, %add3A_474 : i32
        %broadcast_in_dim3A_476 = vector.broadcast %add3A_475 : i32 to vector<16xi32>
        %mul3A_477 = arith.constant 2 : i32
        %mul3A_478 = vector.broadcast %mul3A_477 : i32 to vector<16xi32>
        %mul3A_479 = arith.muli %mul3A_478, %iota3A : vector<16xi32>
        %add3A_480 = arith.constant 0 : i32
        %add3A_481 = vector.broadcast %add3A_480 : i32 to vector<16xi32>
        %add3A_482 = arith.addi %add3A_481, %mul3A_479 : vector<16xi32>
        %gather3A_483 = tpu.vector_load_idx %arg7[%broadcast_in_dim3A_476, %add3A_482] : memref<512x64xf32, #tpu.memory_space<vmem>>[vector<16xi32>, vector<16xi32>], vector<16xf32>,
        %mul3A_484 = arith.constant 2 : i32
        %mul3A_485 = vector.broadcast %mul3A_484 : i32 to vector<16xi32>
        %mul3A_486 = arith.muli %mul3A_485, %iota3A : vector<16xi32>
        %add3A_487 = arith.constant 0 : i32
        %add3A_488 = vector.broadcast %add3A_487 : i32 to vector<16xi32>
        %add3A_489 = arith.addi %add3A_488, %mul3A_486 : vector<16xi32>
        %add3A_490 = arith.constant 1 : i32
        %add3A_491 = vector.broadcast %add3A_490 : i32 to vector<16xi32>
        %add3A_492 = arith.addi %add3A_489, %add3A_491 : vector<16xi32>
        %gather3A_493 = tpu.vector_load_idx %arg7[%broadcast_in_dim3A_476, %add3A_492] : memref<512x64xf32, #tpu.memory_space<vmem>>[vector<16xi32>, vector<16xi32>], vector<16xf32>,
        %pack3A_494 = tpu.pack_subelements %gather3A_483, %gather3A_493 {pack_format = #tpu.pack_format<interleaved>, positions = array<i32: 0, 1>} : vector<16xf32>, vector<16xf32> -> vector<32xbf16>
        %mul3A_495 = arith.constant 512 : i32
        %mul3A_496 = arith.muli %scan3A_143, %mul3A_495 : i32
        %add3A_497 = arith.constant 16384 : i32
        %add3A_498 = arith.addi %add3A_497, %mul3A_496 : i32
        %add3A_499 = arith.constant 320 : i32
        %add3A_500 = arith.addi %add3A_498, %add3A_499 : i32
        %swap3A_501 = arith.index_cast %add3A_500 : i32 to index
        %swap3A_502 = tpu.vector_load %arg9[%swap3A_501] {strides = array<i32>} : memref<32768xbf16, #tpu.memory_space<vmem>>, vector<32xbf16>,
        tpu.vector_store %arg9[%swap3A_501], %pack3A_494 {strides = array<i32>} : memref<32768xbf16, #tpu.memory_space<vmem>>, vector<32xbf16>,
        %mul3A_503 = arith.constant 8 : i32
        %mul3A_504 = arith.muli %scan3A_143, %mul3A_503 : i32
        %add3A_505 = arith.constant 256 : i32
        %add3A_506 = arith.addi %add3A_505, %mul3A_504 : i32
        %add3A_507 = arith.constant 5 : i32
        %add3A_508 = arith.addi %add3A_506, %add3A_507 : i32
        %broadcast_in_dim3A_509 = vector.broadcast %add3A_508 : i32 to vector<16xi32>
        %mul3A_510 = arith.constant 2 : i32
        %mul3A_511 = vector.broadcast %mul3A_510 : i32 to vector<16xi32>
        %mul3A_512 = arith.muli %mul3A_511, %iota3A : vector<16xi32>
        %add3A_513 = arith.constant 32 : i32
        %add3A_514 = vector.broadcast %add3A_513 : i32 to vector<16xi32>
        %add3A_515 = arith.addi %add3A_514, %mul3A_512 : vector<16xi32>
        %gather3A_516 = tpu.vector_load_idx %arg7[%broadcast_in_dim3A_509, %add3A_515] : memref<512x64xf32, #tpu.memory_space<vmem>>[vector<16xi32>, vector<16xi32>], vector<16xf32>,
        %mul3A_517 = arith.constant 2 : i32
        %mul3A_518 = vector.broadcast %mul3A_517 : i32 to vector<16xi32>
        %mul3A_519 = arith.muli %mul3A_518, %iota3A : vector<16xi32>
        %add3A_520 = arith.constant 32 : i32
        %add3A_521 = vector.broadcast %add3A_520 : i32 to vector<16xi32>
        %add3A_522 = arith.addi %add3A_521, %mul3A_519 : vector<16xi32>
        %add3A_523 = arith.constant 1 : i32
        %add3A_524 = vector.broadcast %add3A_523 : i32 to vector<16xi32>
        %add3A_525 = arith.addi %add3A_522, %add3A_524 : vector<16xi32>
        %gather3A_526 = tpu.vector_load_idx %arg7[%broadcast_in_dim3A_509, %add3A_525] : memref<512x64xf32, #tpu.memory_space<vmem>>[vector<16xi32>, vector<16xi32>], vector<16xf32>,
        %pack3A_527 = tpu.pack_subelements %gather3A_516, %gather3A_526 {pack_format = #tpu.pack_format<interleaved>, positions = array<i32: 0, 1>} : vector<16xf32>, vector<16xf32> -> vector<32xbf16>
        %mul3A_528 = arith.constant 512 : i32
        %mul3A_529 = arith.muli %scan3A_143, %mul3A_528 : i32
        %add3A_530 = arith.constant 16384 : i32
        %add3A_531 = arith.addi %add3A_530, %mul3A_529 : i32
        %add3A_532 = arith.constant 352 : i32
        %add3A_533 = arith.addi %add3A_531, %add3A_532 : i32
        %swap3A_534 = arith.index_cast %add3A_533 : i32 to index
        %swap3A_535 = tpu.vector_load %arg9[%swap3A_534] {strides = array<i32>} : memref<32768xbf16, #tpu.memory_space<vmem>>, vector<32xbf16>,
        tpu.vector_store %arg9[%swap3A_534], %pack3A_527 {strides = array<i32>} : memref<32768xbf16, #tpu.memory_space<vmem>>, vector<32xbf16>,
        %mul3A_536 = arith.constant 8 : i32
        %mul3A_537 = arith.muli %scan3A_143, %mul3A_536 : i32
        %add3A_538 = arith.constant 256 : i32
        %add3A_539 = arith.addi %add3A_538, %mul3A_537 : i32
        %add3A_540 = arith.constant 6 : i32
        %add3A_541 = arith.addi %add3A_539, %add3A_540 : i32
        %broadcast_in_dim3A_542 = vector.broadcast %add3A_541 : i32 to vector<16xi32>
        %mul3A_543 = arith.constant 2 : i32
        %mul3A_544 = vector.broadcast %mul3A_543 : i32 to vector<16xi32>
        %mul3A_545 = arith.muli %mul3A_544, %iota3A : vector<16xi32>
        %add3A_546 = arith.constant 0 : i32
        %add3A_547 = vector.broadcast %add3A_546 : i32 to vector<16xi32>
        %add3A_548 = arith.addi %add3A_547, %mul3A_545 : vector<16xi32>
        %gather3A_549 = tpu.vector_load_idx %arg7[%broadcast_in_dim3A_542, %add3A_548] : memref<512x64xf32, #tpu.memory_space<vmem>>[vector<16xi32>, vector<16xi32>], vector<16xf32>,
        %mul3A_550 = arith.constant 2 : i32
        %mul3A_551 = vector.broadcast %mul3A_550 : i32 to vector<16xi32>
        %mul3A_552 = arith.muli %mul3A_551, %iota3A : vector<16xi32>
        %add3A_553 = arith.constant 0 : i32
        %add3A_554 = vector.broadcast %add3A_553 : i32 to vector<16xi32>
        %add3A_555 = arith.addi %add3A_554, %mul3A_552 : vector<16xi32>
        %add3A_556 = arith.constant 1 : i32
        %add3A_557 = vector.broadcast %add3A_556 : i32 to vector<16xi32>
        %add3A_558 = arith.addi %add3A_555, %add3A_557 : vector<16xi32>
        %gather3A_559 = tpu.vector_load_idx %arg7[%broadcast_in_dim3A_542, %add3A_558] : memref<512x64xf32, #tpu.memory_space<vmem>>[vector<16xi32>, vector<16xi32>], vector<16xf32>,
        %pack3A_560 = tpu.pack_subelements %gather3A_549, %gather3A_559 {pack_format = #tpu.pack_format<interleaved>, positions = array<i32: 0, 1>} : vector<16xf32>, vector<16xf32> -> vector<32xbf16>
        %mul3A_561 = arith.constant 512 : i32
        %mul3A_562 = arith.muli %scan3A_143, %mul3A_561 : i32
        %add3A_563 = arith.constant 16384 : i32
        %add3A_564 = arith.addi %add3A_563, %mul3A_562 : i32
        %add3A_565 = arith.constant 384 : i32
        %add3A_566 = arith.addi %add3A_564, %add3A_565 : i32
        %swap3A_567 = arith.index_cast %add3A_566 : i32 to index
        %swap3A_568 = tpu.vector_load %arg9[%swap3A_567] {strides = array<i32>} : memref<32768xbf16, #tpu.memory_space<vmem>>, vector<32xbf16>,
        tpu.vector_store %arg9[%swap3A_567], %pack3A_560 {strides = array<i32>} : memref<32768xbf16, #tpu.memory_space<vmem>>, vector<32xbf16>,
        %mul3A_569 = arith.constant 8 : i32
        %mul3A_570 = arith.muli %scan3A_143, %mul3A_569 : i32
        %add3A_571 = arith.constant 256 : i32
        %add3A_572 = arith.addi %add3A_571, %mul3A_570 : i32
        %add3A_573 = arith.constant 6 : i32
        %add3A_574 = arith.addi %add3A_572, %add3A_573 : i32
        %broadcast_in_dim3A_575 = vector.broadcast %add3A_574 : i32 to vector<16xi32>
        %mul3A_576 = arith.constant 2 : i32
        %mul3A_577 = vector.broadcast %mul3A_576 : i32 to vector<16xi32>
        %mul3A_578 = arith.muli %mul3A_577, %iota3A : vector<16xi32>
        %add3A_579 = arith.constant 32 : i32
        %add3A_580 = vector.broadcast %add3A_579 : i32 to vector<16xi32>
        %add3A_581 = arith.addi %add3A_580, %mul3A_578 : vector<16xi32>
        %gather3A_582 = tpu.vector_load_idx %arg7[%broadcast_in_dim3A_575, %add3A_581] : memref<512x64xf32, #tpu.memory_space<vmem>>[vector<16xi32>, vector<16xi32>], vector<16xf32>,
        %mul3A_583 = arith.constant 2 : i32
        %mul3A_584 = vector.broadcast %mul3A_583 : i32 to vector<16xi32>
        %mul3A_585 = arith.muli %mul3A_584, %iota3A : vector<16xi32>
        %add3A_586 = arith.constant 32 : i32
        %add3A_587 = vector.broadcast %add3A_586 : i32 to vector<16xi32>
        %add3A_588 = arith.addi %add3A_587, %mul3A_585 : vector<16xi32>
        %add3A_589 = arith.constant 1 : i32
        %add3A_590 = vector.broadcast %add3A_589 : i32 to vector<16xi32>
        %add3A_591 = arith.addi %add3A_588, %add3A_590 : vector<16xi32>
        %gather3A_592 = tpu.vector_load_idx %arg7[%broadcast_in_dim3A_575, %add3A_591] : memref<512x64xf32, #tpu.memory_space<vmem>>[vector<16xi32>, vector<16xi32>], vector<16xf32>,
        %pack3A_593 = tpu.pack_subelements %gather3A_582, %gather3A_592 {pack_format = #tpu.pack_format<interleaved>, positions = array<i32: 0, 1>} : vector<16xf32>, vector<16xf32> -> vector<32xbf16>
        %mul3A_594 = arith.constant 512 : i32
        %mul3A_595 = arith.muli %scan3A_143, %mul3A_594 : i32
        %add3A_596 = arith.constant 16384 : i32
        %add3A_597 = arith.addi %add3A_596, %mul3A_595 : i32
        %add3A_598 = arith.constant 416 : i32
        %add3A_599 = arith.addi %add3A_597, %add3A_598 : i32
        %swap3A_600 = arith.index_cast %add3A_599 : i32 to index
        %swap3A_601 = tpu.vector_load %arg9[%swap3A_600] {strides = array<i32>} : memref<32768xbf16, #tpu.memory_space<vmem>>, vector<32xbf16>,
        tpu.vector_store %arg9[%swap3A_600], %pack3A_593 {strides = array<i32>} : memref<32768xbf16, #tpu.memory_space<vmem>>, vector<32xbf16>,
        %mul3A_602 = arith.constant 8 : i32
        %mul3A_603 = arith.muli %scan3A_143, %mul3A_602 : i32
        %add3A_604 = arith.constant 256 : i32
        %add3A_605 = arith.addi %add3A_604, %mul3A_603 : i32
        %add3A_606 = arith.constant 7 : i32
        %add3A_607 = arith.addi %add3A_605, %add3A_606 : i32
        %broadcast_in_dim3A_608 = vector.broadcast %add3A_607 : i32 to vector<16xi32>
        %mul3A_609 = arith.constant 2 : i32
        %mul3A_610 = vector.broadcast %mul3A_609 : i32 to vector<16xi32>
        %mul3A_611 = arith.muli %mul3A_610, %iota3A : vector<16xi32>
        %add3A_612 = arith.constant 0 : i32
        %add3A_613 = vector.broadcast %add3A_612 : i32 to vector<16xi32>
        %add3A_614 = arith.addi %add3A_613, %mul3A_611 : vector<16xi32>
        %gather3A_615 = tpu.vector_load_idx %arg7[%broadcast_in_dim3A_608, %add3A_614] : memref<512x64xf32, #tpu.memory_space<vmem>>[vector<16xi32>, vector<16xi32>], vector<16xf32>,
        %mul3A_616 = arith.constant 2 : i32
        %mul3A_617 = vector.broadcast %mul3A_616 : i32 to vector<16xi32>
        %mul3A_618 = arith.muli %mul3A_617, %iota3A : vector<16xi32>
        %add3A_619 = arith.constant 0 : i32
        %add3A_620 = vector.broadcast %add3A_619 : i32 to vector<16xi32>
        %add3A_621 = arith.addi %add3A_620, %mul3A_618 : vector<16xi32>
        %add3A_622 = arith.constant 1 : i32
        %add3A_623 = vector.broadcast %add3A_622 : i32 to vector<16xi32>
        %add3A_624 = arith.addi %add3A_621, %add3A_623 : vector<16xi32>
        %gather3A_625 = tpu.vector_load_idx %arg7[%broadcast_in_dim3A_608, %add3A_624] : memref<512x64xf32, #tpu.memory_space<vmem>>[vector<16xi32>, vector<16xi32>], vector<16xf32>,
        %pack3A_626 = tpu.pack_subelements %gather3A_615, %gather3A_625 {pack_format = #tpu.pack_format<interleaved>, positions = array<i32: 0, 1>} : vector<16xf32>, vector<16xf32> -> vector<32xbf16>
        %mul3A_627 = arith.constant 512 : i32
        %mul3A_628 = arith.muli %scan3A_143, %mul3A_627 : i32
        %add3A_629 = arith.constant 16384 : i32
        %add3A_630 = arith.addi %add3A_629, %mul3A_628 : i32
        %add3A_631 = arith.constant 448 : i32
        %add3A_632 = arith.addi %add3A_630, %add3A_631 : i32
        %swap3A_633 = arith.index_cast %add3A_632 : i32 to index
        %swap3A_634 = tpu.vector_load %arg9[%swap3A_633] {strides = array<i32>} : memref<32768xbf16, #tpu.memory_space<vmem>>, vector<32xbf16>,
        tpu.vector_store %arg9[%swap3A_633], %pack3A_626 {strides = array<i32>} : memref<32768xbf16, #tpu.memory_space<vmem>>, vector<32xbf16>,
        %mul3A_635 = arith.constant 8 : i32
        %mul3A_636 = arith.muli %scan3A_143, %mul3A_635 : i32
        %add3A_637 = arith.constant 256 : i32
        %add3A_638 = arith.addi %add3A_637, %mul3A_636 : i32
        %add3A_639 = arith.constant 7 : i32
        %add3A_640 = arith.addi %add3A_638, %add3A_639 : i32
        %broadcast_in_dim3A_641 = vector.broadcast %add3A_640 : i32 to vector<16xi32>
        %mul3A_642 = arith.constant 2 : i32
        %mul3A_643 = vector.broadcast %mul3A_642 : i32 to vector<16xi32>
        %mul3A_644 = arith.muli %mul3A_643, %iota3A : vector<16xi32>
        %add3A_645 = arith.constant 32 : i32
        %add3A_646 = vector.broadcast %add3A_645 : i32 to vector<16xi32>
        %add3A_647 = arith.addi %add3A_646, %mul3A_644 : vector<16xi32>
        %gather3A_648 = tpu.vector_load_idx %arg7[%broadcast_in_dim3A_641, %add3A_647] : memref<512x64xf32, #tpu.memory_space<vmem>>[vector<16xi32>, vector<16xi32>], vector<16xf32>,
        %mul3A_649 = arith.constant 2 : i32
        %mul3A_650 = vector.broadcast %mul3A_649 : i32 to vector<16xi32>
        %mul3A_651 = arith.muli %mul3A_650, %iota3A : vector<16xi32>
        %add3A_652 = arith.constant 32 : i32
        %add3A_653 = vector.broadcast %add3A_652 : i32 to vector<16xi32>
        %add3A_654 = arith.addi %add3A_653, %mul3A_651 : vector<16xi32>
        %add3A_655 = arith.constant 1 : i32
        %add3A_656 = vector.broadcast %add3A_655 : i32 to vector<16xi32>
        %add3A_657 = arith.addi %add3A_654, %add3A_656 : vector<16xi32>
        %gather3A_658 = tpu.vector_load_idx %arg7[%broadcast_in_dim3A_641, %add3A_657] : memref<512x64xf32, #tpu.memory_space<vmem>>[vector<16xi32>, vector<16xi32>], vector<16xf32>,
        %pack3A_659 = tpu.pack_subelements %gather3A_648, %gather3A_658 {pack_format = #tpu.pack_format<interleaved>, positions = array<i32: 0, 1>} : vector<16xf32>, vector<16xf32> -> vector<32xbf16>
        %mul3A_660 = arith.constant 512 : i32
        %mul3A_661 = arith.muli %scan3A_143, %mul3A_660 : i32
        %add3A_662 = arith.constant 16384 : i32
        %add3A_663 = arith.addi %add3A_662, %mul3A_661 : i32
        %add3A_664 = arith.constant 480 : i32
        %add3A_665 = arith.addi %add3A_663, %add3A_664 : i32
        %swap3A_666 = arith.index_cast %add3A_665 : i32 to index
        %swap3A_667 = tpu.vector_load %arg9[%swap3A_666] {strides = array<i32>} : memref<32768xbf16, #tpu.memory_space<vmem>>, vector<32xbf16>,
        tpu.vector_store %arg9[%swap3A_666], %pack3A_659 {strides = array<i32>} : memref<32768xbf16, #tpu.memory_space<vmem>>, vector<32xbf16>,
      }
      %scan3A_91 = arith.constant 32 : i32
      %mul3A_92 = arith.constant 512 : i32
      %mul3A_93 = arith.muli %mul3A_38, %mul3A_92 : i32
      %mul3A_94 = arith.constant 64 : i32
      %mul3A_95 = arith.muli %mul3A_93, %mul3A_94 : i32
      %add3A_96 = arith.addi %mul3A_6, %mul3A_95 : i32
      %dma_start3A_97 = tpu.memref_slice %arg4[%add3A_96] : memref<27262976xbf16, #tpu.memory_space<hbm>> -> memref<32768xbf16, #tpu.memory_space<hbm>>
      %dma_start3A_98 = tpu.memref_slice %arg4[%add3A_96] : memref<27262976xbf16, #tpu.memory_space<hbm>> -> memref<32768xbf16, #tpu.memory_space<hbm>>
      tpu.enqueue_dma source(%arg9 : memref<32768xbf16, #tpu.memory_space<vmem>>) target(%dma_start3A_98 : memref<32768xbf16, #tpu.memory_space<hbm>>) target_semaphore(%arg13 : memref<!tpu.dma_semaphore, #tpu.memory_space<semaphore_mem>>)
      %lt3A = arith.constant 12 : i32
      %lt3A_99 = arith.cmpi slt, %scan3A_36, %lt3A : i32
      %convert_element_type3A_100 = arith.extui %lt3A_99 : i1 to i32
      %cond3A_101 = arith.constant 0 : i32
      %cond3A_102 = arith.cmpi ne, %convert_element_type3A_100, %cond3A_101 : i32
      scf.if %cond3A_102 {
        %add3A_143 = arith.constant 2 : i32
        %add3A_144 = arith.addi %mul3A_38, %add3A_143 : i32
        %mul3A_145 = arith.constant 512 : i32
        %mul3A_146 = arith.muli %add3A_144, %mul3A_145 : i32
        %add3A_147 = arith.addi %mul3A_2, %mul3A_146 : i32
        "tpu.region"() ({
          %run_scoped3A = tpu.sem_alloc : memref<!tpu.dma_semaphore, #tpu.memory_space<semaphore_mem>>
          %dma_start3A_164 = tpu.memref_slice %arg2[%add3A_147] : memref<425984xi32, #tpu.memory_space<hbm>> -> memref<512xi32, #tpu.memory_space<hbm>>
          %dma_start3A_165 = tpu.memref_slice %arg2[%add3A_147] : memref<425984xi32, #tpu.memory_space<hbm>> -> memref<512xi32, #tpu.memory_space<hbm>>
          tpu.enqueue_dma source(%dma_start3A_165 : memref<512xi32, #tpu.memory_space<hbm>>) target(%arg5 : memref<512xi32, #tpu.memory_space<vmem>>) target_semaphore(%run_scoped3A : memref<!tpu.dma_semaphore, #tpu.memory_space<semaphore_mem>>)
          %dma_wait3A_166 = tpu.memref_slice %arg2[%add3A_147] : memref<425984xi32, #tpu.memory_space<hbm>> -> memref<512xi32, #tpu.memory_space<hbm>>
          %dma_wait3A_167 = tpu.memref_slice %arg2[%add3A_147] : memref<425984xi32, #tpu.memory_space<hbm>> -> memref<512xi32, #tpu.memory_space<hbm>>
          tpu.wait_dma2 semaphore(%run_scoped3A : memref<!tpu.dma_semaphore, #tpu.memory_space<semaphore_mem>>) src(%dma_wait3A_167 : memref<512xi32, #tpu.memory_space<hbm>>) dst(%arg5 : memref<512xi32, #tpu.memory_space<vmem>>)
          tpu.yield
        }) : () -> ()
        %dma_start3A_148 = arith.constant 0 : i32
        %dma_start3A_149 = arith.constant 0 : i32
        %dma_start3A_150 = tpu.memref_slice %arg7[%dma_start3A_148, %dma_start3A_149] : memref<512x64xf32, #tpu.memory_space<vmem>> -> memref<256x64xf32, #tpu.memory_space<vmem>>
        %dma_start3A_151 = arith.constant 0 : i32
        %dma_start3A_152 = tpu.memref_slice %arg5[%dma_start3A_151] : memref<512xi32, #tpu.memory_space<vmem>> -> memref<256xi32, #tpu.memory_space<vmem>>
        %dma_start3A_153 = arith.constant 0 : i32
        %dma_start3A_154 = arith.constant 0 : i32
        %dma_start3A_155 = tpu.memref_slice %arg3[%dma_start3A_153, %dma_start3A_154] : memref<1000000x64xf32, #tpu.memory_space<hbm>> -> memref<1000000x64xf32, #tpu.memory_space<hbm>>
        tpu.enqueue_indirect_dma source(%dma_start3A_155 : memref<1000000x64xf32, #tpu.memory_space<hbm>>) target(%dma_start3A_150 : memref<256x64xf32, #tpu.memory_space<vmem>>) offsets(%dma_start3A_152 : memref<256xi32, #tpu.memory_space<vmem>>) semaphore(%arg11 : memref<!tpu.dma_semaphore, #tpu.memory_space<semaphore_mem>>)
        %dma_start3A_156 = arith.constant 256 : i32
        %dma_start3A_157 = arith.constant 0 : i32
        %dma_start3A_158 = tpu.memref_slice %arg7[%dma_start3A_156, %dma_start3A_157] : memref<512x64xf32, #tpu.memory_space<vmem>> -> memref<256x64xf32, #tpu.memory_space<vmem>>
        %dma_start3A_159 = arith.constant 256 : i32
        %dma_start3A_160 = tpu.memref_slice %arg5[%dma_start3A_159] : memref<512xi32, #tpu.memory_space<vmem>> -> memref<256xi32, #tpu.memory_space<vmem>>
        %dma_start3A_161 = arith.constant 0 : i32
        %dma_start3A_162 = arith.constant 0 : i32
        %dma_start3A_163 = tpu.memref_slice %arg3[%dma_start3A_161, %dma_start3A_162] : memref<1000000x64xf32, #tpu.memory_space<hbm>> -> memref<1000000x64xf32, #tpu.memory_space<hbm>>
        tpu.enqueue_indirect_dma source(%dma_start3A_163 : memref<1000000x64xf32, #tpu.memory_space<hbm>>) target(%dma_start3A_158 : memref<256x64xf32, #tpu.memory_space<vmem>>) offsets(%dma_start3A_160 : memref<256xi32, #tpu.memory_space<vmem>>) semaphore(%arg11 : memref<!tpu.dma_semaphore, #tpu.memory_space<semaphore_mem>>)
      } else {
      }
      %gt3A_103 = arith.constant 0 : i32
      %gt3A_104 = arith.cmpi sgt, %scan3A_36, %gt3A_103 : i32
      %convert_element_type3A_105 = arith.extui %gt3A_104 : i1 to i32
      %cond3A_106 = arith.constant 0 : i32
      %cond3A_107 = arith.cmpi ne, %convert_element_type3A_105, %cond3A_106 : i32
      scf.if %cond3A_107 {
        %sub3A = arith.constant 2 : i32
        %sub3A_143 = arith.subi %add3A_42, %sub3A : i32
        %mul3A_144 = arith.constant 512 : i32
        %mul3A_145 = arith.muli %sub3A_143, %mul3A_144 : i32
        %mul3A_146 = arith.constant 64 : i32
        %mul3A_147 = arith.muli %mul3A_145, %mul3A_146 : i32
        %add3A_148 = arith.addi %mul3A_6, %mul3A_147 : i32
        %dma_wait3A_149 = tpu.memref_slice %arg4[%add3A_148] : memref<27262976xbf16, #tpu.memory_space<hbm>> -> memref<32768xbf16, #tpu.memory_space<hbm>>
        %dma_wait3A_150 = tpu.memref_slice %arg4[%add3A_148] : memref<27262976xbf16, #tpu.memory_space<hbm>> -> memref<32768xbf16, #tpu.memory_space<hbm>>
        tpu.wait_dma2 semaphore(%arg14 : memref<!tpu.dma_semaphore, #tpu.memory_space<semaphore_mem>>) src(%arg10 : memref<32768xbf16, #tpu.memory_space<vmem>>) dst(%dma_wait3A_150 : memref<32768xbf16, #tpu.memory_space<hbm>>)
      } else {
      }
      %dma_wait3A_108 = arith.constant 0 : i32
      %dma_wait3A_109 = arith.constant 0 : i32
      %dma_wait3A_110 = tpu.memref_slice %arg8[%dma_wait3A_108, %dma_wait3A_109] : memref<512x64xf32, #tpu.memory_space<vmem>> -> memref<256x64xf32, #tpu.memory_space<vmem>>
      %dma_wait3A_111 = arith.constant 0 : i32
      %dma_wait3A_112 = tpu.memref_slice %arg6[%dma_wait3A_111] : memref<512xi32, #tpu.memory_space<vmem>> -> memref<256xi32, #tpu.memory_space<vmem>>
      %dma_wait3A_113 = arith.constant 0 : i32
      %dma_wait3A_114 = arith.constant 0 : i32
      %dma_wait3A_115 = tpu.memref_slice %arg3[%dma_wait3A_113, %dma_wait3A_114] : memref<1000000x64xf32, #tpu.memory_space<hbm>> -> memref<1000000x64xf32, #tpu.memory_space<hbm>>
      tpu.wait_indirect_dma semaphore(%arg12 : memref<!tpu.dma_semaphore, #tpu.memory_space<semaphore_mem>>) src(%dma_wait3A_115 : memref<1000000x64xf32, #tpu.memory_space<hbm>>) dst(%dma_wait3A_110 : memref<256x64xf32, #tpu.memory_space<vmem>>)
      %scan3A_116 = arith.constant 0 : i32
      %scan3A_117 = arith.constant 0 : i32
      %scan3A_118 = arith.constant 32 : i32
      %scan3A_119 = arith.addi %scan3A_117, %scan3A_118 : i32
      %scan3A_120 = arith.constant 1 : i32
      scf.for %scan3A_143 = %scan3A_117 to %scan3A_119 step %scan3A_120  : i32 {
        %mul3A_144 = arith.constant 8 : i32
        %mul3A_145 = arith.muli %scan3A_143, %mul3A_144 : i32
        %add3A_146 = arith.constant 0 : i32
        %add3A_147 = arith.addi %add3A_146, %mul3A_145 : i32
        %add3A_148 = arith.constant 0 : i32
        %add3A_149 = arith.addi %add3A_147, %add3A_148 : i32
        %broadcast_in_dim3A = vector.broadcast %add3A_149 : i32 to vector<16xi32>
        %mul3A_150 = arith.constant 2 : i32
        %mul3A_151 = vector.broadcast %mul3A_150 : i32 to vector<16xi32>
        %mul3A_152 = arith.muli %mul3A_151, %iota3A : vector<16xi32>
        %add3A_153 = arith.constant 0 : i32
        %add3A_154 = vector.broadcast %add3A_153 : i32 to vector<16xi32>
        %add3A_155 = arith.addi %add3A_154, %mul3A_152 : vector<16xi32>
        %gather3A = tpu.vector_load_idx %arg8[%broadcast_in_dim3A, %add3A_155] : memref<512x64xf32, #tpu.memory_space<vmem>>[vector<16xi32>, vector<16xi32>], vector<16xf32>,
        %mul3A_156 = arith.constant 2 : i32
        %mul3A_157 = vector.broadcast %mul3A_156 : i32 to vector<16xi32>
        %mul3A_158 = arith.muli %mul3A_157, %iota3A : vector<16xi32>
        %add3A_159 = arith.constant 0 : i32
        %add3A_160 = vector.broadcast %add3A_159 : i32 to vector<16xi32>
        %add3A_161 = arith.addi %add3A_160, %mul3A_158 : vector<16xi32>
        %add3A_162 = arith.constant 1 : i32
        %add3A_163 = vector.broadcast %add3A_162 : i32 to vector<16xi32>
        %add3A_164 = arith.addi %add3A_161, %add3A_163 : vector<16xi32>
        %gather3A_165 = tpu.vector_load_idx %arg8[%broadcast_in_dim3A, %add3A_164] : memref<512x64xf32, #tpu.memory_space<vmem>>[vector<16xi32>, vector<16xi32>], vector<16xf32>,
        %pack3A = tpu.pack_subelements %gather3A, %gather3A_165 {pack_format = #tpu.pack_format<interleaved>, positions = array<i32: 0, 1>} : vector<16xf32>, vector<16xf32> -> vector<32xbf16>
        %mul3A_166 = arith.constant 512 : i32
        %mul3A_167 = arith.muli %scan3A_143, %mul3A_166 : i32
        %add3A_168 = arith.constant 0 : i32
        %add3A_169 = arith.addi %add3A_168, %mul3A_167 : i32
        %add3A_170 = arith.constant 0 : i32
        %add3A_171 = arith.addi %add3A_169, %add3A_170 : i32
        %swap3A = arith.index_cast %add3A_171 : i32 to index
        %swap3A_172 = tpu.vector_load %arg10[%swap3A] {strides = array<i32>} : memref<32768xbf16, #tpu.memory_space<vmem>>, vector<32xbf16>,
        tpu.vector_store %arg10[%swap3A], %pack3A {strides = array<i32>} : memref<32768xbf16, #tpu.memory_space<vmem>>, vector<32xbf16>,
        %mul3A_173 = arith.constant 8 : i32
        %mul3A_174 = arith.muli %scan3A_143, %mul3A_173 : i32
        %add3A_175 = arith.constant 0 : i32
        %add3A_176 = arith.addi %add3A_175, %mul3A_174 : i32
        %add3A_177 = arith.constant 0 : i32
        %add3A_178 = arith.addi %add3A_176, %add3A_177 : i32
        %broadcast_in_dim3A_179 = vector.broadcast %add3A_178 : i32 to vector<16xi32>
        %mul3A_180 = arith.constant 2 : i32
        %mul3A_181 = vector.broadcast %mul3A_180 : i32 to vector<16xi32>
        %mul3A_182 = arith.muli %mul3A_181, %iota3A : vector<16xi32>
        %add3A_183 = arith.constant 32 : i32
        %add3A_184 = vector.broadcast %add3A_183 : i32 to vector<16xi32>
        %add3A_185 = arith.addi %add3A_184, %mul3A_182 : vector<16xi32>
        %gather3A_186 = tpu.vector_load_idx %arg8[%broadcast_in_dim3A_179, %add3A_185] : memref<512x64xf32, #tpu.memory_space<vmem>>[vector<16xi32>, vector<16xi32>], vector<16xf32>,
        %mul3A_187 = arith.constant 2 : i32
        %mul3A_188 = vector.broadcast %mul3A_187 : i32 to vector<16xi32>
        %mul3A_189 = arith.muli %mul3A_188, %iota3A : vector<16xi32>
        %add3A_190 = arith.constant 32 : i32
        %add3A_191 = vector.broadcast %add3A_190 : i32 to vector<16xi32>
        %add3A_192 = arith.addi %add3A_191, %mul3A_189 : vector<16xi32>
        %add3A_193 = arith.constant 1 : i32
        %add3A_194 = vector.broadcast %add3A_193 : i32 to vector<16xi32>
        %add3A_195 = arith.addi %add3A_192, %add3A_194 : vector<16xi32>
        %gather3A_196 = tpu.vector_load_idx %arg8[%broadcast_in_dim3A_179, %add3A_195] : memref<512x64xf32, #tpu.memory_space<vmem>>[vector<16xi32>, vector<16xi32>], vector<16xf32>,
        %pack3A_197 = tpu.pack_subelements %gather3A_186, %gather3A_196 {pack_format = #tpu.pack_format<interleaved>, positions = array<i32: 0, 1>} : vector<16xf32>, vector<16xf32> -> vector<32xbf16>
        %mul3A_198 = arith.constant 512 : i32
        %mul3A_199 = arith.muli %scan3A_143, %mul3A_198 : i32
        %add3A_200 = arith.constant 0 : i32
        %add3A_201 = arith.addi %add3A_200, %mul3A_199 : i32
        %add3A_202 = arith.constant 32 : i32
        %add3A_203 = arith.addi %add3A_201, %add3A_202 : i32
        %swap3A_204 = arith.index_cast %add3A_203 : i32 to index
        %swap3A_205 = tpu.vector_load %arg10[%swap3A_204] {strides = array<i32>} : memref<32768xbf16, #tpu.memory_space<vmem>>, vector<32xbf16>,
        tpu.vector_store %arg10[%swap3A_204], %pack3A_197 {strides = array<i32>} : memref<32768xbf16, #tpu.memory_space<vmem>>, vector<32xbf16>,
        %mul3A_206 = arith.constant 8 : i32
        %mul3A_207 = arith.muli %scan3A_143, %mul3A_206 : i32
        %add3A_208 = arith.constant 0 : i32
        %add3A_209 = arith.addi %add3A_208, %mul3A_207 : i32
        %add3A_210 = arith.constant 1 : i32
        %add3A_211 = arith.addi %add3A_209, %add3A_210 : i32
        %broadcast_in_dim3A_212 = vector.broadcast %add3A_211 : i32 to vector<16xi32>
        %mul3A_213 = arith.constant 2 : i32
        %mul3A_214 = vector.broadcast %mul3A_213 : i32 to vector<16xi32>
        %mul3A_215 = arith.muli %mul3A_214, %iota3A : vector<16xi32>
        %add3A_216 = arith.constant 0 : i32
        %add3A_217 = vector.broadcast %add3A_216 : i32 to vector<16xi32>
        %add3A_218 = arith.addi %add3A_217, %mul3A_215 : vector<16xi32>
        %gather3A_219 = tpu.vector_load_idx %arg8[%broadcast_in_dim3A_212, %add3A_218] : memref<512x64xf32, #tpu.memory_space<vmem>>[vector<16xi32>, vector<16xi32>], vector<16xf32>,
        %mul3A_220 = arith.constant 2 : i32
        %mul3A_221 = vector.broadcast %mul3A_220 : i32 to vector<16xi32>
        %mul3A_222 = arith.muli %mul3A_221, %iota3A : vector<16xi32>
        %add3A_223 = arith.constant 0 : i32
        %add3A_224 = vector.broadcast %add3A_223 : i32 to vector<16xi32>
        %add3A_225 = arith.addi %add3A_224, %mul3A_222 : vector<16xi32>
        %add3A_226 = arith.constant 1 : i32
        %add3A_227 = vector.broadcast %add3A_226 : i32 to vector<16xi32>
        %add3A_228 = arith.addi %add3A_225, %add3A_227 : vector<16xi32>
        %gather3A_229 = tpu.vector_load_idx %arg8[%broadcast_in_dim3A_212, %add3A_228] : memref<512x64xf32, #tpu.memory_space<vmem>>[vector<16xi32>, vector<16xi32>], vector<16xf32>,
        %pack3A_230 = tpu.pack_subelements %gather3A_219, %gather3A_229 {pack_format = #tpu.pack_format<interleaved>, positions = array<i32: 0, 1>} : vector<16xf32>, vector<16xf32> -> vector<32xbf16>
        %mul3A_231 = arith.constant 512 : i32
        %mul3A_232 = arith.muli %scan3A_143, %mul3A_231 : i32
        %add3A_233 = arith.constant 0 : i32
        %add3A_234 = arith.addi %add3A_233, %mul3A_232 : i32
        %add3A_235 = arith.constant 64 : i32
        %add3A_236 = arith.addi %add3A_234, %add3A_235 : i32
        %swap3A_237 = arith.index_cast %add3A_236 : i32 to index
        %swap3A_238 = tpu.vector_load %arg10[%swap3A_237] {strides = array<i32>} : memref<32768xbf16, #tpu.memory_space<vmem>>, vector<32xbf16>,
        tpu.vector_store %arg10[%swap3A_237], %pack3A_230 {strides = array<i32>} : memref<32768xbf16, #tpu.memory_space<vmem>>, vector<32xbf16>,
        %mul3A_239 = arith.constant 8 : i32
        %mul3A_240 = arith.muli %scan3A_143, %mul3A_239 : i32
        %add3A_241 = arith.constant 0 : i32
        %add3A_242 = arith.addi %add3A_241, %mul3A_240 : i32
        %add3A_243 = arith.constant 1 : i32
        %add3A_244 = arith.addi %add3A_242, %add3A_243 : i32
        %broadcast_in_dim3A_245 = vector.broadcast %add3A_244 : i32 to vector<16xi32>
        %mul3A_246 = arith.constant 2 : i32
        %mul3A_247 = vector.broadcast %mul3A_246 : i32 to vector<16xi32>
        %mul3A_248 = arith.muli %mul3A_247, %iota3A : vector<16xi32>
        %add3A_249 = arith.constant 32 : i32
        %add3A_250 = vector.broadcast %add3A_249 : i32 to vector<16xi32>
        %add3A_251 = arith.addi %add3A_250, %mul3A_248 : vector<16xi32>
        %gather3A_252 = tpu.vector_load_idx %arg8[%broadcast_in_dim3A_245, %add3A_251] : memref<512x64xf32, #tpu.memory_space<vmem>>[vector<16xi32>, vector<16xi32>], vector<16xf32>,
        %mul3A_253 = arith.constant 2 : i32
        %mul3A_254 = vector.broadcast %mul3A_253 : i32 to vector<16xi32>
        %mul3A_255 = arith.muli %mul3A_254, %iota3A : vector<16xi32>
        %add3A_256 = arith.constant 32 : i32
        %add3A_257 = vector.broadcast %add3A_256 : i32 to vector<16xi32>
        %add3A_258 = arith.addi %add3A_257, %mul3A_255 : vector<16xi32>
        %add3A_259 = arith.constant 1 : i32
        %add3A_260 = vector.broadcast %add3A_259 : i32 to vector<16xi32>
        %add3A_261 = arith.addi %add3A_258, %add3A_260 : vector<16xi32>
        %gather3A_262 = tpu.vector_load_idx %arg8[%broadcast_in_dim3A_245, %add3A_261] : memref<512x64xf32, #tpu.memory_space<vmem>>[vector<16xi32>, vector<16xi32>], vector<16xf32>,
        %pack3A_263 = tpu.pack_subelements %gather3A_252, %gather3A_262 {pack_format = #tpu.pack_format<interleaved>, positions = array<i32: 0, 1>} : vector<16xf32>, vector<16xf32> -> vector<32xbf16>
        %mul3A_264 = arith.constant 512 : i32
        %mul3A_265 = arith.muli %scan3A_143, %mul3A_264 : i32
        %add3A_266 = arith.constant 0 : i32
        %add3A_267 = arith.addi %add3A_266, %mul3A_265 : i32
        %add3A_268 = arith.constant 96 : i32
        %add3A_269 = arith.addi %add3A_267, %add3A_268 : i32
        %swap3A_270 = arith.index_cast %add3A_269 : i32 to index
        %swap3A_271 = tpu.vector_load %arg10[%swap3A_270] {strides = array<i32>} : memref<32768xbf16, #tpu.memory_space<vmem>>, vector<32xbf16>,
        tpu.vector_store %arg10[%swap3A_270], %pack3A_263 {strides = array<i32>} : memref<32768xbf16, #tpu.memory_space<vmem>>, vector<32xbf16>,
        %mul3A_272 = arith.constant 8 : i32
        %mul3A_273 = arith.muli %scan3A_143, %mul3A_272 : i32
        %add3A_274 = arith.constant 0 : i32
        %add3A_275 = arith.addi %add3A_274, %mul3A_273 : i32
        %add3A_276 = arith.constant 2 : i32
        %add3A_277 = arith.addi %add3A_275, %add3A_276 : i32
        %broadcast_in_dim3A_278 = vector.broadcast %add3A_277 : i32 to vector<16xi32>
        %mul3A_279 = arith.constant 2 : i32
        %mul3A_280 = vector.broadcast %mul3A_279 : i32 to vector<16xi32>
        %mul3A_281 = arith.muli %mul3A_280, %iota3A : vector<16xi32>
        %add3A_282 = arith.constant 0 : i32
        %add3A_283 = vector.broadcast %add3A_282 : i32 to vector<16xi32>
        %add3A_284 = arith.addi %add3A_283, %mul3A_281 : vector<16xi32>
        %gather3A_285 = tpu.vector_load_idx %arg8[%broadcast_in_dim3A_278, %add3A_284] : memref<512x64xf32, #tpu.memory_space<vmem>>[vector<16xi32>, vector<16xi32>], vector<16xf32>,
        %mul3A_286 = arith.constant 2 : i32
        %mul3A_287 = vector.broadcast %mul3A_286 : i32 to vector<16xi32>
        %mul3A_288 = arith.muli %mul3A_287, %iota3A : vector<16xi32>
        %add3A_289 = arith.constant 0 : i32
        %add3A_290 = vector.broadcast %add3A_289 : i32 to vector<16xi32>
        %add3A_291 = arith.addi %add3A_290, %mul3A_288 : vector<16xi32>
        %add3A_292 = arith.constant 1 : i32
        %add3A_293 = vector.broadcast %add3A_292 : i32 to vector<16xi32>
        %add3A_294 = arith.addi %add3A_291, %add3A_293 : vector<16xi32>
        %gather3A_295 = tpu.vector_load_idx %arg8[%broadcast_in_dim3A_278, %add3A_294] : memref<512x64xf32, #tpu.memory_space<vmem>>[vector<16xi32>, vector<16xi32>], vector<16xf32>,
        %pack3A_296 = tpu.pack_subelements %gather3A_285, %gather3A_295 {pack_format = #tpu.pack_format<interleaved>, positions = array<i32: 0, 1>} : vector<16xf32>, vector<16xf32> -> vector<32xbf16>
        %mul3A_297 = arith.constant 512 : i32
        %mul3A_298 = arith.muli %scan3A_143, %mul3A_297 : i32
        %add3A_299 = arith.constant 0 : i32
        %add3A_300 = arith.addi %add3A_299, %mul3A_298 : i32
        %add3A_301 = arith.constant 128 : i32
        %add3A_302 = arith.addi %add3A_300, %add3A_301 : i32
        %swap3A_303 = arith.index_cast %add3A_302 : i32 to index
        %swap3A_304 = tpu.vector_load %arg10[%swap3A_303] {strides = array<i32>} : memref<32768xbf16, #tpu.memory_space<vmem>>, vector<32xbf16>,
        tpu.vector_store %arg10[%swap3A_303], %pack3A_296 {strides = array<i32>} : memref<32768xbf16, #tpu.memory_space<vmem>>, vector<32xbf16>,
        %mul3A_305 = arith.constant 8 : i32
        %mul3A_306 = arith.muli %scan3A_143, %mul3A_305 : i32
        %add3A_307 = arith.constant 0 : i32
        %add3A_308 = arith.addi %add3A_307, %mul3A_306 : i32
        %add3A_309 = arith.constant 2 : i32
        %add3A_310 = arith.addi %add3A_308, %add3A_309 : i32
        %broadcast_in_dim3A_311 = vector.broadcast %add3A_310 : i32 to vector<16xi32>
        %mul3A_312 = arith.constant 2 : i32
        %mul3A_313 = vector.broadcast %mul3A_312 : i32 to vector<16xi32>
        %mul3A_314 = arith.muli %mul3A_313, %iota3A : vector<16xi32>
        %add3A_315 = arith.constant 32 : i32
        %add3A_316 = vector.broadcast %add3A_315 : i32 to vector<16xi32>
        %add3A_317 = arith.addi %add3A_316, %mul3A_314 : vector<16xi32>
        %gather3A_318 = tpu.vector_load_idx %arg8[%broadcast_in_dim3A_311, %add3A_317] : memref<512x64xf32, #tpu.memory_space<vmem>>[vector<16xi32>, vector<16xi32>], vector<16xf32>,
        %mul3A_319 = arith.constant 2 : i32
        %mul3A_320 = vector.broadcast %mul3A_319 : i32 to vector<16xi32>
        %mul3A_321 = arith.muli %mul3A_320, %iota3A : vector<16xi32>
        %add3A_322 = arith.constant 32 : i32
        %add3A_323 = vector.broadcast %add3A_322 : i32 to vector<16xi32>
        %add3A_324 = arith.addi %add3A_323, %mul3A_321 : vector<16xi32>
        %add3A_325 = arith.constant 1 : i32
        %add3A_326 = vector.broadcast %add3A_325 : i32 to vector<16xi32>
        %add3A_327 = arith.addi %add3A_324, %add3A_326 : vector<16xi32>
        %gather3A_328 = tpu.vector_load_idx %arg8[%broadcast_in_dim3A_311, %add3A_327] : memref<512x64xf32, #tpu.memory_space<vmem>>[vector<16xi32>, vector<16xi32>], vector<16xf32>,
        %pack3A_329 = tpu.pack_subelements %gather3A_318, %gather3A_328 {pack_format = #tpu.pack_format<interleaved>, positions = array<i32: 0, 1>} : vector<16xf32>, vector<16xf32> -> vector<32xbf16>
        %mul3A_330 = arith.constant 512 : i32
        %mul3A_331 = arith.muli %scan3A_143, %mul3A_330 : i32
        %add3A_332 = arith.constant 0 : i32
        %add3A_333 = arith.addi %add3A_332, %mul3A_331 : i32
        %add3A_334 = arith.constant 160 : i32
        %add3A_335 = arith.addi %add3A_333, %add3A_334 : i32
        %swap3A_336 = arith.index_cast %add3A_335 : i32 to index
        %swap3A_337 = tpu.vector_load %arg10[%swap3A_336] {strides = array<i32>} : memref<32768xbf16, #tpu.memory_space<vmem>>, vector<32xbf16>,
        tpu.vector_store %arg10[%swap3A_336], %pack3A_329 {strides = array<i32>} : memref<32768xbf16, #tpu.memory_space<vmem>>, vector<32xbf16>,
        %mul3A_338 = arith.constant 8 : i32
        %mul3A_339 = arith.muli %scan3A_143, %mul3A_338 : i32
        %add3A_340 = arith.constant 0 : i32
        %add3A_341 = arith.addi %add3A_340, %mul3A_339 : i32
        %add3A_342 = arith.constant 3 : i32
        %add3A_343 = arith.addi %add3A_341, %add3A_342 : i32
        %broadcast_in_dim3A_344 = vector.broadcast %add3A_343 : i32 to vector<16xi32>
        %mul3A_345 = arith.constant 2 : i32
        %mul3A_346 = vector.broadcast %mul3A_345 : i32 to vector<16xi32>
        %mul3A_347 = arith.muli %mul3A_346, %iota3A : vector<16xi32>
        %add3A_348 = arith.constant 0 : i32
        %add3A_349 = vector.broadcast %add3A_348 : i32 to vector<16xi32>
        %add3A_350 = arith.addi %add3A_349, %mul3A_347 : vector<16xi32>
        %gather3A_351 = tpu.vector_load_idx %arg8[%broadcast_in_dim3A_344, %add3A_350] : memref<512x64xf32, #tpu.memory_space<vmem>>[vector<16xi32>, vector<16xi32>], vector<16xf32>,
        %mul3A_352 = arith.constant 2 : i32
        %mul3A_353 = vector.broadcast %mul3A_352 : i32 to vector<16xi32>
        %mul3A_354 = arith.muli %mul3A_353, %iota3A : vector<16xi32>
        %add3A_355 = arith.constant 0 : i32
        %add3A_356 = vector.broadcast %add3A_355 : i32 to vector<16xi32>
        %add3A_357 = arith.addi %add3A_356, %mul3A_354 : vector<16xi32>
        %add3A_358 = arith.constant 1 : i32
        %add3A_359 = vector.broadcast %add3A_358 : i32 to vector<16xi32>
        %add3A_360 = arith.addi %add3A_357, %add3A_359 : vector<16xi32>
        %gather3A_361 = tpu.vector_load_idx %arg8[%broadcast_in_dim3A_344, %add3A_360] : memref<512x64xf32, #tpu.memory_space<vmem>>[vector<16xi32>, vector<16xi32>], vector<16xf32>,
        %pack3A_362 = tpu.pack_subelements %gather3A_351, %gather3A_361 {pack_format = #tpu.pack_format<interleaved>, positions = array<i32: 0, 1>} : vector<16xf32>, vector<16xf32> -> vector<32xbf16>
        %mul3A_363 = arith.constant 512 : i32
        %mul3A_364 = arith.muli %scan3A_143, %mul3A_363 : i32
        %add3A_365 = arith.constant 0 : i32
        %add3A_366 = arith.addi %add3A_365, %mul3A_364 : i32
        %add3A_367 = arith.constant 192 : i32
        %add3A_368 = arith.addi %add3A_366, %add3A_367 : i32
        %swap3A_369 = arith.index_cast %add3A_368 : i32 to index
        %swap3A_370 = tpu.vector_load %arg10[%swap3A_369] {strides = array<i32>} : memref<32768xbf16, #tpu.memory_space<vmem>>, vector<32xbf16>,
        tpu.vector_store %arg10[%swap3A_369], %pack3A_362 {strides = array<i32>} : memref<32768xbf16, #tpu.memory_space<vmem>>, vector<32xbf16>,
        %mul3A_371 = arith.constant 8 : i32
        %mul3A_372 = arith.muli %scan3A_143, %mul3A_371 : i32
        %add3A_373 = arith.constant 0 : i32
        %add3A_374 = arith.addi %add3A_373, %mul3A_372 : i32
        %add3A_375 = arith.constant 3 : i32
        %add3A_376 = arith.addi %add3A_374, %add3A_375 : i32
        %broadcast_in_dim3A_377 = vector.broadcast %add3A_376 : i32 to vector<16xi32>
        %mul3A_378 = arith.constant 2 : i32
        %mul3A_379 = vector.broadcast %mul3A_378 : i32 to vector<16xi32>
        %mul3A_380 = arith.muli %mul3A_379, %iota3A : vector<16xi32>
        %add3A_381 = arith.constant 32 : i32
        %add3A_382 = vector.broadcast %add3A_381 : i32 to vector<16xi32>
        %add3A_383 = arith.addi %add3A_382, %mul3A_380 : vector<16xi32>
        %gather3A_384 = tpu.vector_load_idx %arg8[%broadcast_in_dim3A_377, %add3A_383] : memref<512x64xf32, #tpu.memory_space<vmem>>[vector<16xi32>, vector<16xi32>], vector<16xf32>,
        %mul3A_385 = arith.constant 2 : i32
        %mul3A_386 = vector.broadcast %mul3A_385 : i32 to vector<16xi32>
        %mul3A_387 = arith.muli %mul3A_386, %iota3A : vector<16xi32>
        %add3A_388 = arith.constant 32 : i32
        %add3A_389 = vector.broadcast %add3A_388 : i32 to vector<16xi32>
        %add3A_390 = arith.addi %add3A_389, %mul3A_387 : vector<16xi32>
        %add3A_391 = arith.constant 1 : i32
        %add3A_392 = vector.broadcast %add3A_391 : i32 to vector<16xi32>
        %add3A_393 = arith.addi %add3A_390, %add3A_392 : vector<16xi32>
        %gather3A_394 = tpu.vector_load_idx %arg8[%broadcast_in_dim3A_377, %add3A_393] : memref<512x64xf32, #tpu.memory_space<vmem>>[vector<16xi32>, vector<16xi32>], vector<16xf32>,
        %pack3A_395 = tpu.pack_subelements %gather3A_384, %gather3A_394 {pack_format = #tpu.pack_format<interleaved>, positions = array<i32: 0, 1>} : vector<16xf32>, vector<16xf32> -> vector<32xbf16>
        %mul3A_396 = arith.constant 512 : i32
        %mul3A_397 = arith.muli %scan3A_143, %mul3A_396 : i32
        %add3A_398 = arith.constant 0 : i32
        %add3A_399 = arith.addi %add3A_398, %mul3A_397 : i32
        %add3A_400 = arith.constant 224 : i32
        %add3A_401 = arith.addi %add3A_399, %add3A_400 : i32
        %swap3A_402 = arith.index_cast %add3A_401 : i32 to index
        %swap3A_403 = tpu.vector_load %arg10[%swap3A_402] {strides = array<i32>} : memref<32768xbf16, #tpu.memory_space<vmem>>, vector<32xbf16>,
        tpu.vector_store %arg10[%swap3A_402], %pack3A_395 {strides = array<i32>} : memref<32768xbf16, #tpu.memory_space<vmem>>, vector<32xbf16>,
        %mul3A_404 = arith.constant 8 : i32
        %mul3A_405 = arith.muli %scan3A_143, %mul3A_404 : i32
        %add3A_406 = arith.constant 0 : i32
        %add3A_407 = arith.addi %add3A_406, %mul3A_405 : i32
        %add3A_408 = arith.constant 4 : i32
        %add3A_409 = arith.addi %add3A_407, %add3A_408 : i32
        %broadcast_in_dim3A_410 = vector.broadcast %add3A_409 : i32 to vector<16xi32>
        %mul3A_411 = arith.constant 2 : i32
        %mul3A_412 = vector.broadcast %mul3A_411 : i32 to vector<16xi32>
        %mul3A_413 = arith.muli %mul3A_412, %iota3A : vector<16xi32>
        %add3A_414 = arith.constant 0 : i32
        %add3A_415 = vector.broadcast %add3A_414 : i32 to vector<16xi32>
        %add3A_416 = arith.addi %add3A_415, %mul3A_413 : vector<16xi32>
        %gather3A_417 = tpu.vector_load_idx %arg8[%broadcast_in_dim3A_410, %add3A_416] : memref<512x64xf32, #tpu.memory_space<vmem>>[vector<16xi32>, vector<16xi32>], vector<16xf32>,
        %mul3A_418 = arith.constant 2 : i32
        %mul3A_419 = vector.broadcast %mul3A_418 : i32 to vector<16xi32>
        %mul3A_420 = arith.muli %mul3A_419, %iota3A : vector<16xi32>
        %add3A_421 = arith.constant 0 : i32
        %add3A_422 = vector.broadcast %add3A_421 : i32 to vector<16xi32>
        %add3A_423 = arith.addi %add3A_422, %mul3A_420 : vector<16xi32>
        %add3A_424 = arith.constant 1 : i32
        %add3A_425 = vector.broadcast %add3A_424 : i32 to vector<16xi32>
        %add3A_426 = arith.addi %add3A_423, %add3A_425 : vector<16xi32>
        %gather3A_427 = tpu.vector_load_idx %arg8[%broadcast_in_dim3A_410, %add3A_426] : memref<512x64xf32, #tpu.memory_space<vmem>>[vector<16xi32>, vector<16xi32>], vector<16xf32>,
        %pack3A_428 = tpu.pack_subelements %gather3A_417, %gather3A_427 {pack_format = #tpu.pack_format<interleaved>, positions = array<i32: 0, 1>} : vector<16xf32>, vector<16xf32> -> vector<32xbf16>
        %mul3A_429 = arith.constant 512 : i32
        %mul3A_430 = arith.muli %scan3A_143, %mul3A_429 : i32
        %add3A_431 = arith.constant 0 : i32
        %add3A_432 = arith.addi %add3A_431, %mul3A_430 : i32
        %add3A_433 = arith.constant 256 : i32
        %add3A_434 = arith.addi %add3A_432, %add3A_433 : i32
        %swap3A_435 = arith.index_cast %add3A_434 : i32 to index
        %swap3A_436 = tpu.vector_load %arg10[%swap3A_435] {strides = array<i32>} : memref<32768xbf16, #tpu.memory_space<vmem>>, vector<32xbf16>,
        tpu.vector_store %arg10[%swap3A_435], %pack3A_428 {strides = array<i32>} : memref<32768xbf16, #tpu.memory_space<vmem>>, vector<32xbf16>,
        %mul3A_437 = arith.constant 8 : i32
        %mul3A_438 = arith.muli %scan3A_143, %mul3A_437 : i32
        %add3A_439 = arith.constant 0 : i32
        %add3A_440 = arith.addi %add3A_439, %mul3A_438 : i32
        %add3A_441 = arith.constant 4 : i32
        %add3A_442 = arith.addi %add3A_440, %add3A_441 : i32
        %broadcast_in_dim3A_443 = vector.broadcast %add3A_442 : i32 to vector<16xi32>
        %mul3A_444 = arith.constant 2 : i32
        %mul3A_445 = vector.broadcast %mul3A_444 : i32 to vector<16xi32>
        %mul3A_446 = arith.muli %mul3A_445, %iota3A : vector<16xi32>
        %add3A_447 = arith.constant 32 : i32
        %add3A_448 = vector.broadcast %add3A_447 : i32 to vector<16xi32>
        %add3A_449 = arith.addi %add3A_448, %mul3A_446 : vector<16xi32>
        %gather3A_450 = tpu.vector_load_idx %arg8[%broadcast_in_dim3A_443, %add3A_449] : memref<512x64xf32, #tpu.memory_space<vmem>>[vector<16xi32>, vector<16xi32>], vector<16xf32>,
        %mul3A_451 = arith.constant 2 : i32
        %mul3A_452 = vector.broadcast %mul3A_451 : i32 to vector<16xi32>
        %mul3A_453 = arith.muli %mul3A_452, %iota3A : vector<16xi32>
        %add3A_454 = arith.constant 32 : i32
        %add3A_455 = vector.broadcast %add3A_454 : i32 to vector<16xi32>
        %add3A_456 = arith.addi %add3A_455, %mul3A_453 : vector<16xi32>
        %add3A_457 = arith.constant 1 : i32
        %add3A_458 = vector.broadcast %add3A_457 : i32 to vector<16xi32>
        %add3A_459 = arith.addi %add3A_456, %add3A_458 : vector<16xi32>
        %gather3A_460 = tpu.vector_load_idx %arg8[%broadcast_in_dim3A_443, %add3A_459] : memref<512x64xf32, #tpu.memory_space<vmem>>[vector<16xi32>, vector<16xi32>], vector<16xf32>,
        %pack3A_461 = tpu.pack_subelements %gather3A_450, %gather3A_460 {pack_format = #tpu.pack_format<interleaved>, positions = array<i32: 0, 1>} : vector<16xf32>, vector<16xf32> -> vector<32xbf16>
        %mul3A_462 = arith.constant 512 : i32
        %mul3A_463 = arith.muli %scan3A_143, %mul3A_462 : i32
        %add3A_464 = arith.constant 0 : i32
        %add3A_465 = arith.addi %add3A_464, %mul3A_463 : i32
        %add3A_466 = arith.constant 288 : i32
        %add3A_467 = arith.addi %add3A_465, %add3A_466 : i32
        %swap3A_468 = arith.index_cast %add3A_467 : i32 to index
        %swap3A_469 = tpu.vector_load %arg10[%swap3A_468] {strides = array<i32>} : memref<32768xbf16, #tpu.memory_space<vmem>>, vector<32xbf16>,
        tpu.vector_store %arg10[%swap3A_468], %pack3A_461 {strides = array<i32>} : memref<32768xbf16, #tpu.memory_space<vmem>>, vector<32xbf16>,
        %mul3A_470 = arith.constant 8 : i32
        %mul3A_471 = arith.muli %scan3A_143, %mul3A_470 : i32
        %add3A_472 = arith.constant 0 : i32
        %add3A_473 = arith.addi %add3A_472, %mul3A_471 : i32
        %add3A_474 = arith.constant 5 : i32
        %add3A_475 = arith.addi %add3A_473, %add3A_474 : i32
        %broadcast_in_dim3A_476 = vector.broadcast %add3A_475 : i32 to vector<16xi32>
        %mul3A_477 = arith.constant 2 : i32
        %mul3A_478 = vector.broadcast %mul3A_477 : i32 to vector<16xi32>
        %mul3A_479 = arith.muli %mul3A_478, %iota3A : vector<16xi32>
        %add3A_480 = arith.constant 0 : i32
        %add3A_481 = vector.broadcast %add3A_480 : i32 to vector<16xi32>
        %add3A_482 = arith.addi %add3A_481, %mul3A_479 : vector<16xi32>
        %gather3A_483 = tpu.vector_load_idx %arg8[%broadcast_in_dim3A_476, %add3A_482] : memref<512x64xf32, #tpu.memory_space<vmem>>[vector<16xi32>, vector<16xi32>], vector<16xf32>,
        %mul3A_484 = arith.constant 2 : i32
        %mul3A_485 = vector.broadcast %mul3A_484 : i32 to vector<16xi32>
        %mul3A_486 = arith.muli %mul3A_485, %iota3A : vector<16xi32>
        %add3A_487 = arith.constant 0 : i32
        %add3A_488 = vector.broadcast %add3A_487 : i32 to vector<16xi32>
        %add3A_489 = arith.addi %add3A_488, %mul3A_486 : vector<16xi32>
        %add3A_490 = arith.constant 1 : i32
        %add3A_491 = vector.broadcast %add3A_490 : i32 to vector<16xi32>
        %add3A_492 = arith.addi %add3A_489, %add3A_491 : vector<16xi32>
        %gather3A_493 = tpu.vector_load_idx %arg8[%broadcast_in_dim3A_476, %add3A_492] : memref<512x64xf32, #tpu.memory_space<vmem>>[vector<16xi32>, vector<16xi32>], vector<16xf32>,
        %pack3A_494 = tpu.pack_subelements %gather3A_483, %gather3A_493 {pack_format = #tpu.pack_format<interleaved>, positions = array<i32: 0, 1>} : vector<16xf32>, vector<16xf32> -> vector<32xbf16>
        %mul3A_495 = arith.constant 512 : i32
        %mul3A_496 = arith.muli %scan3A_143, %mul3A_495 : i32
        %add3A_497 = arith.constant 0 : i32
        %add3A_498 = arith.addi %add3A_497, %mul3A_496 : i32
        %add3A_499 = arith.constant 320 : i32
        %add3A_500 = arith.addi %add3A_498, %add3A_499 : i32
        %swap3A_501 = arith.index_cast %add3A_500 : i32 to index
        %swap3A_502 = tpu.vector_load %arg10[%swap3A_501] {strides = array<i32>} : memref<32768xbf16, #tpu.memory_space<vmem>>, vector<32xbf16>,
        tpu.vector_store %arg10[%swap3A_501], %pack3A_494 {strides = array<i32>} : memref<32768xbf16, #tpu.memory_space<vmem>>, vector<32xbf16>,
        %mul3A_503 = arith.constant 8 : i32
        %mul3A_504 = arith.muli %scan3A_143, %mul3A_503 : i32
        %add3A_505 = arith.constant 0 : i32
        %add3A_506 = arith.addi %add3A_505, %mul3A_504 : i32
        %add3A_507 = arith.constant 5 : i32
        %add3A_508 = arith.addi %add3A_506, %add3A_507 : i32
        %broadcast_in_dim3A_509 = vector.broadcast %add3A_508 : i32 to vector<16xi32>
        %mul3A_510 = arith.constant 2 : i32
        %mul3A_511 = vector.broadcast %mul3A_510 : i32 to vector<16xi32>
        %mul3A_512 = arith.muli %mul3A_511, %iota3A : vector<16xi32>
        %add3A_513 = arith.constant 32 : i32
        %add3A_514 = vector.broadcast %add3A_513 : i32 to vector<16xi32>
        %add3A_515 = arith.addi %add3A_514, %mul3A_512 : vector<16xi32>
        %gather3A_516 = tpu.vector_load_idx %arg8[%broadcast_in_dim3A_509, %add3A_515] : memref<512x64xf32, #tpu.memory_space<vmem>>[vector<16xi32>, vector<16xi32>], vector<16xf32>,
        %mul3A_517 = arith.constant 2 : i32
        %mul3A_518 = vector.broadcast %mul3A_517 : i32 to vector<16xi32>
        %mul3A_519 = arith.muli %mul3A_518, %iota3A : vector<16xi32>
        %add3A_520 = arith.constant 32 : i32
        %add3A_521 = vector.broadcast %add3A_520 : i32 to vector<16xi32>
        %add3A_522 = arith.addi %add3A_521, %mul3A_519 : vector<16xi32>
        %add3A_523 = arith.constant 1 : i32
        %add3A_524 = vector.broadcast %add3A_523 : i32 to vector<16xi32>
        %add3A_525 = arith.addi %add3A_522, %add3A_524 : vector<16xi32>
        %gather3A_526 = tpu.vector_load_idx %arg8[%broadcast_in_dim3A_509, %add3A_525] : memref<512x64xf32, #tpu.memory_space<vmem>>[vector<16xi32>, vector<16xi32>], vector<16xf32>,
        %pack3A_527 = tpu.pack_subelements %gather3A_516, %gather3A_526 {pack_format = #tpu.pack_format<interleaved>, positions = array<i32: 0, 1>} : vector<16xf32>, vector<16xf32> -> vector<32xbf16>
        %mul3A_528 = arith.constant 512 : i32
        %mul3A_529 = arith.muli %scan3A_143, %mul3A_528 : i32
        %add3A_530 = arith.constant 0 : i32
        %add3A_531 = arith.addi %add3A_530, %mul3A_529 : i32
        %add3A_532 = arith.constant 352 : i32
        %add3A_533 = arith.addi %add3A_531, %add3A_532 : i32
        %swap3A_534 = arith.index_cast %add3A_533 : i32 to index
        %swap3A_535 = tpu.vector_load %arg10[%swap3A_534] {strides = array<i32>} : memref<32768xbf16, #tpu.memory_space<vmem>>, vector<32xbf16>,
        tpu.vector_store %arg10[%swap3A_534], %pack3A_527 {strides = array<i32>} : memref<32768xbf16, #tpu.memory_space<vmem>>, vector<32xbf16>,
        %mul3A_536 = arith.constant 8 : i32
        %mul3A_537 = arith.muli %scan3A_143, %mul3A_536 : i32
        %add3A_538 = arith.constant 0 : i32
        %add3A_539 = arith.addi %add3A_538, %mul3A_537 : i32
        %add3A_540 = arith.constant 6 : i32
        %add3A_541 = arith.addi %add3A_539, %add3A_540 : i32
        %broadcast_in_dim3A_542 = vector.broadcast %add3A_541 : i32 to vector<16xi32>
        %mul3A_543 = arith.constant 2 : i32
        %mul3A_544 = vector.broadcast %mul3A_543 : i32 to vector<16xi32>
        %mul3A_545 = arith.muli %mul3A_544, %iota3A : vector<16xi32>
        %add3A_546 = arith.constant 0 : i32
        %add3A_547 = vector.broadcast %add3A_546 : i32 to vector<16xi32>
        %add3A_548 = arith.addi %add3A_547, %mul3A_545 : vector<16xi32>
        %gather3A_549 = tpu.vector_load_idx %arg8[%broadcast_in_dim3A_542, %add3A_548] : memref<512x64xf32, #tpu.memory_space<vmem>>[vector<16xi32>, vector<16xi32>], vector<16xf32>,
        %mul3A_550 = arith.constant 2 : i32
        %mul3A_551 = vector.broadcast %mul3A_550 : i32 to vector<16xi32>
        %mul3A_552 = arith.muli %mul3A_551, %iota3A : vector<16xi32>
        %add3A_553 = arith.constant 0 : i32
        %add3A_554 = vector.broadcast %add3A_553 : i32 to vector<16xi32>
        %add3A_555 = arith.addi %add3A_554, %mul3A_552 : vector<16xi32>
        %add3A_556 = arith.constant 1 : i32
        %add3A_557 = vector.broadcast %add3A_556 : i32 to vector<16xi32>
        %add3A_558 = arith.addi %add3A_555, %add3A_557 : vector<16xi32>
        %gather3A_559 = tpu.vector_load_idx %arg8[%broadcast_in_dim3A_542, %add3A_558] : memref<512x64xf32, #tpu.memory_space<vmem>>[vector<16xi32>, vector<16xi32>], vector<16xf32>,
        %pack3A_560 = tpu.pack_subelements %gather3A_549, %gather3A_559 {pack_format = #tpu.pack_format<interleaved>, positions = array<i32: 0, 1>} : vector<16xf32>, vector<16xf32> -> vector<32xbf16>
        %mul3A_561 = arith.constant 512 : i32
        %mul3A_562 = arith.muli %scan3A_143, %mul3A_561 : i32
        %add3A_563 = arith.constant 0 : i32
        %add3A_564 = arith.addi %add3A_563, %mul3A_562 : i32
        %add3A_565 = arith.constant 384 : i32
        %add3A_566 = arith.addi %add3A_564, %add3A_565 : i32
        %swap3A_567 = arith.index_cast %add3A_566 : i32 to index
        %swap3A_568 = tpu.vector_load %arg10[%swap3A_567] {strides = array<i32>} : memref<32768xbf16, #tpu.memory_space<vmem>>, vector<32xbf16>,
        tpu.vector_store %arg10[%swap3A_567], %pack3A_560 {strides = array<i32>} : memref<32768xbf16, #tpu.memory_space<vmem>>, vector<32xbf16>,
        %mul3A_569 = arith.constant 8 : i32
        %mul3A_570 = arith.muli %scan3A_143, %mul3A_569 : i32
        %add3A_571 = arith.constant 0 : i32
        %add3A_572 = arith.addi %add3A_571, %mul3A_570 : i32
        %add3A_573 = arith.constant 6 : i32
        %add3A_574 = arith.addi %add3A_572, %add3A_573 : i32
        %broadcast_in_dim3A_575 = vector.broadcast %add3A_574 : i32 to vector<16xi32>
        %mul3A_576 = arith.constant 2 : i32
        %mul3A_577 = vector.broadcast %mul3A_576 : i32 to vector<16xi32>
        %mul3A_578 = arith.muli %mul3A_577, %iota3A : vector<16xi32>
        %add3A_579 = arith.constant 32 : i32
        %add3A_580 = vector.broadcast %add3A_579 : i32 to vector<16xi32>
        %add3A_581 = arith.addi %add3A_580, %mul3A_578 : vector<16xi32>
        %gather3A_582 = tpu.vector_load_idx %arg8[%broadcast_in_dim3A_575, %add3A_581] : memref<512x64xf32, #tpu.memory_space<vmem>>[vector<16xi32>, vector<16xi32>], vector<16xf32>,
        %mul3A_583 = arith.constant 2 : i32
        %mul3A_584 = vector.broadcast %mul3A_583 : i32 to vector<16xi32>
        %mul3A_585 = arith.muli %mul3A_584, %iota3A : vector<16xi32>
        %add3A_586 = arith.constant 32 : i32
        %add3A_587 = vector.broadcast %add3A_586 : i32 to vector<16xi32>
        %add3A_588 = arith.addi %add3A_587, %mul3A_585 : vector<16xi32>
        %add3A_589 = arith.constant 1 : i32
        %add3A_590 = vector.broadcast %add3A_589 : i32 to vector<16xi32>
        %add3A_591 = arith.addi %add3A_588, %add3A_590 : vector<16xi32>
        %gather3A_592 = tpu.vector_load_idx %arg8[%broadcast_in_dim3A_575, %add3A_591] : memref<512x64xf32, #tpu.memory_space<vmem>>[vector<16xi32>, vector<16xi32>], vector<16xf32>,
        %pack3A_593 = tpu.pack_subelements %gather3A_582, %gather3A_592 {pack_format = #tpu.pack_format<interleaved>, positions = array<i32: 0, 1>} : vector<16xf32>, vector<16xf32> -> vector<32xbf16>
        %mul3A_594 = arith.constant 512 : i32
        %mul3A_595 = arith.muli %scan3A_143, %mul3A_594 : i32
        %add3A_596 = arith.constant 0 : i32
        %add3A_597 = arith.addi %add3A_596, %mul3A_595 : i32
        %add3A_598 = arith.constant 416 : i32
        %add3A_599 = arith.addi %add3A_597, %add3A_598 : i32
        %swap3A_600 = arith.index_cast %add3A_599 : i32 to index
        %swap3A_601 = tpu.vector_load %arg10[%swap3A_600] {strides = array<i32>} : memref<32768xbf16, #tpu.memory_space<vmem>>, vector<32xbf16>,
        tpu.vector_store %arg10[%swap3A_600], %pack3A_593 {strides = array<i32>} : memref<32768xbf16, #tpu.memory_space<vmem>>, vector<32xbf16>,
        %mul3A_602 = arith.constant 8 : i32
        %mul3A_603 = arith.muli %scan3A_143, %mul3A_602 : i32
        %add3A_604 = arith.constant 0 : i32
        %add3A_605 = arith.addi %add3A_604, %mul3A_603 : i32
        %add3A_606 = arith.constant 7 : i32
        %add3A_607 = arith.addi %add3A_605, %add3A_606 : i32
        %broadcast_in_dim3A_608 = vector.broadcast %add3A_607 : i32 to vector<16xi32>
        %mul3A_609 = arith.constant 2 : i32
        %mul3A_610 = vector.broadcast %mul3A_609 : i32 to vector<16xi32>
        %mul3A_611 = arith.muli %mul3A_610, %iota3A : vector<16xi32>
        %add3A_612 = arith.constant 0 : i32
        %add3A_613 = vector.broadcast %add3A_612 : i32 to vector<16xi32>
        %add3A_614 = arith.addi %add3A_613, %mul3A_611 : vector<16xi32>
        %gather3A_615 = tpu.vector_load_idx %arg8[%broadcast_in_dim3A_608, %add3A_614] : memref<512x64xf32, #tpu.memory_space<vmem>>[vector<16xi32>, vector<16xi32>], vector<16xf32>,
        %mul3A_616 = arith.constant 2 : i32
        %mul3A_617 = vector.broadcast %mul3A_616 : i32 to vector<16xi32>
        %mul3A_618 = arith.muli %mul3A_617, %iota3A : vector<16xi32>
        %add3A_619 = arith.constant 0 : i32
        %add3A_620 = vector.broadcast %add3A_619 : i32 to vector<16xi32>
        %add3A_621 = arith.addi %add3A_620, %mul3A_618 : vector<16xi32>
        %add3A_622 = arith.constant 1 : i32
        %add3A_623 = vector.broadcast %add3A_622 : i32 to vector<16xi32>
        %add3A_624 = arith.addi %add3A_621, %add3A_623 : vector<16xi32>
        %gather3A_625 = tpu.vector_load_idx %arg8[%broadcast_in_dim3A_608, %add3A_624] : memref<512x64xf32, #tpu.memory_space<vmem>>[vector<16xi32>, vector<16xi32>], vector<16xf32>,
        %pack3A_626 = tpu.pack_subelements %gather3A_615, %gather3A_625 {pack_format = #tpu.pack_format<interleaved>, positions = array<i32: 0, 1>} : vector<16xf32>, vector<16xf32> -> vector<32xbf16>
        %mul3A_627 = arith.constant 512 : i32
        %mul3A_628 = arith.muli %scan3A_143, %mul3A_627 : i32
        %add3A_629 = arith.constant 0 : i32
        %add3A_630 = arith.addi %add3A_629, %mul3A_628 : i32
        %add3A_631 = arith.constant 448 : i32
        %add3A_632 = arith.addi %add3A_630, %add3A_631 : i32
        %swap3A_633 = arith.index_cast %add3A_632 : i32 to index
        %swap3A_634 = tpu.vector_load %arg10[%swap3A_633] {strides = array<i32>} : memref<32768xbf16, #tpu.memory_space<vmem>>, vector<32xbf16>,
        tpu.vector_store %arg10[%swap3A_633], %pack3A_626 {strides = array<i32>} : memref<32768xbf16, #tpu.memory_space<vmem>>, vector<32xbf16>,
        %mul3A_635 = arith.constant 8 : i32
        %mul3A_636 = arith.muli %scan3A_143, %mul3A_635 : i32
        %add3A_637 = arith.constant 0 : i32
        %add3A_638 = arith.addi %add3A_637, %mul3A_636 : i32
        %add3A_639 = arith.constant 7 : i32
        %add3A_640 = arith.addi %add3A_638, %add3A_639 : i32
        %broadcast_in_dim3A_641 = vector.broadcast %add3A_640 : i32 to vector<16xi32>
        %mul3A_642 = arith.constant 2 : i32
        %mul3A_643 = vector.broadcast %mul3A_642 : i32 to vector<16xi32>
        %mul3A_644 = arith.muli %mul3A_643, %iota3A : vector<16xi32>
        %add3A_645 = arith.constant 32 : i32
        %add3A_646 = vector.broadcast %add3A_645 : i32 to vector<16xi32>
        %add3A_647 = arith.addi %add3A_646, %mul3A_644 : vector<16xi32>
        %gather3A_648 = tpu.vector_load_idx %arg8[%broadcast_in_dim3A_641, %add3A_647] : memref<512x64xf32, #tpu.memory_space<vmem>>[vector<16xi32>, vector<16xi32>], vector<16xf32>,
        %mul3A_649 = arith.constant 2 : i32
        %mul3A_650 = vector.broadcast %mul3A_649 : i32 to vector<16xi32>
        %mul3A_651 = arith.muli %mul3A_650, %iota3A : vector<16xi32>
        %add3A_652 = arith.constant 32 : i32
        %add3A_653 = vector.broadcast %add3A_652 : i32 to vector<16xi32>
        %add3A_654 = arith.addi %add3A_653, %mul3A_651 : vector<16xi32>
        %add3A_655 = arith.constant 1 : i32
        %add3A_656 = vector.broadcast %add3A_655 : i32 to vector<16xi32>
        %add3A_657 = arith.addi %add3A_654, %add3A_656 : vector<16xi32>
        %gather3A_658 = tpu.vector_load_idx %arg8[%broadcast_in_dim3A_641, %add3A_657] : memref<512x64xf32, #tpu.memory_space<vmem>>[vector<16xi32>, vector<16xi32>], vector<16xf32>,
        %pack3A_659 = tpu.pack_subelements %gather3A_648, %gather3A_658 {pack_format = #tpu.pack_format<interleaved>, positions = array<i32: 0, 1>} : vector<16xf32>, vector<16xf32> -> vector<32xbf16>
        %mul3A_660 = arith.constant 512 : i32
        %mul3A_661 = arith.muli %scan3A_143, %mul3A_660 : i32
        %add3A_662 = arith.constant 0 : i32
        %add3A_663 = arith.addi %add3A_662, %mul3A_661 : i32
        %add3A_664 = arith.constant 480 : i32
        %add3A_665 = arith.addi %add3A_663, %add3A_664 : i32
        %swap3A_666 = arith.index_cast %add3A_665 : i32 to index
        %swap3A_667 = tpu.vector_load %arg10[%swap3A_666] {strides = array<i32>} : memref<32768xbf16, #tpu.memory_space<vmem>>, vector<32xbf16>,
        tpu.vector_store %arg10[%swap3A_666], %pack3A_659 {strides = array<i32>} : memref<32768xbf16, #tpu.memory_space<vmem>>, vector<32xbf16>,
      }
      %scan3A_121 = arith.constant 32 : i32
      %dma_wait3A_122 = arith.constant 256 : i32
      %dma_wait3A_123 = arith.constant 0 : i32
      %dma_wait3A_124 = tpu.memref_slice %arg8[%dma_wait3A_122, %dma_wait3A_123] : memref<512x64xf32, #tpu.memory_space<vmem>> -> memref<256x64xf32, #tpu.memory_space<vmem>>
      %dma_wait3A_125 = arith.constant 256 : i32
      %dma_wait3A_126 = tpu.memref_slice %arg6[%dma_wait3A_125] : memref<512xi32, #tpu.memory_space<vmem>> -> memref<256xi32, #tpu.memory_space<vmem>>
      %dma_wait3A_127 = arith.constant 0 : i32
      %dma_wait3A_128 = arith.constant 0 : i32
      %dma_wait3A_129 = tpu.memref_slice %arg3[%dma_wait3A_127, %dma_wait3A_128] : memref<1000000x64xf32, #tpu.memory_space<hbm>> -> memref<1000000x64xf32, #tpu.memory_space<hbm>>
      tpu.wait_indirect_dma semaphore(%arg12 : memref<!tpu.dma_semaphore, #tpu.memory_space<semaphore_mem>>) src(%dma_wait3A_129 : memref<1000000x64xf32, #tpu.memory_space<hbm>>) dst(%dma_wait3A_124 : memref<256x64xf32, #tpu.memory_space<vmem>>)
      %scan3A_130 = arith.constant 0 : i32
      %scan3A_131 = arith.constant 0 : i32
      %scan3A_132 = arith.constant 32 : i32
      %scan3A_133 = arith.addi %scan3A_131, %scan3A_132 : i32
      %scan3A_134 = arith.constant 1 : i32
      scf.for %scan3A_143 = %scan3A_131 to %scan3A_133 step %scan3A_134  : i32 {
        %mul3A_144 = arith.constant 8 : i32
        %mul3A_145 = arith.muli %scan3A_143, %mul3A_144 : i32
        %add3A_146 = arith.constant 256 : i32
        %add3A_147 = arith.addi %add3A_146, %mul3A_145 : i32
        %add3A_148 = arith.constant 0 : i32
        %add3A_149 = arith.addi %add3A_147, %add3A_148 : i32
        %broadcast_in_dim3A = vector.broadcast %add3A_149 : i32 to vector<16xi32>
        %mul3A_150 = arith.constant 2 : i32
        %mul3A_151 = vector.broadcast %mul3A_150 : i32 to vector<16xi32>
        %mul3A_152 = arith.muli %mul3A_151, %iota3A : vector<16xi32>
        %add3A_153 = arith.constant 0 : i32
        %add3A_154 = vector.broadcast %add3A_153 : i32 to vector<16xi32>
        %add3A_155 = arith.addi %add3A_154, %mul3A_152 : vector<16xi32>
        %gather3A = tpu.vector_load_idx %arg8[%broadcast_in_dim3A, %add3A_155] : memref<512x64xf32, #tpu.memory_space<vmem>>[vector<16xi32>, vector<16xi32>], vector<16xf32>,
        %mul3A_156 = arith.constant 2 : i32
        %mul3A_157 = vector.broadcast %mul3A_156 : i32 to vector<16xi32>
        %mul3A_158 = arith.muli %mul3A_157, %iota3A : vector<16xi32>
        %add3A_159 = arith.constant 0 : i32
        %add3A_160 = vector.broadcast %add3A_159 : i32 to vector<16xi32>
        %add3A_161 = arith.addi %add3A_160, %mul3A_158 : vector<16xi32>
        %add3A_162 = arith.constant 1 : i32
        %add3A_163 = vector.broadcast %add3A_162 : i32 to vector<16xi32>
        %add3A_164 = arith.addi %add3A_161, %add3A_163 : vector<16xi32>
        %gather3A_165 = tpu.vector_load_idx %arg8[%broadcast_in_dim3A, %add3A_164] : memref<512x64xf32, #tpu.memory_space<vmem>>[vector<16xi32>, vector<16xi32>], vector<16xf32>,
        %pack3A = tpu.pack_subelements %gather3A, %gather3A_165 {pack_format = #tpu.pack_format<interleaved>, positions = array<i32: 0, 1>} : vector<16xf32>, vector<16xf32> -> vector<32xbf16>
        %mul3A_166 = arith.constant 512 : i32
        %mul3A_167 = arith.muli %scan3A_143, %mul3A_166 : i32
        %add3A_168 = arith.constant 16384 : i32
        %add3A_169 = arith.addi %add3A_168, %mul3A_167 : i32
        %add3A_170 = arith.constant 0 : i32
        %add3A_171 = arith.addi %add3A_169, %add3A_170 : i32
        %swap3A = arith.index_cast %add3A_171 : i32 to index
        %swap3A_172 = tpu.vector_load %arg10[%swap3A] {strides = array<i32>} : memref<32768xbf16, #tpu.memory_space<vmem>>, vector<32xbf16>,
        tpu.vector_store %arg10[%swap3A], %pack3A {strides = array<i32>} : memref<32768xbf16, #tpu.memory_space<vmem>>, vector<32xbf16>,
        %mul3A_173 = arith.constant 8 : i32
        %mul3A_174 = arith.muli %scan3A_143, %mul3A_173 : i32
        %add3A_175 = arith.constant 256 : i32
        %add3A_176 = arith.addi %add3A_175, %mul3A_174 : i32
        %add3A_177 = arith.constant 0 : i32
        %add3A_178 = arith.addi %add3A_176, %add3A_177 : i32
        %broadcast_in_dim3A_179 = vector.broadcast %add3A_178 : i32 to vector<16xi32>
        %mul3A_180 = arith.constant 2 : i32
        %mul3A_181 = vector.broadcast %mul3A_180 : i32 to vector<16xi32>
        %mul3A_182 = arith.muli %mul3A_181, %iota3A : vector<16xi32>
        %add3A_183 = arith.constant 32 : i32
        %add3A_184 = vector.broadcast %add3A_183 : i32 to vector<16xi32>
        %add3A_185 = arith.addi %add3A_184, %mul3A_182 : vector<16xi32>
        %gather3A_186 = tpu.vector_load_idx %arg8[%broadcast_in_dim3A_179, %add3A_185] : memref<512x64xf32, #tpu.memory_space<vmem>>[vector<16xi32>, vector<16xi32>], vector<16xf32>,
        %mul3A_187 = arith.constant 2 : i32
        %mul3A_188 = vector.broadcast %mul3A_187 : i32 to vector<16xi32>
        %mul3A_189 = arith.muli %mul3A_188, %iota3A : vector<16xi32>
        %add3A_190 = arith.constant 32 : i32
        %add3A_191 = vector.broadcast %add3A_190 : i32 to vector<16xi32>
        %add3A_192 = arith.addi %add3A_191, %mul3A_189 : vector<16xi32>
        %add3A_193 = arith.constant 1 : i32
        %add3A_194 = vector.broadcast %add3A_193 : i32 to vector<16xi32>
        %add3A_195 = arith.addi %add3A_192, %add3A_194 : vector<16xi32>
        %gather3A_196 = tpu.vector_load_idx %arg8[%broadcast_in_dim3A_179, %add3A_195] : memref<512x64xf32, #tpu.memory_space<vmem>>[vector<16xi32>, vector<16xi32>], vector<16xf32>,
        %pack3A_197 = tpu.pack_subelements %gather3A_186, %gather3A_196 {pack_format = #tpu.pack_format<interleaved>, positions = array<i32: 0, 1>} : vector<16xf32>, vector<16xf32> -> vector<32xbf16>
        %mul3A_198 = arith.constant 512 : i32
        %mul3A_199 = arith.muli %scan3A_143, %mul3A_198 : i32
        %add3A_200 = arith.constant 16384 : i32
        %add3A_201 = arith.addi %add3A_200, %mul3A_199 : i32
        %add3A_202 = arith.constant 32 : i32
        %add3A_203 = arith.addi %add3A_201, %add3A_202 : i32
        %swap3A_204 = arith.index_cast %add3A_203 : i32 to index
        %swap3A_205 = tpu.vector_load %arg10[%swap3A_204] {strides = array<i32>} : memref<32768xbf16, #tpu.memory_space<vmem>>, vector<32xbf16>,
        tpu.vector_store %arg10[%swap3A_204], %pack3A_197 {strides = array<i32>} : memref<32768xbf16, #tpu.memory_space<vmem>>, vector<32xbf16>,
        %mul3A_206 = arith.constant 8 : i32
        %mul3A_207 = arith.muli %scan3A_143, %mul3A_206 : i32
        %add3A_208 = arith.constant 256 : i32
        %add3A_209 = arith.addi %add3A_208, %mul3A_207 : i32
        %add3A_210 = arith.constant 1 : i32
        %add3A_211 = arith.addi %add3A_209, %add3A_210 : i32
        %broadcast_in_dim3A_212 = vector.broadcast %add3A_211 : i32 to vector<16xi32>
        %mul3A_213 = arith.constant 2 : i32
        %mul3A_214 = vector.broadcast %mul3A_213 : i32 to vector<16xi32>
        %mul3A_215 = arith.muli %mul3A_214, %iota3A : vector<16xi32>
        %add3A_216 = arith.constant 0 : i32
        %add3A_217 = vector.broadcast %add3A_216 : i32 to vector<16xi32>
        %add3A_218 = arith.addi %add3A_217, %mul3A_215 : vector<16xi32>
        %gather3A_219 = tpu.vector_load_idx %arg8[%broadcast_in_dim3A_212, %add3A_218] : memref<512x64xf32, #tpu.memory_space<vmem>>[vector<16xi32>, vector<16xi32>], vector<16xf32>,
        %mul3A_220 = arith.constant 2 : i32
        %mul3A_221 = vector.broadcast %mul3A_220 : i32 to vector<16xi32>
        %mul3A_222 = arith.muli %mul3A_221, %iota3A : vector<16xi32>
        %add3A_223 = arith.constant 0 : i32
        %add3A_224 = vector.broadcast %add3A_223 : i32 to vector<16xi32>
        %add3A_225 = arith.addi %add3A_224, %mul3A_222 : vector<16xi32>
        %add3A_226 = arith.constant 1 : i32
        %add3A_227 = vector.broadcast %add3A_226 : i32 to vector<16xi32>
        %add3A_228 = arith.addi %add3A_225, %add3A_227 : vector<16xi32>
        %gather3A_229 = tpu.vector_load_idx %arg8[%broadcast_in_dim3A_212, %add3A_228] : memref<512x64xf32, #tpu.memory_space<vmem>>[vector<16xi32>, vector<16xi32>], vector<16xf32>,
        %pack3A_230 = tpu.pack_subelements %gather3A_219, %gather3A_229 {pack_format = #tpu.pack_format<interleaved>, positions = array<i32: 0, 1>} : vector<16xf32>, vector<16xf32> -> vector<32xbf16>
        %mul3A_231 = arith.constant 512 : i32
        %mul3A_232 = arith.muli %scan3A_143, %mul3A_231 : i32
        %add3A_233 = arith.constant 16384 : i32
        %add3A_234 = arith.addi %add3A_233, %mul3A_232 : i32
        %add3A_235 = arith.constant 64 : i32
        %add3A_236 = arith.addi %add3A_234, %add3A_235 : i32
        %swap3A_237 = arith.index_cast %add3A_236 : i32 to index
        %swap3A_238 = tpu.vector_load %arg10[%swap3A_237] {strides = array<i32>} : memref<32768xbf16, #tpu.memory_space<vmem>>, vector<32xbf16>,
        tpu.vector_store %arg10[%swap3A_237], %pack3A_230 {strides = array<i32>} : memref<32768xbf16, #tpu.memory_space<vmem>>, vector<32xbf16>,
        %mul3A_239 = arith.constant 8 : i32
        %mul3A_240 = arith.muli %scan3A_143, %mul3A_239 : i32
        %add3A_241 = arith.constant 256 : i32
        %add3A_242 = arith.addi %add3A_241, %mul3A_240 : i32
        %add3A_243 = arith.constant 1 : i32
        %add3A_244 = arith.addi %add3A_242, %add3A_243 : i32
        %broadcast_in_dim3A_245 = vector.broadcast %add3A_244 : i32 to vector<16xi32>
        %mul3A_246 = arith.constant 2 : i32
        %mul3A_247 = vector.broadcast %mul3A_246 : i32 to vector<16xi32>
        %mul3A_248 = arith.muli %mul3A_247, %iota3A : vector<16xi32>
        %add3A_249 = arith.constant 32 : i32
        %add3A_250 = vector.broadcast %add3A_249 : i32 to vector<16xi32>
        %add3A_251 = arith.addi %add3A_250, %mul3A_248 : vector<16xi32>
        %gather3A_252 = tpu.vector_load_idx %arg8[%broadcast_in_dim3A_245, %add3A_251] : memref<512x64xf32, #tpu.memory_space<vmem>>[vector<16xi32>, vector<16xi32>], vector<16xf32>,
        %mul3A_253 = arith.constant 2 : i32
        %mul3A_254 = vector.broadcast %mul3A_253 : i32 to vector<16xi32>
        %mul3A_255 = arith.muli %mul3A_254, %iota3A : vector<16xi32>
        %add3A_256 = arith.constant 32 : i32
        %add3A_257 = vector.broadcast %add3A_256 : i32 to vector<16xi32>
        %add3A_258 = arith.addi %add3A_257, %mul3A_255 : vector<16xi32>
        %add3A_259 = arith.constant 1 : i32
        %add3A_260 = vector.broadcast %add3A_259 : i32 to vector<16xi32>
        %add3A_261 = arith.addi %add3A_258, %add3A_260 : vector<16xi32>
        %gather3A_262 = tpu.vector_load_idx %arg8[%broadcast_in_dim3A_245, %add3A_261] : memref<512x64xf32, #tpu.memory_space<vmem>>[vector<16xi32>, vector<16xi32>], vector<16xf32>,
        %pack3A_263 = tpu.pack_subelements %gather3A_252, %gather3A_262 {pack_format = #tpu.pack_format<interleaved>, positions = array<i32: 0, 1>} : vector<16xf32>, vector<16xf32> -> vector<32xbf16>
        %mul3A_264 = arith.constant 512 : i32
        %mul3A_265 = arith.muli %scan3A_143, %mul3A_264 : i32
        %add3A_266 = arith.constant 16384 : i32
        %add3A_267 = arith.addi %add3A_266, %mul3A_265 : i32
        %add3A_268 = arith.constant 96 : i32
        %add3A_269 = arith.addi %add3A_267, %add3A_268 : i32
        %swap3A_270 = arith.index_cast %add3A_269 : i32 to index
        %swap3A_271 = tpu.vector_load %arg10[%swap3A_270] {strides = array<i32>} : memref<32768xbf16, #tpu.memory_space<vmem>>, vector<32xbf16>,
        tpu.vector_store %arg10[%swap3A_270], %pack3A_263 {strides = array<i32>} : memref<32768xbf16, #tpu.memory_space<vmem>>, vector<32xbf16>,
        %mul3A_272 = arith.constant 8 : i32
        %mul3A_273 = arith.muli %scan3A_143, %mul3A_272 : i32
        %add3A_274 = arith.constant 256 : i32
        %add3A_275 = arith.addi %add3A_274, %mul3A_273 : i32
        %add3A_276 = arith.constant 2 : i32
        %add3A_277 = arith.addi %add3A_275, %add3A_276 : i32
        %broadcast_in_dim3A_278 = vector.broadcast %add3A_277 : i32 to vector<16xi32>
        %mul3A_279 = arith.constant 2 : i32
        %mul3A_280 = vector.broadcast %mul3A_279 : i32 to vector<16xi32>
        %mul3A_281 = arith.muli %mul3A_280, %iota3A : vector<16xi32>
        %add3A_282 = arith.constant 0 : i32
        %add3A_283 = vector.broadcast %add3A_282 : i32 to vector<16xi32>
        %add3A_284 = arith.addi %add3A_283, %mul3A_281 : vector<16xi32>
        %gather3A_285 = tpu.vector_load_idx %arg8[%broadcast_in_dim3A_278, %add3A_284] : memref<512x64xf32, #tpu.memory_space<vmem>>[vector<16xi32>, vector<16xi32>], vector<16xf32>,
        %mul3A_286 = arith.constant 2 : i32
        %mul3A_287 = vector.broadcast %mul3A_286 : i32 to vector<16xi32>
        %mul3A_288 = arith.muli %mul3A_287, %iota3A : vector<16xi32>
        %add3A_289 = arith.constant 0 : i32
        %add3A_290 = vector.broadcast %add3A_289 : i32 to vector<16xi32>
        %add3A_291 = arith.addi %add3A_290, %mul3A_288 : vector<16xi32>
        %add3A_292 = arith.constant 1 : i32
        %add3A_293 = vector.broadcast %add3A_292 : i32 to vector<16xi32>
        %add3A_294 = arith.addi %add3A_291, %add3A_293 : vector<16xi32>
        %gather3A_295 = tpu.vector_load_idx %arg8[%broadcast_in_dim3A_278, %add3A_294] : memref<512x64xf32, #tpu.memory_space<vmem>>[vector<16xi32>, vector<16xi32>], vector<16xf32>,
        %pack3A_296 = tpu.pack_subelements %gather3A_285, %gather3A_295 {pack_format = #tpu.pack_format<interleaved>, positions = array<i32: 0, 1>} : vector<16xf32>, vector<16xf32> -> vector<32xbf16>
        %mul3A_297 = arith.constant 512 : i32
        %mul3A_298 = arith.muli %scan3A_143, %mul3A_297 : i32
        %add3A_299 = arith.constant 16384 : i32
        %add3A_300 = arith.addi %add3A_299, %mul3A_298 : i32
        %add3A_301 = arith.constant 128 : i32
        %add3A_302 = arith.addi %add3A_300, %add3A_301 : i32
        %swap3A_303 = arith.index_cast %add3A_302 : i32 to index
        %swap3A_304 = tpu.vector_load %arg10[%swap3A_303] {strides = array<i32>} : memref<32768xbf16, #tpu.memory_space<vmem>>, vector<32xbf16>,
        tpu.vector_store %arg10[%swap3A_303], %pack3A_296 {strides = array<i32>} : memref<32768xbf16, #tpu.memory_space<vmem>>, vector<32xbf16>,
        %mul3A_305 = arith.constant 8 : i32
        %mul3A_306 = arith.muli %scan3A_143, %mul3A_305 : i32
        %add3A_307 = arith.constant 256 : i32
        %add3A_308 = arith.addi %add3A_307, %mul3A_306 : i32
        %add3A_309 = arith.constant 2 : i32
        %add3A_310 = arith.addi %add3A_308, %add3A_309 : i32
        %broadcast_in_dim3A_311 = vector.broadcast %add3A_310 : i32 to vector<16xi32>
        %mul3A_312 = arith.constant 2 : i32
        %mul3A_313 = vector.broadcast %mul3A_312 : i32 to vector<16xi32>
        %mul3A_314 = arith.muli %mul3A_313, %iota3A : vector<16xi32>
        %add3A_315 = arith.constant 32 : i32
        %add3A_316 = vector.broadcast %add3A_315 : i32 to vector<16xi32>
        %add3A_317 = arith.addi %add3A_316, %mul3A_314 : vector<16xi32>
        %gather3A_318 = tpu.vector_load_idx %arg8[%broadcast_in_dim3A_311, %add3A_317] : memref<512x64xf32, #tpu.memory_space<vmem>>[vector<16xi32>, vector<16xi32>], vector<16xf32>,
        %mul3A_319 = arith.constant 2 : i32
        %mul3A_320 = vector.broadcast %mul3A_319 : i32 to vector<16xi32>
        %mul3A_321 = arith.muli %mul3A_320, %iota3A : vector<16xi32>
        %add3A_322 = arith.constant 32 : i32
        %add3A_323 = vector.broadcast %add3A_322 : i32 to vector<16xi32>
        %add3A_324 = arith.addi %add3A_323, %mul3A_321 : vector<16xi32>
        %add3A_325 = arith.constant 1 : i32
        %add3A_326 = vector.broadcast %add3A_325 : i32 to vector<16xi32>
        %add3A_327 = arith.addi %add3A_324, %add3A_326 : vector<16xi32>
        %gather3A_328 = tpu.vector_load_idx %arg8[%broadcast_in_dim3A_311, %add3A_327] : memref<512x64xf32, #tpu.memory_space<vmem>>[vector<16xi32>, vector<16xi32>], vector<16xf32>,
        %pack3A_329 = tpu.pack_subelements %gather3A_318, %gather3A_328 {pack_format = #tpu.pack_format<interleaved>, positions = array<i32: 0, 1>} : vector<16xf32>, vector<16xf32> -> vector<32xbf16>
        %mul3A_330 = arith.constant 512 : i32
        %mul3A_331 = arith.muli %scan3A_143, %mul3A_330 : i32
        %add3A_332 = arith.constant 16384 : i32
        %add3A_333 = arith.addi %add3A_332, %mul3A_331 : i32
        %add3A_334 = arith.constant 160 : i32
        %add3A_335 = arith.addi %add3A_333, %add3A_334 : i32
        %swap3A_336 = arith.index_cast %add3A_335 : i32 to index
        %swap3A_337 = tpu.vector_load %arg10[%swap3A_336] {strides = array<i32>} : memref<32768xbf16, #tpu.memory_space<vmem>>, vector<32xbf16>,
        tpu.vector_store %arg10[%swap3A_336], %pack3A_329 {strides = array<i32>} : memref<32768xbf16, #tpu.memory_space<vmem>>, vector<32xbf16>,
        %mul3A_338 = arith.constant 8 : i32
        %mul3A_339 = arith.muli %scan3A_143, %mul3A_338 : i32
        %add3A_340 = arith.constant 256 : i32
        %add3A_341 = arith.addi %add3A_340, %mul3A_339 : i32
        %add3A_342 = arith.constant 3 : i32
        %add3A_343 = arith.addi %add3A_341, %add3A_342 : i32
        %broadcast_in_dim3A_344 = vector.broadcast %add3A_343 : i32 to vector<16xi32>
        %mul3A_345 = arith.constant 2 : i32
        %mul3A_346 = vector.broadcast %mul3A_345 : i32 to vector<16xi32>
        %mul3A_347 = arith.muli %mul3A_346, %iota3A : vector<16xi32>
        %add3A_348 = arith.constant 0 : i32
        %add3A_349 = vector.broadcast %add3A_348 : i32 to vector<16xi32>
        %add3A_350 = arith.addi %add3A_349, %mul3A_347 : vector<16xi32>
        %gather3A_351 = tpu.vector_load_idx %arg8[%broadcast_in_dim3A_344, %add3A_350] : memref<512x64xf32, #tpu.memory_space<vmem>>[vector<16xi32>, vector<16xi32>], vector<16xf32>,
        %mul3A_352 = arith.constant 2 : i32
        %mul3A_353 = vector.broadcast %mul3A_352 : i32 to vector<16xi32>
        %mul3A_354 = arith.muli %mul3A_353, %iota3A : vector<16xi32>
        %add3A_355 = arith.constant 0 : i32
        %add3A_356 = vector.broadcast %add3A_355 : i32 to vector<16xi32>
        %add3A_357 = arith.addi %add3A_356, %mul3A_354 : vector<16xi32>
        %add3A_358 = arith.constant 1 : i32
        %add3A_359 = vector.broadcast %add3A_358 : i32 to vector<16xi32>
        %add3A_360 = arith.addi %add3A_357, %add3A_359 : vector<16xi32>
        %gather3A_361 = tpu.vector_load_idx %arg8[%broadcast_in_dim3A_344, %add3A_360] : memref<512x64xf32, #tpu.memory_space<vmem>>[vector<16xi32>, vector<16xi32>], vector<16xf32>,
        %pack3A_362 = tpu.pack_subelements %gather3A_351, %gather3A_361 {pack_format = #tpu.pack_format<interleaved>, positions = array<i32: 0, 1>} : vector<16xf32>, vector<16xf32> -> vector<32xbf16>
        %mul3A_363 = arith.constant 512 : i32
        %mul3A_364 = arith.muli %scan3A_143, %mul3A_363 : i32
        %add3A_365 = arith.constant 16384 : i32
        %add3A_366 = arith.addi %add3A_365, %mul3A_364 : i32
        %add3A_367 = arith.constant 192 : i32
        %add3A_368 = arith.addi %add3A_366, %add3A_367 : i32
        %swap3A_369 = arith.index_cast %add3A_368 : i32 to index
        %swap3A_370 = tpu.vector_load %arg10[%swap3A_369] {strides = array<i32>} : memref<32768xbf16, #tpu.memory_space<vmem>>, vector<32xbf16>,
        tpu.vector_store %arg10[%swap3A_369], %pack3A_362 {strides = array<i32>} : memref<32768xbf16, #tpu.memory_space<vmem>>, vector<32xbf16>,
        %mul3A_371 = arith.constant 8 : i32
        %mul3A_372 = arith.muli %scan3A_143, %mul3A_371 : i32
        %add3A_373 = arith.constant 256 : i32
        %add3A_374 = arith.addi %add3A_373, %mul3A_372 : i32
        %add3A_375 = arith.constant 3 : i32
        %add3A_376 = arith.addi %add3A_374, %add3A_375 : i32
        %broadcast_in_dim3A_377 = vector.broadcast %add3A_376 : i32 to vector<16xi32>
        %mul3A_378 = arith.constant 2 : i32
        %mul3A_379 = vector.broadcast %mul3A_378 : i32 to vector<16xi32>
        %mul3A_380 = arith.muli %mul3A_379, %iota3A : vector<16xi32>
        %add3A_381 = arith.constant 32 : i32
        %add3A_382 = vector.broadcast %add3A_381 : i32 to vector<16xi32>
        %add3A_383 = arith.addi %add3A_382, %mul3A_380 : vector<16xi32>
        %gather3A_384 = tpu.vector_load_idx %arg8[%broadcast_in_dim3A_377, %add3A_383] : memref<512x64xf32, #tpu.memory_space<vmem>>[vector<16xi32>, vector<16xi32>], vector<16xf32>,
        %mul3A_385 = arith.constant 2 : i32
        %mul3A_386 = vector.broadcast %mul3A_385 : i32 to vector<16xi32>
        %mul3A_387 = arith.muli %mul3A_386, %iota3A : vector<16xi32>
        %add3A_388 = arith.constant 32 : i32
        %add3A_389 = vector.broadcast %add3A_388 : i32 to vector<16xi32>
        %add3A_390 = arith.addi %add3A_389, %mul3A_387 : vector<16xi32>
        %add3A_391 = arith.constant 1 : i32
        %add3A_392 = vector.broadcast %add3A_391 : i32 to vector<16xi32>
        %add3A_393 = arith.addi %add3A_390, %add3A_392 : vector<16xi32>
        %gather3A_394 = tpu.vector_load_idx %arg8[%broadcast_in_dim3A_377, %add3A_393] : memref<512x64xf32, #tpu.memory_space<vmem>>[vector<16xi32>, vector<16xi32>], vector<16xf32>,
        %pack3A_395 = tpu.pack_subelements %gather3A_384, %gather3A_394 {pack_format = #tpu.pack_format<interleaved>, positions = array<i32: 0, 1>} : vector<16xf32>, vector<16xf32> -> vector<32xbf16>
        %mul3A_396 = arith.constant 512 : i32
        %mul3A_397 = arith.muli %scan3A_143, %mul3A_396 : i32
        %add3A_398 = arith.constant 16384 : i32
        %add3A_399 = arith.addi %add3A_398, %mul3A_397 : i32
        %add3A_400 = arith.constant 224 : i32
        %add3A_401 = arith.addi %add3A_399, %add3A_400 : i32
        %swap3A_402 = arith.index_cast %add3A_401 : i32 to index
        %swap3A_403 = tpu.vector_load %arg10[%swap3A_402] {strides = array<i32>} : memref<32768xbf16, #tpu.memory_space<vmem>>, vector<32xbf16>,
        tpu.vector_store %arg10[%swap3A_402], %pack3A_395 {strides = array<i32>} : memref<32768xbf16, #tpu.memory_space<vmem>>, vector<32xbf16>,
        %mul3A_404 = arith.constant 8 : i32
        %mul3A_405 = arith.muli %scan3A_143, %mul3A_404 : i32
        %add3A_406 = arith.constant 256 : i32
        %add3A_407 = arith.addi %add3A_406, %mul3A_405 : i32
        %add3A_408 = arith.constant 4 : i32
        %add3A_409 = arith.addi %add3A_407, %add3A_408 : i32
        %broadcast_in_dim3A_410 = vector.broadcast %add3A_409 : i32 to vector<16xi32>
        %mul3A_411 = arith.constant 2 : i32
        %mul3A_412 = vector.broadcast %mul3A_411 : i32 to vector<16xi32>
        %mul3A_413 = arith.muli %mul3A_412, %iota3A : vector<16xi32>
        %add3A_414 = arith.constant 0 : i32
        %add3A_415 = vector.broadcast %add3A_414 : i32 to vector<16xi32>
        %add3A_416 = arith.addi %add3A_415, %mul3A_413 : vector<16xi32>
        %gather3A_417 = tpu.vector_load_idx %arg8[%broadcast_in_dim3A_410, %add3A_416] : memref<512x64xf32, #tpu.memory_space<vmem>>[vector<16xi32>, vector<16xi32>], vector<16xf32>,
        %mul3A_418 = arith.constant 2 : i32
        %mul3A_419 = vector.broadcast %mul3A_418 : i32 to vector<16xi32>
        %mul3A_420 = arith.muli %mul3A_419, %iota3A : vector<16xi32>
        %add3A_421 = arith.constant 0 : i32
        %add3A_422 = vector.broadcast %add3A_421 : i32 to vector<16xi32>
        %add3A_423 = arith.addi %add3A_422, %mul3A_420 : vector<16xi32>
        %add3A_424 = arith.constant 1 : i32
        %add3A_425 = vector.broadcast %add3A_424 : i32 to vector<16xi32>
        %add3A_426 = arith.addi %add3A_423, %add3A_425 : vector<16xi32>
        %gather3A_427 = tpu.vector_load_idx %arg8[%broadcast_in_dim3A_410, %add3A_426] : memref<512x64xf32, #tpu.memory_space<vmem>>[vector<16xi32>, vector<16xi32>], vector<16xf32>,
        %pack3A_428 = tpu.pack_subelements %gather3A_417, %gather3A_427 {pack_format = #tpu.pack_format<interleaved>, positions = array<i32: 0, 1>} : vector<16xf32>, vector<16xf32> -> vector<32xbf16>
        %mul3A_429 = arith.constant 512 : i32
        %mul3A_430 = arith.muli %scan3A_143, %mul3A_429 : i32
        %add3A_431 = arith.constant 16384 : i32
        %add3A_432 = arith.addi %add3A_431, %mul3A_430 : i32
        %add3A_433 = arith.constant 256 : i32
        %add3A_434 = arith.addi %add3A_432, %add3A_433 : i32
        %swap3A_435 = arith.index_cast %add3A_434 : i32 to index
        %swap3A_436 = tpu.vector_load %arg10[%swap3A_435] {strides = array<i32>} : memref<32768xbf16, #tpu.memory_space<vmem>>, vector<32xbf16>,
        tpu.vector_store %arg10[%swap3A_435], %pack3A_428 {strides = array<i32>} : memref<32768xbf16, #tpu.memory_space<vmem>>, vector<32xbf16>,
        %mul3A_437 = arith.constant 8 : i32
        %mul3A_438 = arith.muli %scan3A_143, %mul3A_437 : i32
        %add3A_439 = arith.constant 256 : i32
        %add3A_440 = arith.addi %add3A_439, %mul3A_438 : i32
        %add3A_441 = arith.constant 4 : i32
        %add3A_442 = arith.addi %add3A_440, %add3A_441 : i32
        %broadcast_in_dim3A_443 = vector.broadcast %add3A_442 : i32 to vector<16xi32>
        %mul3A_444 = arith.constant 2 : i32
        %mul3A_445 = vector.broadcast %mul3A_444 : i32 to vector<16xi32>
        %mul3A_446 = arith.muli %mul3A_445, %iota3A : vector<16xi32>
        %add3A_447 = arith.constant 32 : i32
        %add3A_448 = vector.broadcast %add3A_447 : i32 to vector<16xi32>
        %add3A_449 = arith.addi %add3A_448, %mul3A_446 : vector<16xi32>
        %gather3A_450 = tpu.vector_load_idx %arg8[%broadcast_in_dim3A_443, %add3A_449] : memref<512x64xf32, #tpu.memory_space<vmem>>[vector<16xi32>, vector<16xi32>], vector<16xf32>,
        %mul3A_451 = arith.constant 2 : i32
        %mul3A_452 = vector.broadcast %mul3A_451 : i32 to vector<16xi32>
        %mul3A_453 = arith.muli %mul3A_452, %iota3A : vector<16xi32>
        %add3A_454 = arith.constant 32 : i32
        %add3A_455 = vector.broadcast %add3A_454 : i32 to vector<16xi32>
        %add3A_456 = arith.addi %add3A_455, %mul3A_453 : vector<16xi32>
        %add3A_457 = arith.constant 1 : i32
        %add3A_458 = vector.broadcast %add3A_457 : i32 to vector<16xi32>
        %add3A_459 = arith.addi %add3A_456, %add3A_458 : vector<16xi32>
        %gather3A_460 = tpu.vector_load_idx %arg8[%broadcast_in_dim3A_443, %add3A_459] : memref<512x64xf32, #tpu.memory_space<vmem>>[vector<16xi32>, vector<16xi32>], vector<16xf32>,
        %pack3A_461 = tpu.pack_subelements %gather3A_450, %gather3A_460 {pack_format = #tpu.pack_format<interleaved>, positions = array<i32: 0, 1>} : vector<16xf32>, vector<16xf32> -> vector<32xbf16>
        %mul3A_462 = arith.constant 512 : i32
        %mul3A_463 = arith.muli %scan3A_143, %mul3A_462 : i32
        %add3A_464 = arith.constant 16384 : i32
        %add3A_465 = arith.addi %add3A_464, %mul3A_463 : i32
        %add3A_466 = arith.constant 288 : i32
        %add3A_467 = arith.addi %add3A_465, %add3A_466 : i32
        %swap3A_468 = arith.index_cast %add3A_467 : i32 to index
        %swap3A_469 = tpu.vector_load %arg10[%swap3A_468] {strides = array<i32>} : memref<32768xbf16, #tpu.memory_space<vmem>>, vector<32xbf16>,
        tpu.vector_store %arg10[%swap3A_468], %pack3A_461 {strides = array<i32>} : memref<32768xbf16, #tpu.memory_space<vmem>>, vector<32xbf16>,
        %mul3A_470 = arith.constant 8 : i32
        %mul3A_471 = arith.muli %scan3A_143, %mul3A_470 : i32
        %add3A_472 = arith.constant 256 : i32
        %add3A_473 = arith.addi %add3A_472, %mul3A_471 : i32
        %add3A_474 = arith.constant 5 : i32
        %add3A_475 = arith.addi %add3A_473, %add3A_474 : i32
        %broadcast_in_dim3A_476 = vector.broadcast %add3A_475 : i32 to vector<16xi32>
        %mul3A_477 = arith.constant 2 : i32
        %mul3A_478 = vector.broadcast %mul3A_477 : i32 to vector<16xi32>
        %mul3A_479 = arith.muli %mul3A_478, %iota3A : vector<16xi32>
        %add3A_480 = arith.constant 0 : i32
        %add3A_481 = vector.broadcast %add3A_480 : i32 to vector<16xi32>
        %add3A_482 = arith.addi %add3A_481, %mul3A_479 : vector<16xi32>
        %gather3A_483 = tpu.vector_load_idx %arg8[%broadcast_in_dim3A_476, %add3A_482] : memref<512x64xf32, #tpu.memory_space<vmem>>[vector<16xi32>, vector<16xi32>], vector<16xf32>,
        %mul3A_484 = arith.constant 2 : i32
        %mul3A_485 = vector.broadcast %mul3A_484 : i32 to vector<16xi32>
        %mul3A_486 = arith.muli %mul3A_485, %iota3A : vector<16xi32>
        %add3A_487 = arith.constant 0 : i32
        %add3A_488 = vector.broadcast %add3A_487 : i32 to vector<16xi32>
        %add3A_489 = arith.addi %add3A_488, %mul3A_486 : vector<16xi32>
        %add3A_490 = arith.constant 1 : i32
        %add3A_491 = vector.broadcast %add3A_490 : i32 to vector<16xi32>
        %add3A_492 = arith.addi %add3A_489, %add3A_491 : vector<16xi32>
        %gather3A_493 = tpu.vector_load_idx %arg8[%broadcast_in_dim3A_476, %add3A_492] : memref<512x64xf32, #tpu.memory_space<vmem>>[vector<16xi32>, vector<16xi32>], vector<16xf32>,
        %pack3A_494 = tpu.pack_subelements %gather3A_483, %gather3A_493 {pack_format = #tpu.pack_format<interleaved>, positions = array<i32: 0, 1>} : vector<16xf32>, vector<16xf32> -> vector<32xbf16>
        %mul3A_495 = arith.constant 512 : i32
        %mul3A_496 = arith.muli %scan3A_143, %mul3A_495 : i32
        %add3A_497 = arith.constant 16384 : i32
        %add3A_498 = arith.addi %add3A_497, %mul3A_496 : i32
        %add3A_499 = arith.constant 320 : i32
        %add3A_500 = arith.addi %add3A_498, %add3A_499 : i32
        %swap3A_501 = arith.index_cast %add3A_500 : i32 to index
        %swap3A_502 = tpu.vector_load %arg10[%swap3A_501] {strides = array<i32>} : memref<32768xbf16, #tpu.memory_space<vmem>>, vector<32xbf16>,
        tpu.vector_store %arg10[%swap3A_501], %pack3A_494 {strides = array<i32>} : memref<32768xbf16, #tpu.memory_space<vmem>>, vector<32xbf16>,
        %mul3A_503 = arith.constant 8 : i32
        %mul3A_504 = arith.muli %scan3A_143, %mul3A_503 : i32
        %add3A_505 = arith.constant 256 : i32
        %add3A_506 = arith.addi %add3A_505, %mul3A_504 : i32
        %add3A_507 = arith.constant 5 : i32
        %add3A_508 = arith.addi %add3A_506, %add3A_507 : i32
        %broadcast_in_dim3A_509 = vector.broadcast %add3A_508 : i32 to vector<16xi32>
        %mul3A_510 = arith.constant 2 : i32
        %mul3A_511 = vector.broadcast %mul3A_510 : i32 to vector<16xi32>
        %mul3A_512 = arith.muli %mul3A_511, %iota3A : vector<16xi32>
        %add3A_513 = arith.constant 32 : i32
        %add3A_514 = vector.broadcast %add3A_513 : i32 to vector<16xi32>
        %add3A_515 = arith.addi %add3A_514, %mul3A_512 : vector<16xi32>
        %gather3A_516 = tpu.vector_load_idx %arg8[%broadcast_in_dim3A_509, %add3A_515] : memref<512x64xf32, #tpu.memory_space<vmem>>[vector<16xi32>, vector<16xi32>], vector<16xf32>,
        %mul3A_517 = arith.constant 2 : i32
        %mul3A_518 = vector.broadcast %mul3A_517 : i32 to vector<16xi32>
        %mul3A_519 = arith.muli %mul3A_518, %iota3A : vector<16xi32>
        %add3A_520 = arith.constant 32 : i32
        %add3A_521 = vector.broadcast %add3A_520 : i32 to vector<16xi32>
        %add3A_522 = arith.addi %add3A_521, %mul3A_519 : vector<16xi32>
        %add3A_523 = arith.constant 1 : i32
        %add3A_524 = vector.broadcast %add3A_523 : i32 to vector<16xi32>
        %add3A_525 = arith.addi %add3A_522, %add3A_524 : vector<16xi32>
        %gather3A_526 = tpu.vector_load_idx %arg8[%broadcast_in_dim3A_509, %add3A_525] : memref<512x64xf32, #tpu.memory_space<vmem>>[vector<16xi32>, vector<16xi32>], vector<16xf32>,
        %pack3A_527 = tpu.pack_subelements %gather3A_516, %gather3A_526 {pack_format = #tpu.pack_format<interleaved>, positions = array<i32: 0, 1>} : vector<16xf32>, vector<16xf32> -> vector<32xbf16>
        %mul3A_528 = arith.constant 512 : i32
        %mul3A_529 = arith.muli %scan3A_143, %mul3A_528 : i32
        %add3A_530 = arith.constant 16384 : i32
        %add3A_531 = arith.addi %add3A_530, %mul3A_529 : i32
        %add3A_532 = arith.constant 352 : i32
        %add3A_533 = arith.addi %add3A_531, %add3A_532 : i32
        %swap3A_534 = arith.index_cast %add3A_533 : i32 to index
        %swap3A_535 = tpu.vector_load %arg10[%swap3A_534] {strides = array<i32>} : memref<32768xbf16, #tpu.memory_space<vmem>>, vector<32xbf16>,
        tpu.vector_store %arg10[%swap3A_534], %pack3A_527 {strides = array<i32>} : memref<32768xbf16, #tpu.memory_space<vmem>>, vector<32xbf16>,
        %mul3A_536 = arith.constant 8 : i32
        %mul3A_537 = arith.muli %scan3A_143, %mul3A_536 : i32
        %add3A_538 = arith.constant 256 : i32
        %add3A_539 = arith.addi %add3A_538, %mul3A_537 : i32
        %add3A_540 = arith.constant 6 : i32
        %add3A_541 = arith.addi %add3A_539, %add3A_540 : i32
        %broadcast_in_dim3A_542 = vector.broadcast %add3A_541 : i32 to vector<16xi32>
        %mul3A_543 = arith.constant 2 : i32
        %mul3A_544 = vector.broadcast %mul3A_543 : i32 to vector<16xi32>
        %mul3A_545 = arith.muli %mul3A_544, %iota3A : vector<16xi32>
        %add3A_546 = arith.constant 0 : i32
        %add3A_547 = vector.broadcast %add3A_546 : i32 to vector<16xi32>
        %add3A_548 = arith.addi %add3A_547, %mul3A_545 : vector<16xi32>
        %gather3A_549 = tpu.vector_load_idx %arg8[%broadcast_in_dim3A_542, %add3A_548] : memref<512x64xf32, #tpu.memory_space<vmem>>[vector<16xi32>, vector<16xi32>], vector<16xf32>,
        %mul3A_550 = arith.constant 2 : i32
        %mul3A_551 = vector.broadcast %mul3A_550 : i32 to vector<16xi32>
        %mul3A_552 = arith.muli %mul3A_551, %iota3A : vector<16xi32>
        %add3A_553 = arith.constant 0 : i32
        %add3A_554 = vector.broadcast %add3A_553 : i32 to vector<16xi32>
        %add3A_555 = arith.addi %add3A_554, %mul3A_552 : vector<16xi32>
        %add3A_556 = arith.constant 1 : i32
        %add3A_557 = vector.broadcast %add3A_556 : i32 to vector<16xi32>
        %add3A_558 = arith.addi %add3A_555, %add3A_557 : vector<16xi32>
        %gather3A_559 = tpu.vector_load_idx %arg8[%broadcast_in_dim3A_542, %add3A_558] : memref<512x64xf32, #tpu.memory_space<vmem>>[vector<16xi32>, vector<16xi32>], vector<16xf32>,
        %pack3A_560 = tpu.pack_subelements %gather3A_549, %gather3A_559 {pack_format = #tpu.pack_format<interleaved>, positions = array<i32: 0, 1>} : vector<16xf32>, vector<16xf32> -> vector<32xbf16>
        %mul3A_561 = arith.constant 512 : i32
        %mul3A_562 = arith.muli %scan3A_143, %mul3A_561 : i32
        %add3A_563 = arith.constant 16384 : i32
        %add3A_564 = arith.addi %add3A_563, %mul3A_562 : i32
        %add3A_565 = arith.constant 384 : i32
        %add3A_566 = arith.addi %add3A_564, %add3A_565 : i32
        %swap3A_567 = arith.index_cast %add3A_566 : i32 to index
        %swap3A_568 = tpu.vector_load %arg10[%swap3A_567] {strides = array<i32>} : memref<32768xbf16, #tpu.memory_space<vmem>>, vector<32xbf16>,
        tpu.vector_store %arg10[%swap3A_567], %pack3A_560 {strides = array<i32>} : memref<32768xbf16, #tpu.memory_space<vmem>>, vector<32xbf16>,
        %mul3A_569 = arith.constant 8 : i32
        %mul3A_570 = arith.muli %scan3A_143, %mul3A_569 : i32
        %add3A_571 = arith.constant 256 : i32
        %add3A_572 = arith.addi %add3A_571, %mul3A_570 : i32
        %add3A_573 = arith.constant 6 : i32
        %add3A_574 = arith.addi %add3A_572, %add3A_573 : i32
        %broadcast_in_dim3A_575 = vector.broadcast %add3A_574 : i32 to vector<16xi32>
        %mul3A_576 = arith.constant 2 : i32
        %mul3A_577 = vector.broadcast %mul3A_576 : i32 to vector<16xi32>
        %mul3A_578 = arith.muli %mul3A_577, %iota3A : vector<16xi32>
        %add3A_579 = arith.constant 32 : i32
        %add3A_580 = vector.broadcast %add3A_579 : i32 to vector<16xi32>
        %add3A_581 = arith.addi %add3A_580, %mul3A_578 : vector<16xi32>
        %gather3A_582 = tpu.vector_load_idx %arg8[%broadcast_in_dim3A_575, %add3A_581] : memref<512x64xf32, #tpu.memory_space<vmem>>[vector<16xi32>, vector<16xi32>], vector<16xf32>,
        %mul3A_583 = arith.constant 2 : i32
        %mul3A_584 = vector.broadcast %mul3A_583 : i32 to vector<16xi32>
        %mul3A_585 = arith.muli %mul3A_584, %iota3A : vector<16xi32>
        %add3A_586 = arith.constant 32 : i32
        %add3A_587 = vector.broadcast %add3A_586 : i32 to vector<16xi32>
        %add3A_588 = arith.addi %add3A_587, %mul3A_585 : vector<16xi32>
        %add3A_589 = arith.constant 1 : i32
        %add3A_590 = vector.broadcast %add3A_589 : i32 to vector<16xi32>
        %add3A_591 = arith.addi %add3A_588, %add3A_590 : vector<16xi32>
        %gather3A_592 = tpu.vector_load_idx %arg8[%broadcast_in_dim3A_575, %add3A_591] : memref<512x64xf32, #tpu.memory_space<vmem>>[vector<16xi32>, vector<16xi32>], vector<16xf32>,
        %pack3A_593 = tpu.pack_subelements %gather3A_582, %gather3A_592 {pack_format = #tpu.pack_format<interleaved>, positions = array<i32: 0, 1>} : vector<16xf32>, vector<16xf32> -> vector<32xbf16>
        %mul3A_594 = arith.constant 512 : i32
        %mul3A_595 = arith.muli %scan3A_143, %mul3A_594 : i32
        %add3A_596 = arith.constant 16384 : i32
        %add3A_597 = arith.addi %add3A_596, %mul3A_595 : i32
        %add3A_598 = arith.constant 416 : i32
        %add3A_599 = arith.addi %add3A_597, %add3A_598 : i32
        %swap3A_600 = arith.index_cast %add3A_599 : i32 to index
        %swap3A_601 = tpu.vector_load %arg10[%swap3A_600] {strides = array<i32>} : memref<32768xbf16, #tpu.memory_space<vmem>>, vector<32xbf16>,
        tpu.vector_store %arg10[%swap3A_600], %pack3A_593 {strides = array<i32>} : memref<32768xbf16, #tpu.memory_space<vmem>>, vector<32xbf16>,
        %mul3A_602 = arith.constant 8 : i32
        %mul3A_603 = arith.muli %scan3A_143, %mul3A_602 : i32
        %add3A_604 = arith.constant 256 : i32
        %add3A_605 = arith.addi %add3A_604, %mul3A_603 : i32
        %add3A_606 = arith.constant 7 : i32
        %add3A_607 = arith.addi %add3A_605, %add3A_606 : i32
        %broadcast_in_dim3A_608 = vector.broadcast %add3A_607 : i32 to vector<16xi32>
        %mul3A_609 = arith.constant 2 : i32
        %mul3A_610 = vector.broadcast %mul3A_609 : i32 to vector<16xi32>
        %mul3A_611 = arith.muli %mul3A_610, %iota3A : vector<16xi32>
        %add3A_612 = arith.constant 0 : i32
        %add3A_613 = vector.broadcast %add3A_612 : i32 to vector<16xi32>
        %add3A_614 = arith.addi %add3A_613, %mul3A_611 : vector<16xi32>
        %gather3A_615 = tpu.vector_load_idx %arg8[%broadcast_in_dim3A_608, %add3A_614] : memref<512x64xf32, #tpu.memory_space<vmem>>[vector<16xi32>, vector<16xi32>], vector<16xf32>,
        %mul3A_616 = arith.constant 2 : i32
        %mul3A_617 = vector.broadcast %mul3A_616 : i32 to vector<16xi32>
        %mul3A_618 = arith.muli %mul3A_617, %iota3A : vector<16xi32>
        %add3A_619 = arith.constant 0 : i32
        %add3A_620 = vector.broadcast %add3A_619 : i32 to vector<16xi32>
        %add3A_621 = arith.addi %add3A_620, %mul3A_618 : vector<16xi32>
        %add3A_622 = arith.constant 1 : i32
        %add3A_623 = vector.broadcast %add3A_622 : i32 to vector<16xi32>
        %add3A_624 = arith.addi %add3A_621, %add3A_623 : vector<16xi32>
        %gather3A_625 = tpu.vector_load_idx %arg8[%broadcast_in_dim3A_608, %add3A_624] : memref<512x64xf32, #tpu.memory_space<vmem>>[vector<16xi32>, vector<16xi32>], vector<16xf32>,
        %pack3A_626 = tpu.pack_subelements %gather3A_615, %gather3A_625 {pack_format = #tpu.pack_format<interleaved>, positions = array<i32: 0, 1>} : vector<16xf32>, vector<16xf32> -> vector<32xbf16>
        %mul3A_627 = arith.constant 512 : i32
        %mul3A_628 = arith.muli %scan3A_143, %mul3A_627 : i32
        %add3A_629 = arith.constant 16384 : i32
        %add3A_630 = arith.addi %add3A_629, %mul3A_628 : i32
        %add3A_631 = arith.constant 448 : i32
        %add3A_632 = arith.addi %add3A_630, %add3A_631 : i32
        %swap3A_633 = arith.index_cast %add3A_632 : i32 to index
        %swap3A_634 = tpu.vector_load %arg10[%swap3A_633] {strides = array<i32>} : memref<32768xbf16, #tpu.memory_space<vmem>>, vector<32xbf16>,
        tpu.vector_store %arg10[%swap3A_633], %pack3A_626 {strides = array<i32>} : memref<32768xbf16, #tpu.memory_space<vmem>>, vector<32xbf16>,
        %mul3A_635 = arith.constant 8 : i32
        %mul3A_636 = arith.muli %scan3A_143, %mul3A_635 : i32
        %add3A_637 = arith.constant 256 : i32
        %add3A_638 = arith.addi %add3A_637, %mul3A_636 : i32
        %add3A_639 = arith.constant 7 : i32
        %add3A_640 = arith.addi %add3A_638, %add3A_639 : i32
        %broadcast_in_dim3A_641 = vector.broadcast %add3A_640 : i32 to vector<16xi32>
        %mul3A_642 = arith.constant 2 : i32
        %mul3A_643 = vector.broadcast %mul3A_642 : i32 to vector<16xi32>
        %mul3A_644 = arith.muli %mul3A_643, %iota3A : vector<16xi32>
        %add3A_645 = arith.constant 32 : i32
        %add3A_646 = vector.broadcast %add3A_645 : i32 to vector<16xi32>
        %add3A_647 = arith.addi %add3A_646, %mul3A_644 : vector<16xi32>
        %gather3A_648 = tpu.vector_load_idx %arg8[%broadcast_in_dim3A_641, %add3A_647] : memref<512x64xf32, #tpu.memory_space<vmem>>[vector<16xi32>, vector<16xi32>], vector<16xf32>,
        %mul3A_649 = arith.constant 2 : i32
        %mul3A_650 = vector.broadcast %mul3A_649 : i32 to vector<16xi32>
        %mul3A_651 = arith.muli %mul3A_650, %iota3A : vector<16xi32>
        %add3A_652 = arith.constant 32 : i32
        %add3A_653 = vector.broadcast %add3A_652 : i32 to vector<16xi32>
        %add3A_654 = arith.addi %add3A_653, %mul3A_651 : vector<16xi32>
        %add3A_655 = arith.constant 1 : i32
        %add3A_656 = vector.broadcast %add3A_655 : i32 to vector<16xi32>
        %add3A_657 = arith.addi %add3A_654, %add3A_656 : vector<16xi32>
        %gather3A_658 = tpu.vector_load_idx %arg8[%broadcast_in_dim3A_641, %add3A_657] : memref<512x64xf32, #tpu.memory_space<vmem>>[vector<16xi32>, vector<16xi32>], vector<16xf32>,
        %pack3A_659 = tpu.pack_subelements %gather3A_648, %gather3A_658 {pack_format = #tpu.pack_format<interleaved>, positions = array<i32: 0, 1>} : vector<16xf32>, vector<16xf32> -> vector<32xbf16>
        %mul3A_660 = arith.constant 512 : i32
        %mul3A_661 = arith.muli %scan3A_143, %mul3A_660 : i32
        %add3A_662 = arith.constant 16384 : i32
        %add3A_663 = arith.addi %add3A_662, %mul3A_661 : i32
        %add3A_664 = arith.constant 480 : i32
        %add3A_665 = arith.addi %add3A_663, %add3A_664 : i32
        %swap3A_666 = arith.index_cast %add3A_665 : i32 to index
        %swap3A_667 = tpu.vector_load %arg10[%swap3A_666] {strides = array<i32>} : memref<32768xbf16, #tpu.memory_space<vmem>>, vector<32xbf16>,
        tpu.vector_store %arg10[%swap3A_666], %pack3A_659 {strides = array<i32>} : memref<32768xbf16, #tpu.memory_space<vmem>>, vector<32xbf16>,
      }
      %scan3A_135 = arith.constant 32 : i32
      %mul3A_136 = arith.constant 512 : i32
      %mul3A_137 = arith.muli %add3A_42, %mul3A_136 : i32
      %mul3A_138 = arith.constant 64 : i32
      %mul3A_139 = arith.muli %mul3A_137, %mul3A_138 : i32
      %add3A_140 = arith.addi %mul3A_6, %mul3A_139 : i32
      %dma_start3A_141 = tpu.memref_slice %arg4[%add3A_140] : memref<27262976xbf16, #tpu.memory_space<hbm>> -> memref<32768xbf16, #tpu.memory_space<hbm>>
      %dma_start3A_142 = tpu.memref_slice %arg4[%add3A_140] : memref<27262976xbf16, #tpu.memory_space<hbm>> -> memref<32768xbf16, #tpu.memory_space<hbm>>
      tpu.enqueue_dma source(%arg10 : memref<32768xbf16, #tpu.memory_space<vmem>>) target(%dma_start3A_142 : memref<32768xbf16, #tpu.memory_space<hbm>>) target_semaphore(%arg14 : memref<!tpu.dma_semaphore, #tpu.memory_space<semaphore_mem>>)
    }
    %scan3A_28 = arith.constant 13 : i32
    %add3A_29 = arith.constant 786432 : i32
    %add3A_30 = arith.addi %mul3A_6, %add3A_29 : i32
    %dma_wait3A = tpu.memref_slice %arg4[%add3A_30] : memref<27262976xbf16, #tpu.memory_space<hbm>> -> memref<32768xbf16, #tpu.memory_space<hbm>>
    %dma_wait3A_31 = tpu.memref_slice %arg4[%add3A_30] : memref<27262976xbf16, #tpu.memory_space<hbm>> -> memref<32768xbf16, #tpu.memory_space<hbm>>
    tpu.wait_dma2 semaphore(%arg13 : memref<!tpu.dma_semaphore, #tpu.memory_space<semaphore_mem>>) src(%arg9 : memref<32768xbf16, #tpu.memory_space<vmem>>) dst(%dma_wait3A_31 : memref<32768xbf16, #tpu.memory_space<hbm>>)
    %add3A_32 = arith.constant 819200 : i32
    %add3A_33 = arith.addi %mul3A_6, %add3A_32 : i32
    %dma_wait3A_34 = tpu.memref_slice %arg4[%add3A_33] : memref<27262976xbf16, #tpu.memory_space<hbm>> -> memref<32768xbf16, #tpu.memory_space<hbm>>
    %dma_wait3A_35 = tpu.memref_slice %arg4[%add3A_33] : memref<27262976xbf16, #tpu.memory_space<hbm>> -> memref<32768xbf16, #tpu.memory_space<hbm>>
    tpu.wait_dma2 semaphore(%arg14 : memref<!tpu.dma_semaphore, #tpu.memory_space<semaphore_mem>>) src(%arg10 : memref<32768xbf16, #tpu.memory_space<vmem>>) dst(%dma_wait3A_35 : memref<32768xbf16, #tpu.memory_space<hbm>>)
    return
  }
}

</mosaic_0001>

<sc_bundles>
// kernel: kernel.3.cloned.1.call-start
scs
__scs_entry_jumppad:
0x0: {  	(pc) =	sbr.rel $0x88, $3  }
0x1: {  	(tag) =	ssettag $0x0;
	lr =	simm.s32 $0x1  }
0x2: {  	[smem:$0x3F9F] =	sst lr;
	_ =	strace $0xD0000000  }
0x3: {  	_ = 	snop  }
0x4: {  	_ = 	snop  }
0x5: {  	_ = 	snop  }
0x6: {  	_ = 	snop  }
0x7: {  	_ = 	snop  }
__scs_overlays_trampoline_lowered:
0x8: {  	[smem:$0x3FAE] =	sst s0  }
0x9: {  	[smem:$0x3FAF] =	sst s1  }
0xa: {  	[smem:$0x3FB0] =	sst s2  }
0xb: {  	[smem:$0x3FB1] =	sst s3  }
0xc: {  	[smem:$0x3FB2] =	sst s4  }
0xd: {  	[smem:$0x3FB3] =	sst s5  }
0xe: {  	[smem:$0x3FB4] =	sst s6  }
0xf: {  	[smem:$0x3FB5] =	sst s7  }
0x10: {  	[smem:$0x3FB6] =	sst s8  }
0x11: {  	[smem:$0x3FB7] =	sst s9;
	s0 =	simm.s32 @!p0 $0x0  }
0x12: {  	s1 =	sld [smem:$0x3F9D];
	s0 =	simm.s32 @p0 $0x1  }
0x13: {  	[smem:$0x3FB8] =	sst s0;
	s0 =	simm.s32 @!p1 $0x0  }
0x14: {  	s2 =	sld [smem:$0x3F9C];
	s0 =	simm.s32 @p1 $0x1  }
0x15: {  	[smem:$0x3FB9] =	sst s0;
	s0 =	simm.s32 @!p2 $0x0  }
0x16: {  	s3 =	sld [smem:$0x3FDB];
	s0 =	simm.s32 @p2 $0x1  }
0x17: {  	s4 =	simm.s32 $0x1BF5;
	[smem:$0x3FBB] =	sst s0  }
0x18: {  	s0 =	sld [smem:$0x3F9E];
	_ =	swait.ge [sflag:s4], $0x0  }
0x19: {  	s7 =	sld [smem:$0x3F9F]  }
0x1a: {  	s8 =	sadd.s32 $0xFFFFE003, lr  }
0x1b: {  	s9 =	sadd.s32 $0xFFFFFEF7, lr;
	s5 =	simm.s32 $0xFFFFFFFF;
	p2 =	slt.u32 s8, $0xFFFFF086  }
0x1c: {  	p1 =	slt.u32 s9, $0xF7A;
	s5 =	simm.s32 @!p2 $0x0  }
0x1d: {  	s5 =	simm.s32 @p1 $0x1;
	p0 =	seq.s32 s7, s2  }
0x1e: {  	s7 =	smul.u32 @!p0 $0xF7A, s2;
	p2 =	seq.s32 @!p0 s5, $0x0  }
0x1f: {  	s9 =	smul.u32 $0xF7A, s1;
	s8 =	simm.s32 @!p0 $0x1BF5;
	p2 =	por !p2, p0  }
0x20: {  	[sflag:s8] =	ssyncset.s32 @!p0 $0xFFFFF086;
	s6 =	sadd.s32 @!p0 s3, s7;
	s7 =	simm.s32 @!p0 $0x108  }
0x21: {  	s3 =	sadd.s32 s3, s9;
	s6 =	sadd.s32 @!p0 $0x88, s6;
	s7 =	simm.s32 @p2 $0x1082  }
0x22: {  	[simem:s7], [sflag:s8] =	dma.local @!p0 [hbm:s6], $0xF7A  }
0x23: {  	s9 =	sor.u32 $0xD0000000, s2;
	s6 =	simm.s32 $0x108;
	_ =	swait.ge @!p0 [sflag:s8], $0x0  }
0x24: {  	s3 =	sadd.s32 $0x88, s3;
	s6 =	simm.s32 @!p1 $0x1082;
	[sflag:s4] =	ssyncset.s32 $0xFFFFF086  }
0x25: {  	[simem:s6], [sflag:s4] =	dma.local [hbm:s3], $0xF7A  }
0x26: {  	[smem:$0x3F9F] =	sst s1;
	(tag) =	ssettag s2;
	_ =	strace s9  }
0x27: {  	s1 =	sld [smem:$0x3FAF]  }
0x28: {  	s2 =	sld [smem:$0x3FB0]  }
0x29: {  	s4 =	sld [smem:$0x3FB2]  }
0x2a: {  	p0 =	seq.s32 s5, $0x0;
	s5 =	sld [smem:$0x3FB3]  }
0x2b: {  	s6 =	sld [smem:$0x3FB4]  }
0x2c: {  	s7 =	sld [smem:$0x3FB5]  }
0x2d: {  	s3 =	simm.s32 $0x108;
	s8 =	sld [smem:$0x3FB6]  }
0x2e: {  	s3 =	simm.s32 @!p0 $0x1082;
	s9 =	sld [smem:$0x3FB7]  }
0x2f: {  	lr =	sadd.s32 s0, s3;
	s0 =	sld [smem:$0x3FAE]  }
0x30: {  	s3 =	sld [smem:$0x3FB1]  }
0x31: {  	[smem:$0x3FBA] =	sst s10  }
0x32: {  	s10 =	sld [smem:$0x3FB8];
	_ =	sdelay $0x3  }
0x33: {  	p0 =	seq.s32 s10, $0x1;
	s10 =	sld [smem:$0x3FBA];
	_ =	sdelay $0x3  }
0x34: {  	[smem:$0x3FBA] =	sst s10  }
0x35: {  	s10 =	sld [smem:$0x3FB9];
	_ =	sdelay $0x3  }
0x36: {  	p1 =	seq.s32 s10, $0x1;
	s10 =	sld [smem:$0x3FBA];
	_ =	sdelay $0x3  }
0x37: {  	[smem:$0x3FBA] =	sst s10  }
0x38: {  	s10 =	sld [smem:$0x3FBB]  }
0x39: {  	_ = 	snop;
	(pc) =	sbr.ind lr, $3  }
0x3a: {  	_ = 	snop  }
0x3b: {  	_ = 	snop  }
0x3c: {  	p2 =	seq.s32 s10, $0x1;
	s10 =	sld [smem:$0x3FBA]  }
0x3d: {  	_ =	shalt  }
0x3e: {  	_ =	shalt  }
0x3f: {  	_ =	shalt  }
0x40: {  	_ =	shalt  }
0x41: {  	_ =	shalt  }
0x42: {  	_ =	shalt  }
0x43: {  	_ =	shalt  }
0x44: {  	_ =	shalt  }
0x45: {  	_ =	shalt  }
0x46: {  	_ =	shalt  }
0x47: {  	_ =	shalt  }
0x48: {  	_ =	shalt  }
0x49: {  	_ =	shalt  }
0x4a: {  	_ =	shalt  }
0x4b: {  	_ =	shalt  }
0x4c: {  	_ =	shalt  }
0x4d: {  	_ =	shalt  }
0x4e: {  	_ =	shalt  }
0x4f: {  	_ =	shalt  }
0x50: {  	_ =	shalt  }
0x51: {  	_ =	shalt  }
0x52: {  	_ =	shalt  }
0x53: {  	_ =	shalt  }
0x54: {  	_ =	shalt  }
0x55: {  	_ =	shalt  }
0x56: {  	_ =	shalt  }
0x57: {  	_ =	shalt  }
0x58: {  	_ =	shalt  }
0x59: {  	_ =	shalt  }
0x5a: {  	_ =	shalt  }
0x5b: {  	_ =	shalt  }
0x5c: {  	_ =	shalt  }
0x5d: {  	_ =	shalt  }
0x5e: {  	_ =	shalt  }
0x5f: {  	_ =	shalt  }
0x60: {  	_ =	shalt  }
0x61: {  	_ =	shalt  }
0x62: {  	_ =	shalt  }
0x63: {  	_ =	shalt  }
0x64: {  	_ =	shalt  }
0x65: {  	_ =	shalt  }
0x66: {  	_ =	shalt  }
0x67: {  	_ =	shalt  }
0x68: {  	_ =	shalt  }
0x69: {  	_ =	shalt  }
0x6a: {  	_ =	shalt  }
0x6b: {  	_ =	shalt  }
0x6c: {  	_ =	shalt  }
0x6d: {  	_ =	shalt  }
0x6e: {  	_ =	shalt  }
0x6f: {  	_ =	shalt  }
0x70: {  	_ =	shalt  }
0x71: {  	_ =	shalt  }
0x72: {  	_ =	shalt  }
0x73: {  	_ =	shalt  }
0x74: {  	_ =	shalt  }
0x75: {  	_ =	shalt  }
0x76: {  	_ =	shalt  }
0x77: {  	_ =	shalt  }
0x78: {  	_ =	shalt  }
0x79: {  	_ =	shalt  }
0x7a: {  	_ =	shalt  }
0x7b: {  	_ =	shalt  }
0x7c: {  	_ =	shalt  }
0x7d: {  	_ =	shalt  }
0x7e: {  	_ =	shalt  }
0x7f: {  	_ =	shalt  }
0x80: {  	_ =	shalt  }
0x81: {  	_ =	shalt  }
0x82: {  	_ =	shalt  }
0x83: {  	_ =	shalt  }
0x84: {  	_ =	shalt  }
0x85: {  	_ =	shalt  }
0x86: {  	_ =	shalt  }
0x87: {  	_ =	shalt  }
.Lfunc_end0:
.L_simem_size_0:
called_computation.1_lowered:
.L_overlay_start_0:
0x88: {  	s2 =	sld [smem:$0x3FD9]  }
0x89: {  	s3 =	sld [smem:$0x3FFE];
	_ =	sdelay $0x1  }
0x8a: {  	s1 =	srdreg.scid  }
0x8b: {  	s0 =	sand.u32 $0x1, s1  }
0x8c: {  	s17 =	sshll.u32 s0, $0xA;
	s2 =	sadd.s32 s3, s2  }
0x8d: {  	s2 =	sadd.s32 s2, s17  }
0x8e: {  	[smem:$0x3FC6] =	sst s2  }
0x8f: {  	_ = 	snop  }
0x90: {  	s2 =	sld [smem:$0x3FD0];
	(tm) =	ssettm $0x1  }
0x91: {  	s18 =	sld [smem:$0x3FFB];
	_ =	sdelay $0x3  }
0x92: {  	_ =	strace s18  }
0x93: {  	s3 =	sld [smem:$0x3FFC];
	_ =	sdelay $0x3  }
0x94: {  	_ =	strace s3  }
0x95: {  	s3 =	sld [smem:$0x3FFD];
	_ =	sdelay $0x3  }
0x96: {  	_ =	strace s3  }
0x97: {  	_ =	strace $0x8FFFFFFF  }
0x98: {  	s19 =	sld [smem:$0x3FDB];
	_ =	sdelay $0x1  }
0x99: {  	s4 =	simm.s32 $_scs_section_size  }
0x9a: {  	s5 =	simm.s32 $_size__tile_overlayer_lowered;
	s6 =	simm.s32 $_tile_overlayer_lowered  }
0x9b: {  	s22 =	simm.s32 $0x1BFF;
	s21 =	sshll.u32 s6, $0x1;
	s3 =	sadd.s32 s4, s19  }
0x9c: {  	s7 =	simm.s32 $0x0;
	s20 =	sshll.u32 s5, $0x1;
	s5 =	sadd.s32 s21, s3  }
0x9d: {  	[timem:s7], [sflag:s22] =	dma.local [hbm:s5], s20  }
0x9e: {  	_ =	swait.ge [sflag:s22], s20  }
0x9f: {  	s4 =	ssub.s32 $0x0, s20;
	[sflag:s22] =	ssyncset.done $0x0  }
0xa0: {  	[sflag:s22] =	ssyncadd.s32 s4;
	_ =	sdelay $0x1  }
0xa1: {  	s23 =	simm.s32 $0x1B8B  }
0xa2: {  	_ =	swait.ge [sflag:s23], $0x1  }
0xa3: {  	[sflag:s23] =	ssyncset.done $0x0  }
0xa4: {  	s25 =	simm.s32 $0x1B8E;
	s24 =	sld [smem:$0x3FFE];
	[sflag:s23] =	ssyncadd.s32 $0xFFFFFFFF  }
0xa5: {  	s26 =	simm.s32 $execute0_lowered;
	[smem:$0x3FD2] =	sst s25  }
0xa6: {  	s5 =	sshll.u32 s26, $0x1;
	_ =	strace $0x80000046;
	[dreg:$0x1] =	wrdreg $0xFFFFFFFF  }
0xa7: {  	s28 =	simm.s32 $_size_execute0_lowered;
	s3 =	sadd.s32 s3, s5;
	[dreg:$0x0] =	wrdreg $0x0  }
0xa8: {  	s5 =	sshll.u32 s28, $0x1;
	[dreg:$0x2] =	wrdreg s3  }
0xa9: {  	[dreg:$0x3] =	wrdreg s5  }
0xaa: {  	[dreg:$0x4] =	wrdreg $0xC0  }
0xab: {  	_ =	task [dreg:s7], $0x5FFFF  }
0xac: {  	[dreg:$0x1] =	wrdreg $0xFFFFFFFF  }
0xad: {  	[dreg:$0x0] =	wrdreg $0x60  }
0xae: {  	[dreg:$0x2] =	wrdreg s2  }
0xaf: {  	[dreg:$0x3] =	wrdreg s24  }
0xb0: {  	[dreg:$0x4] =	wrdreg $0x9  }
0xb1: {  	_ =	task.clear_ibuf [dreg:s7], $0x5FFFF;
	_ =	strace $0x90000046  }
0xb2: {  	s29 =	simm.s32 $0x9;
	_ =	strace $0x80000048  }
0xb3: {  	_ =	swait.ge [sflag:s29], $0x1  }
0xb4: {  	[sflag:s29] =	ssyncadd.s32 $0xFFFFFFFF  }
0xb5: {  	_ =	strace $0x90000048  }
0xb6: {  	_ =	sfence  }
0xb7: {  	s30 =	sld [smem:$0x0];
	_ =	sdelay $0x2  }
0xb8: {  	s31 =	sshll.u32 s1, $0xD;
	s1 =	sshrl.u32 s1, $0x2  }
0xb9: {  	s3 =	sand.u32 $0x4000, s31;
	s1 =	sadd.s32 s1, s30  }
0xba: {  	s0 =	sor.u32 s3, s0;
	s1 =	sshll.u32 s1, $0x11  }
0xbb: {  	s0 =	sor.u32 s1, s0  }
0xbc: {  	s0 =	sadd.s32 $0x8F2B, s0  }
0xbd: {  	[sflag:s0] =	ssyncadd.remote.s32 $0x1  }
0xbe: {  	_ =	sfence.sel $0xFFFF  }
0xbf: {  	[dreg:$0x0] =	wrdreg $0xFFFFFFFF;
	(pc) =	sbr.abs _section_cstart, $3  }
0xc0: {  	[dreg:$0x1] =	wrdreg $0xFFFFFFFF  }
0xc1: {  	_ =	task.clear_ibuf [dreg:s7], $0x2FFFF;
	_ =	strace $0x9FFFFFFF  }
0xc2: {  	(tm) =	ssettm $0x7FFFFFFF  }
0xc3: {  	_ =	shalt  }
tec
execute0_lowered:
.L_overlay_start_1:
0x0: {  	(tag) =	ssettag $0x1  }
0x1: {  	s2 =	rddreg [dreg:$0x0]  }
0x2: {  	s0 =	rddreg [dreg:$0x1]  }
0x3: {  	s1 =	srdreg.scid;
	s4 =	stileid.u32;
	s3 =	simm.s32 $0x0  }
0x4: {  	s11 =	simm.s32 $0x5;
	s12 =	simm.s32 $0x100;
	s13 =	simm.s32 $0x400  }
0x5: {  	s15 =	simm.s32 $0x200;
	s16 =	simm.s32 $0x8400;
	s18 =	simm.s32 $0xC400  }
0x6: {  	s19 =	simm.s32 $0x1;
	s20 =	simm.s32 $0x10400;
	s21 =	simm.s32 $0x2  }
0x7: {  	s22 =	simm.s32 $0x14400;
	s1 =	sand.u32 $0x1, s1;
	s4 =	sshll.u32 s4, $0x1  }
0x8: {  	s24 =	simm.s32 $0x4;
	s7 =	sor.u32 s1, s4;
	s1 =	ssub.s32 $0x2, s1  }
0x9: {  	[smem:$0x7FF] =	sst s3;
	s4 =	smul.u32 $0x3400, s7;
	s30 =	sshrl.u32 s1, $0x1  }
0xa: {  	v0 =	vlaneseq.u32;
	s5 =	sadd.s32 $0xF42E00, s0;
	s6 =	sadd.s32 $0xA00, s0;
	s0 =	ssub.s32 s1, s30  }
0xb: {  	v0 =	vmul.u32 $0x2, v0;
	_ =	strace $0x80000047;
	s31 =	sshrl.u32 s4, $0x3;
	s0 =	smax.u32 s0, $0x1  }
0xc: {  	s7 =	smul.u32 $0xD0000, s7;
	s1 =	sadd.s32 s2, s31;
	[dreg:$0x4] =	wrdreg s0  }
0xd: {  	v1 =	vor.u32 $0x1, v0;
	v2 =	vor.u32 $0x20, v0;
	v3 =	vor.u32 $0x21, v0;
	s9 =	sadd.s32 $0x400, s4;
	[dreg:$0x3] =	wrdreg s1;
	s1 =	simm.s32 $0x0  }
.LBB2_1:
0xe: {  	[dreg:$0x5] =	wrdreg s1  }
0xf: {  	s0 =	rddreg [dreg:$0x3]  }
0x10: {  	[tilespmem:s3], [sflag:$0x5] =	stream.linear.gather [hbm4b:s0+s3], $0x200, $0x38;
	[tilespmem:$0x18400] =	vst v63  }
0x11: {  	_ =	swait.ge [sflag:s11], $0x200  }
0x12: {  	[sflag:s11] =	ssyncset.done $0x0  }
0x13: {  	[sflag:s11] =	ssyncadd.s32 $0xFFFFFE00  }
0x14: {  	[tilespmem:s13], [sflag:$0x1] =	stream.indirect.gather [hbm4b:s5+s12], $0x40, s3, s12, $0xb8;
	[tilespmem:$0x18400] =	vst v63  }
0x15: {  	s31 =	simm.s32 $0x4400;
	s26 =	simm.s32 $0x0  }
0x16: {  	[tilespmem:s31], [sflag:$0x1] =	stream.indirect.gather [hbm4b:s5+s12], $0x40, s12, s12, $0xb8;
	[tilespmem:$0x18400] =	vst v63  }
.LBB2_2:
0x17: {  	s28 =	sshllo.u32 s26, $0x1  }
0x18: {  	s0 =	sshll.u32 s28, $0x9  }
0x19: {  	s0 =	sadd.s32 s4, s0  }
0x1a: {  	s0 =	sshrl.u32 s0, $0x3  }
0x1b: {  	s0 =	sadd.s32 s2, s0  }
0x1c: {  	[tilespmem:s15], [sflag:$0x5] =	stream.linear.gather [hbm4b:s0+s3], $0x200, $0x38;
	[tilespmem:$0x18400] =	vst v63  }
0x1d: {  	_ =	swait.ge [sflag:s11], $0x200  }
0x1e: {  	[sflag:s11] =	ssyncset.done $0x0  }
0x1f: {  	p0 =	seq.s32 s26, $0x0;
	[sflag:s11] =	ssyncadd.s32 $0xFFFFFE00  }
0x20: {  	[tilespmem:s16], [sflag:$0x2] =	stream.indirect.gather [hbm4b:s5+s12], $0x40, s15, s12, $0xb8;
	[tilespmem:$0x18400] =	vst v63  }
0x21: {  	s1 =	simm.s32 $0x300;
	s0 =	simm.s32 @!p0 $0x3  }
0x22: {  	[tilespmem:s18], [sflag:$0x2] =	stream.indirect.gather [hbm4b:s5+s12], $0x40, s1, s12, $0xb8;
	[tilespmem:$0x18400] =	vst v63  }
0x23: {  	s1 =	simm.s32 $0x0;
	_ =	swait.ge @!p0 [sflag:s0], $0x4000  }
0x24: {  	v4 =	vor.u32 s1, v0;
	[sflag:s0] =	ssyncset.done @!p0 $0x0  }
0x25: {  	v5 =	vor.u32 s1, v1;
	[sflag:s0] =	ssyncadd.s32 @!p0 $0xFFFFC000  }
0x26: {  	_ =	swait.ge [sflag:s19], $0x4000  }
0x27: {  	[sflag:s19] =	ssyncset.done $0x0  }
0x28: {  	[sflag:s19] =	ssyncadd.s32 $0xFFFFC000  }
0x29: {  	v4 =	vld.idx.msk [tilespmem:v4+s13+$0x0], $0xffff  }
0x2a: {  	v5 =	vld.idx.msk [tilespmem:v5+s13+$0x0], $0xffff;
	_ =	sdelay $0x1  }
0x2b: {  	v6 =	vor.u32 s1, v2  }
0x2c: {  	v7 =	vor.u32 s1, v3;
	_ =	sdelay $0x1  }
0x2d: {  	s29 =	simm.s32 $0x10480;
	v4 =	vpack.i.f32.bf16 v5, v4  }
0x2e: {  	[tilespmem:s29+$0xFFFFFF80] =	vst v4  }
0x2f: {  	v4 =	vld.idx.msk [tilespmem:v6+s13+$0x0], $0xffff  }
0x30: {  	v5 =	vld.idx.msk [tilespmem:v7+s13+$0x0], $0xffff  }
0x31: {  	s8 =	simm.s32 $0x40  }
0x32: {  	v6 =	vor.u32 s8, v0  }
0x33: {  	v7 =	vor.u32 s8, v1;
	_ =	sdelay $0x1  }
0x34: {  	v4 =	vpack.i.f32.bf16 v5, v4  }
0x35: {  	[tilespmem:s29+$0xFFFFFF90] =	vst v4  }
0x36: {  	v4 =	vld.idx.msk [tilespmem:v6+s13+$0x0], $0xffff  }
0x37: {  	v5 =	vld.idx.msk [tilespmem:v7+s13+$0x0], $0xffff;
	_ =	sdelay $0x1  }
0x38: {  	v6 =	vor.u32 s8, v2  }
0x39: {  	v7 =	vor.u32 s8, v3;
	_ =	sdelay $0x1  }
0x3a: {  	v4 =	vpack.i.f32.bf16 v5, v4  }
0x3b: {  	[tilespmem:s29+$0xFFFFFFA0] =	vst v4  }
0x3c: {  	v4 =	vld.idx.msk [tilespmem:v6+s13+$0x0], $0xffff  }
0x3d: {  	v5 =	vld.idx.msk [tilespmem:v7+s13+$0x0], $0xffff  }
0x3e: {  	s10 =	simm.s32 $0x80  }
0x3f: {  	v6 =	vor.u32 s10, v0  }
0x40: {  	v7 =	vor.u32 s10, v1;
	_ =	sdelay $0x1  }
0x41: {  	v4 =	vpack.i.f32.bf16 v5, v4  }
0x42: {  	[tilespmem:s29+$0xFFFFFFB0] =	vst v4  }
0x43: {  	v4 =	vld.idx.msk [tilespmem:v6+s13+$0x0], $0xffff  }
0x44: {  	v5 =	vld.idx.msk [tilespmem:v7+s13+$0x0], $0xffff;
	_ =	sdelay $0x1  }
0x45: {  	v6 =	vor.u32 s10, v2  }
0x46: {  	v7 =	vor.u32 s10, v3;
	_ =	sdelay $0x1  }
0x47: {  	v4 =	vpack.i.f32.bf16 v5, v4  }
0x48: {  	[tilespmem:s29+$0xFFFFFFC0] =	vst v4  }
0x49: {  	v4 =	vld.idx.msk [tilespmem:v6+s13+$0x0], $0xffff  }
0x4a: {  	v5 =	vld.idx.msk [tilespmem:v7+s13+$0x0], $0xffff  }
0x4b: {  	s14 =	simm.s32 $0xC0  }
0x4c: {  	v6 =	vor.u32 s14, v0  }
0x4d: {  	v7 =	vor.u32 s14, v1;
	_ =	sdelay $0x1  }
0x4e: {  	v4 =	vpack.i.f32.bf16 v5, v4  }
0x4f: {  	[tilespmem:s29+$0xFFFFFFD0] =	vst v4  }
0x50: {  	v4 =	vld.idx.msk [tilespmem:v6+s13+$0x0], $0xffff  }
0x51: {  	v5 =	vld.idx.msk [tilespmem:v7+s13+$0x0], $0xffff;
	_ =	sdelay $0x1  }
0x52: {  	v6 =	vor.u32 s14, v2  }
0x53: {  	v7 =	vor.u32 s14, v3;
	_ =	sdelay $0x1  }
0x54: {  	v4 =	vpack.i.f32.bf16 v5, v4  }
0x55: {  	[tilespmem:s29+$0xFFFFFFE0] =	vst v4  }
0x56: {  	v4 =	vld.idx.msk [tilespmem:v6+s13+$0x0], $0xffff  }
0x57: {  	v5 =	vld.idx.msk [tilespmem:v7+s13+$0x0], $0xffff  }
0x58: {  	s17 =	simm.s32 $0x100  }
0x59: {  	v6 =	vor.u32 s17, v0  }
0x5a: {  	v7 =	vor.u32 s17, v1;
	_ =	sdelay $0x1  }
0x5b: {  	v4 =	vpack.i.f32.bf16 v5, v4  }
0x5c: {  	[tilespmem:s29+$0xFFFFFFF0] =	vst v4  }
0x5d: {  	v4 =	vld.idx.msk [tilespmem:v6+s13+$0x0], $0xffff  }
0x5e: {  	v5 =	vld.idx.msk [tilespmem:v7+s13+$0x0], $0xffff;
	_ =	sdelay $0x1  }
0x5f: {  	v6 =	vor.u32 s17, v2  }
0x60: {  	v7 =	vor.u32 s17, v3;
	_ =	sdelay $0x1  }
0x61: {  	v4 =	vpack.i.f32.bf16 v5, v4  }
0x62: {  	[tilespmem:s29+$0x0] =	vst v4  }
0x63: {  	v4 =	vld.idx.msk [tilespmem:v6+s13+$0x0], $0xffff  }
0x64: {  	v5 =	vld.idx.msk [tilespmem:v7+s13+$0x0], $0xffff  }
0x65: {  	s23 =	simm.s32 $0x140  }
0x66: {  	v6 =	vor.u32 s23, v0  }
0x67: {  	v7 =	vor.u32 s23, v1;
	_ =	sdelay $0x1  }
0x68: {  	v4 =	vpack.i.f32.bf16 v5, v4  }
0x69: {  	[tilespmem:s29+$0x10] =	vst v4  }
0x6a: {  	v4 =	vld.idx.msk [tilespmem:v6+s13+$0x0], $0xffff  }
0x6b: {  	v5 =	vld.idx.msk [tilespmem:v7+s13+$0x0], $0xffff;
	_ =	sdelay $0x1  }
0x6c: {  	v6 =	vor.u32 s23, v2  }
0x6d: {  	v7 =	vor.u32 s23, v3;
	_ =	sdelay $0x1  }
0x6e: {  	v4 =	vpack.i.f32.bf16 v5, v4  }
0x6f: {  	[tilespmem:s29+$0x20] =	vst v4  }
0x70: {  	v4 =	vld.idx.msk [tilespmem:v6+s13+$0x0], $0xffff  }
0x71: {  	v5 =	vld.idx.msk [tilespmem:v7+s13+$0x0], $0xffff  }
0x72: {  	s25 =	simm.s32 $0x180  }
0x73: {  	v6 =	vor.u32 s25, v0  }
0x74: {  	v7 =	vor.u32 s25, v1;
	_ =	sdelay $0x1  }
0x75: {  	v4 =	vpack.i.f32.bf16 v5, v4  }
0x76: {  	[tilespmem:s29+$0x30] =	vst v4  }
0x77: {  	v4 =	vld.idx.msk [tilespmem:v6+s13+$0x0], $0xffff  }
0x78: {  	v5 =	vld.idx.msk [tilespmem:v7+s13+$0x0], $0xffff;
	_ =	sdelay $0x1  }
0x79: {  	v6 =	vor.u32 s25, v2  }
0x7a: {  	v7 =	vor.u32 s25, v3;
	_ =	sdelay $0x1  }
0x7b: {  	v4 =	vpack.i.f32.bf16 v5, v4  }
0x7c: {  	[tilespmem:s29+$0x40] =	vst v4  }
0x7d: {  	v4 =	vld.idx.msk [tilespmem:v6+s13+$0x0], $0xffff  }
0x7e: {  	v5 =	vld.idx.msk [tilespmem:v7+s13+$0x0], $0xffff;
	_ =	sdelay $0x1  }
0x7f: {  	s0 =	simm.s32 $0x1C0  }
0x80: {  	v6 =	vor.u32 s0, v0;
	_ =	sdelay $0x1  }
0x81: {  	v4 =	vpack.i.f32.bf16 v5, v4;
	v5 =	vor.u32 s0, v1;
	_ =	sdelay $0x1  }
0x82: {  	[tilespmem:s29+$0x50] =	vst v4  }
0x83: {  	s31 =	simm.s32 $0xF;
	s30 =	simm.s32 $0x10480;
	v4 =	vld.idx.msk [tilespmem:v6+s13+$0x0], $0xffff  }
.LBB2_3:
0x84: {  	p0 =	sne.s32 s31, $0xFF  }
0x85: {  	v5 =	vld.idx.msk [tilespmem:v5+s13+$0x0], $0xffff;
	s29 =	sadd.s32 $0x100, s29;
	s1 =	smov.u32 s31;
	s31 =	sadd.s32 $0x8, s31  }
0x86: {  	_ =	sdelay $0x1  }
0x87: {  	v6 =	vor.u32 s0, v2;
	v7 =	vor.u32 s0, v3;
	_ =	sdelay $0x2  }
0x88: {  	v4 =	vpack.i.f32.bf16 v5, v4  }
0x89: {  	[tilespmem:s30+$0x60] =	vst v4  }
0x8a: {  	v4 =	vld.idx.msk [tilespmem:v6+s13+$0x0], $0xffff  }
0x8b: {  	v5 =	vld.idx.msk [tilespmem:v7+s13+$0x0], $0xffff  }
0x8c: {  	s0 =	sshll.u32 s1, $0x6  }
0x8d: {  	s25 =	sadd.s32 $0xFFFFFE40, s0;
	s17 =	sadd.s32 $0xFFFFFE80, s0;
	s23 =	sadd.s32 $0xFFFFFEC0, s0  }
0x8e: {  	s10 =	sadd.s32 $0xFFFFFF00, s0;
	s8 =	sadd.s32 $0xFFFFFF40, s0;
	s14 =	sadd.s32 $0xFFFFFF80, s0;
	v6 =	vor.u32 s25, v0;
	v7 =	vor.u32 s25, v1  }
0x8f: {  	s1 =	sadd.s32 $0xFFFFFFC0, s0;
	_ =	sdelay $0x1  }
0x90: {  	v4 =	vpack.i.f32.bf16 v5, v4  }
0x91: {  	[tilespmem:s30+$0x70] =	vst v4;
	s30 =	smov.u32 s29  }
0x92: {  	v4 =	vld.idx.msk [tilespmem:v6+s13+$0x0], $0xffff  }
0x93: {  	v5 =	vld.idx.msk [tilespmem:v7+s13+$0x0], $0xffff;
	_ =	sdelay $0x2  }
0x94: {  	v6 =	vor.u32 s25, v2;
	v7 =	vor.u32 s25, v3;
	_ =	sdelay $0x2  }
0x95: {  	v4 =	vpack.i.f32.bf16 v5, v4  }
0x96: {  	[tilespmem:s29+$0xFFFFFF80] =	vst v4  }
0x97: {  	v4 =	vld.idx.msk [tilespmem:v6+s13+$0x0], $0xffff  }
0x98: {  	v5 =	vld.idx.msk [tilespmem:v7+s13+$0x0], $0xffff;
	_ =	sdelay $0x2  }
0x99: {  	v6 =	vor.u32 s17, v0;
	v7 =	vor.u32 s17, v1;
	_ =	sdelay $0x2  }
0x9a: {  	v4 =	vpack.i.f32.bf16 v5, v4  }
0x9b: {  	[tilespmem:s29+$0xFFFFFF90] =	vst v4  }
0x9c: {  	v4 =	vld.idx.msk [tilespmem:v6+s13+$0x0], $0xffff  }
0x9d: {  	v5 =	vld.idx.msk [tilespmem:v7+s13+$0x0], $0xffff;
	_ =	sdelay $0x2  }
0x9e: {  	v6 =	vor.u32 s17, v2;
	v7 =	vor.u32 s17, v3;
	_ =	sdelay $0x2  }
0x9f: {  	v4 =	vpack.i.f32.bf16 v5, v4  }
0xa0: {  	[tilespmem:s29+$0xFFFFFFA0] =	vst v4  }
0xa1: {  	v4 =	vld.idx.msk [tilespmem:v6+s13+$0x0], $0xffff  }
0xa2: {  	v5 =	vld.idx.msk [tilespmem:v7+s13+$0x0], $0xffff;
	_ =	sdelay $0x2  }
0xa3: {  	v6 =	vor.u32 s23, v0;
	v7 =	vor.u32 s23, v1;
	_ =	sdelay $0x2  }
0xa4: {  	v4 =	vpack.i.f32.bf16 v5, v4  }
0xa5: {  	[tilespmem:s29+$0xFFFFFFB0] =	vst v4  }
0xa6: {  	v4 =	vld.idx.msk [tilespmem:v6+s13+$0x0], $0xffff  }
0xa7: {  	v5 =	vld.idx.msk [tilespmem:v7+s13+$0x0], $0xffff;
	_ =	sdelay $0x2  }
0xa8: {  	v6 =	vor.u32 s23, v2;
	v7 =	vor.u32 s23, v3;
	_ =	sdelay $0x2  }
0xa9: {  	v4 =	vpack.i.f32.bf16 v5, v4  }
0xaa: {  	[tilespmem:s29+$0xFFFFFFC0] =	vst v4  }
0xab: {  	v4 =	vld.idx.msk [tilespmem:v6+s13+$0x0], $0xffff  }
0xac: {  	v5 =	vld.idx.msk [tilespmem:v7+s13+$0x0], $0xffff;
	_ =	sdelay $0x2  }
0xad: {  	v6 =	vor.u32 s10, v0;
	v7 =	vor.u32 s10, v1;
	_ =	sdelay $0x2  }
0xae: {  	v4 =	vpack.i.f32.bf16 v5, v4  }
0xaf: {  	[tilespmem:s29+$0xFFFFFFD0] =	vst v4  }
0xb0: {  	v4 =	vld.idx.msk [tilespmem:v6+s13+$0x0], $0xffff  }
0xb1: {  	v5 =	vld.idx.msk [tilespmem:v7+s13+$0x0], $0xffff;
	_ =	sdelay $0x2  }
0xb2: {  	v6 =	vor.u32 s10, v2;
	v7 =	vor.u32 s10, v3;
	_ =	sdelay $0x2  }
0xb3: {  	v4 =	vpack.i.f32.bf16 v5, v4  }
0xb4: {  	[tilespmem:s29+$0xFFFFFFE0] =	vst v4  }
0xb5: {  	v4 =	vld.idx.msk [tilespmem:v6+s13+$0x0], $0xffff  }
0xb6: {  	v5 =	vld.idx.msk [tilespmem:v7+s13+$0x0], $0xffff;
	_ =	sdelay $0x2  }
0xb7: {  	v6 =	vor.u32 s8, v0;
	v7 =	vor.u32 s8, v1;
	_ =	sdelay $0x2  }
0xb8: {  	v4 =	vpack.i.f32.bf16 v5, v4  }
0xb9: {  	[tilespmem:s29+$0xFFFFFFF0] =	vst v4  }
0xba: {  	v4 =	vld.idx.msk [tilespmem:v6+s13+$0x0], $0xffff  }
0xbb: {  	v5 =	vld.idx.msk [tilespmem:v7+s13+$0x0], $0xffff;
	_ =	sdelay $0x2  }
0xbc: {  	v6 =	vor.u32 s8, v2;
	v7 =	vor.u32 s8, v3;
	_ =	sdelay $0x2  }
0xbd: {  	v4 =	vpack.i.f32.bf16 v5, v4  }
0xbe: {  	[tilespmem:s29+$0x0] =	vst v4  }
0xbf: {  	v4 =	vld.idx.msk [tilespmem:v6+s13+$0x0], $0xffff  }
0xc0: {  	v5 =	vld.idx.msk [tilespmem:v7+s13+$0x0], $0xffff;
	_ =	sdelay $0x2  }
0xc1: {  	v6 =	vor.u32 s14, v0;
	v7 =	vor.u32 s14, v1;
	_ =	sdelay $0x2  }
0xc2: {  	v4 =	vpack.i.f32.bf16 v5, v4  }
0xc3: {  	[tilespmem:s29+$0x10] =	vst v4  }
0xc4: {  	v4 =	vld.idx.msk [tilespmem:v6+s13+$0x0], $0xffff  }
0xc5: {  	v5 =	vld.idx.msk [tilespmem:v7+s13+$0x0], $0xffff;
	_ =	sdelay $0x2  }
0xc6: {  	v6 =	vor.u32 s14, v2;
	v7 =	vor.u32 s14, v3;
	_ =	sdelay $0x2  }
0xc7: {  	v4 =	vpack.i.f32.bf16 v5, v4  }
0xc8: {  	[tilespmem:s29+$0x20] =	vst v4  }
0xc9: {  	v4 =	vld.idx.msk [tilespmem:v6+s13+$0x0], $0xffff  }
0xca: {  	v5 =	vld.idx.msk [tilespmem:v7+s13+$0x0], $0xffff;
	_ =	sdelay $0x2  }
0xcb: {  	v6 =	vor.u32 s1, v0;
	v7 =	vor.u32 s1, v1;
	_ =	sdelay $0x2  }
0xcc: {  	v4 =	vpack.i.f32.bf16 v5, v4  }
0xcd: {  	[tilespmem:s29+$0x30] =	vst v4  }
0xce: {  	v4 =	vld.idx.msk [tilespmem:v6+s13+$0x0], $0xffff  }
0xcf: {  	v5 =	vld.idx.msk [tilespmem:v7+s13+$0x0], $0xffff;
	_ =	sdelay $0x2  }
0xd0: {  	v6 =	vor.u32 s1, v2;
	v7 =	vor.u32 s1, v3;
	_ =	sdelay $0x2  }
0xd1: {  	v4 =	vpack.i.f32.bf16 v5, v4  }
0xd2: {  	[tilespmem:s29+$0x40] =	vst v4  }
0xd3: {  	v4 =	vld.idx.msk [tilespmem:v6+s13+$0x0], $0xffff  }
0xd4: {  	v6 =	vld.idx.msk [tilespmem:v7+s13+$0x0], $0xffff;
	_ =	sdelay $0x2  }
0xd5: {  	v5 =	vor.u32 s0, v1;
	v7 =	vor.u32 s0, v0  }
.Ltmp0:
0xd6: {  	(pc) =	sbr.rel @p0 .LBB2_3-.Ltmp0, $4  }
0xd7: {  	_ = 	snop  }
0xd8: {  	v4 =	vpack.i.f32.bf16 v6, v4  }
0xd9: {  	[tilespmem:s29+$0x50] =	vst v4  }
0xda: {  	v4 =	vld.idx.msk [tilespmem:v7+s13+$0x0], $0xffff  }
0xdb: {  	_ =	sdelay $0x3  }
0xdc: {  	v5 =	vld.idx.msk [tilespmem:v5+s13+$0x0], $0xffff;
	_ =	sdelay $0x1  }
0xdd: {  	v6 =	vor.u32 s0, v2  }
0xde: {  	v7 =	vor.u32 s0, v3;
	_ =	sdelay $0x1  }
0xdf: {  	v4 =	vpack.i.f32.bf16 v5, v4  }
0xe0: {  	[tilespmem:s30+$0x60] =	vst v4  }
0xe1: {  	v4 =	vld.idx.msk [tilespmem:v6+s13+$0x0], $0xffff  }
0xe2: {  	v5 =	vld.idx.msk [tilespmem:v7+s13+$0x0], $0xffff;
	_ =	sdelay $0x3  }
0xe3: {  	s1 =	simm.s32 $0x4000  }
0xe4: {  	v4 =	vpack.i.f32.bf16 v5, v4;
	v5 =	vor.u32 s1, v0  }
0xe5: {  	[tilespmem:s30+$0x70] =	vst v4;
	v4 =	vor.u32 s1, v1  }
0xe6: {  	_ =	swait.ge [sflag:s19], $0x4000  }
0xe7: {  	[sflag:s19] =	ssyncset.done $0x0  }
0xe8: {  	[sflag:s19] =	ssyncadd.s32 $0xFFFFC000  }
0xe9: {  	v5 =	vld.idx.msk [tilespmem:v5+s13+$0x0], $0xffff  }
0xea: {  	v4 =	vld.idx.msk [tilespmem:v4+s13+$0x0], $0xffff;
	_ =	sdelay $0x1  }
0xeb: {  	v6 =	vor.u32 s1, v2  }
0xec: {  	v7 =	vor.u32 s1, v3;
	_ =	sdelay $0x1  }
0xed: {  	s29 =	simm.s32 $0x124F0;
	v4 =	vpack.i.f32.bf16 v4, v5  }
0xee: {  	[tilespmem:s29+$0xFFFFFF10] =	vst v4  }
0xef: {  	v4 =	vld.idx.msk [tilespmem:v6+s13+$0x0], $0xffff  }
0xf0: {  	v5 =	vld.idx.msk [tilespmem:v7+s13+$0x0], $0xffff  }
0xf1: {  	s8 =	simm.s32 $0x4040  }
0xf2: {  	v6 =	vor.u32 s8, v0  }
0xf3: {  	v7 =	vor.u32 s8, v1;
	_ =	sdelay $0x1  }
0xf4: {  	v4 =	vpack.i.f32.bf16 v5, v4  }
0xf5: {  	[tilespmem:s29+$0xFFFFFF20] =	vst v4  }
0xf6: {  	v4 =	vld.idx.msk [tilespmem:v6+s13+$0x0], $0xffff  }
0xf7: {  	v5 =	vld.idx.msk [tilespmem:v7+s13+$0x0], $0xffff;
	_ =	sdelay $0x1  }
0xf8: {  	v6 =	vor.u32 s8, v2  }
0xf9: {  	v7 =	vor.u32 s8, v3;
	_ =	sdelay $0x1  }
0xfa: {  	v4 =	vpack.i.f32.bf16 v5, v4  }
0xfb: {  	[tilespmem:s29+$0xFFFFFF30] =	vst v4  }
0xfc: {  	v4 =	vld.idx.msk [tilespmem:v6+s13+$0x0], $0xffff  }
0xfd: {  	v5 =	vld.idx.msk [tilespmem:v7+s13+$0x0], $0xffff  }
0xfe: {  	s10 =	simm.s32 $0x4080  }
0xff: {  	v6 =	vor.u32 s10, v0  }
0x100: {  	v7 =	vor.u32 s10, v1;
	_ =	sdelay $0x1  }
0x101: {  	v4 =	vpack.i.f32.bf16 v5, v4  }
0x102: {  	[tilespmem:s29+$0xFFFFFF40] =	vst v4  }
0x103: {  	v4 =	vld.idx.msk [tilespmem:v6+s13+$0x0], $0xffff  }
0x104: {  	v5 =	vld.idx.msk [tilespmem:v7+s13+$0x0], $0xffff;
	_ =	sdelay $0x1  }
0x105: {  	v6 =	vor.u32 s10, v2  }
0x106: {  	v7 =	vor.u32 s10, v3;
	_ =	sdelay $0x1  }
0x107: {  	v4 =	vpack.i.f32.bf16 v5, v4  }
0x108: {  	[tilespmem:s29+$0xFFFFFF50] =	vst v4  }
0x109: {  	v4 =	vld.idx.msk [tilespmem:v6+s13+$0x0], $0xffff  }
0x10a: {  	v5 =	vld.idx.msk [tilespmem:v7+s13+$0x0], $0xffff  }
0x10b: {  	s14 =	simm.s32 $0x40C0  }
0x10c: {  	v6 =	vor.u32 s14, v0  }
0x10d: {  	v7 =	vor.u32 s14, v1;
	_ =	sdelay $0x1  }
0x10e: {  	v4 =	vpack.i.f32.bf16 v5, v4  }
0x10f: {  	[tilespmem:s29+$0xFFFFFF60] =	vst v4  }
0x110: {  	v4 =	vld.idx.msk [tilespmem:v6+s13+$0x0], $0xffff  }
0x111: {  	v5 =	vld.idx.msk [tilespmem:v7+s13+$0x0], $0xffff;
	_ =	sdelay $0x1  }
0x112: {  	v6 =	vor.u32 s14, v2  }
0x113: {  	v7 =	vor.u32 s14, v3;
	_ =	sdelay $0x1  }
0x114: {  	v4 =	vpack.i.f32.bf16 v5, v4  }
0x115: {  	[tilespmem:s29+$0xFFFFFF70] =	vst v4  }
0x116: {  	v4 =	vld.idx.msk [tilespmem:v6+s13+$0x0], $0xffff  }
0x117: {  	v5 =	vld.idx.msk [tilespmem:v7+s13+$0x0], $0xffff  }
0x118: {  	s17 =	simm.s32 $0x4100  }
0x119: {  	v6 =	vor.u32 s17, v0  }
0x11a: {  	v7 =	vor.u32 s17, v1;
	_ =	sdelay $0x1  }
0x11b: {  	v4 =	vpack.i.f32.bf16 v5, v4  }
0x11c: {  	[tilespmem:s29+$0xFFFFFF80] =	vst v4  }
0x11d: {  	v4 =	vld.idx.msk [tilespmem:v6+s13+$0x0], $0xffff  }
0x11e: {  	v5 =	vld.idx.msk [tilespmem:v7+s13+$0x0], $0xffff;
	_ =	sdelay $0x1  }
0x11f: {  	v6 =	vor.u32 s17, v2  }
0x120: {  	v7 =	vor.u32 s17, v3;
	_ =	sdelay $0x1  }
0x121: {  	v4 =	vpack.i.f32.bf16 v5, v4  }
0x122: {  	[tilespmem:s29+$0xFFFFFF90] =	vst v4  }
0x123: {  	v4 =	vld.idx.msk [tilespmem:v6+s13+$0x0], $0xffff  }
0x124: {  	v5 =	vld.idx.msk [tilespmem:v7+s13+$0x0], $0xffff  }
0x125: {  	s23 =	simm.s32 $0x4140  }
0x126: {  	v6 =	vor.u32 s23, v0  }
0x127: {  	v7 =	vor.u32 s23, v1;
	_ =	sdelay $0x1  }
0x128: {  	v4 =	vpack.i.f32.bf16 v5, v4  }
0x129: {  	[tilespmem:s29+$0xFFFFFFA0] =	vst v4  }
0x12a: {  	v4 =	vld.idx.msk [tilespmem:v6+s13+$0x0], $0xffff  }
0x12b: {  	v5 =	vld.idx.msk [tilespmem:v7+s13+$0x0], $0xffff;
	_ =	sdelay $0x1  }
0x12c: {  	v6 =	vor.u32 s23, v2  }
0x12d: {  	v7 =	vor.u32 s23, v3;
	_ =	sdelay $0x1  }
0x12e: {  	v4 =	vpack.i.f32.bf16 v5, v4  }
0x12f: {  	[tilespmem:s29+$0xFFFFFFB0] =	vst v4  }
0x130: {  	v4 =	vld.idx.msk [tilespmem:v6+s13+$0x0], $0xffff  }
0x131: {  	v5 =	vld.idx.msk [tilespmem:v7+s13+$0x0], $0xffff  }
0x132: {  	s25 =	simm.s32 $0x4180  }
0x133: {  	v6 =	vor.u32 s25, v0  }
0x134: {  	v7 =	vor.u32 s25, v1;
	_ =	sdelay $0x1  }
0x135: {  	v4 =	vpack.i.f32.bf16 v5, v4  }
0x136: {  	[tilespmem:s29+$0xFFFFFFC0] =	vst v4  }
0x137: {  	v4 =	vld.idx.msk [tilespmem:v6+s13+$0x0], $0xffff  }
0x138: {  	v5 =	vld.idx.msk [tilespmem:v7+s13+$0x0], $0xffff;
	_ =	sdelay $0x1  }
0x139: {  	v6 =	vor.u32 s25, v2  }
0x13a: {  	v7 =	vor.u32 s25, v3;
	_ =	sdelay $0x1  }
0x13b: {  	v4 =	vpack.i.f32.bf16 v5, v4  }
0x13c: {  	[tilespmem:s29+$0xFFFFFFD0] =	vst v4  }
0x13d: {  	v4 =	vld.idx.msk [tilespmem:v6+s13+$0x0], $0xffff  }
0x13e: {  	v5 =	vld.idx.msk [tilespmem:v7+s13+$0x0], $0xffff;
	_ =	sdelay $0x1  }
0x13f: {  	s0 =	simm.s32 $0x41C0  }
0x140: {  	v6 =	vor.u32 s0, v0;
	_ =	sdelay $0x1  }
0x141: {  	v4 =	vpack.i.f32.bf16 v5, v4;
	v5 =	vor.u32 s0, v1;
	_ =	sdelay $0x1  }
0x142: {  	[tilespmem:s29+$0xFFFFFFE0] =	vst v4  }
0x143: {  	s31 =	simm.s32 $0x10F;
	s30 =	simm.s32 $0x124F0;
	v4 =	vld.idx.msk [tilespmem:v6+s13+$0x0], $0xffff  }
.LBB2_5:
0x144: {  	p0 =	sne.s32 s31, $0x1FF  }
0x145: {  	v5 =	vld.idx.msk [tilespmem:v5+s13+$0x0], $0xffff;
	s29 =	sadd.s32 $0x100, s29;
	s1 =	smov.u32 s31;
	s31 =	sadd.s32 $0x8, s31  }
0x146: {  	_ =	sdelay $0x1  }
0x147: {  	v6 =	vor.u32 s0, v2;
	v7 =	vor.u32 s0, v3;
	_ =	sdelay $0x2  }
0x148: {  	v4 =	vpack.i.f32.bf16 v5, v4  }
0x149: {  	[tilespmem:s30+$0xFFFFFFF0] =	vst v4  }
0x14a: {  	v4 =	vld.idx.msk [tilespmem:v6+s13+$0x0], $0xffff  }
0x14b: {  	v5 =	vld.idx.msk [tilespmem:v7+s13+$0x0], $0xffff  }
0x14c: {  	s0 =	sshll.u32 s1, $0x6  }
0x14d: {  	s17 =	sadd.s32 $0xFFFFFE40, s0;
	s25 =	sadd.s32 $0xFFFFFE80, s0;
	s23 =	sadd.s32 $0xFFFFFEC0, s0  }
0x14e: {  	s10 =	sadd.s32 $0xFFFFFF00, s0;
	s8 =	sadd.s32 $0xFFFFFF40, s0;
	s14 =	sadd.s32 $0xFFFFFF80, s0;
	v6 =	vor.u32 s17, v0;
	v7 =	vor.u32 s17, v1  }
0x14f: {  	s1 =	sadd.s32 $0xFFFFFFC0, s0;
	_ =	sdelay $0x1  }
0x150: {  	v4 =	vpack.i.f32.bf16 v5, v4  }
0x151: {  	[tilespmem:s30+$0x0] =	vst v4;
	s30 =	smov.u32 s29  }
0x152: {  	v4 =	vld.idx.msk [tilespmem:v6+s13+$0x0], $0xffff  }
0x153: {  	v5 =	vld.idx.msk [tilespmem:v7+s13+$0x0], $0xffff;
	_ =	sdelay $0x2  }
0x154: {  	v6 =	vor.u32 s17, v2;
	v7 =	vor.u32 s17, v3;
	_ =	sdelay $0x2  }
0x155: {  	v4 =	vpack.i.f32.bf16 v5, v4  }
0x156: {  	[tilespmem:s29+$0xFFFFFF10] =	vst v4  }
0x157: {  	v4 =	vld.idx.msk [tilespmem:v6+s13+$0x0], $0xffff  }
0x158: {  	v5 =	vld.idx.msk [tilespmem:v7+s13+$0x0], $0xffff;
	_ =	sdelay $0x2  }
0x159: {  	v6 =	vor.u32 s25, v0;
	v7 =	vor.u32 s25, v1;
	_ =	sdelay $0x2  }
0x15a: {  	v4 =	vpack.i.f32.bf16 v5, v4  }
0x15b: {  	[tilespmem:s29+$0xFFFFFF20] =	vst v4  }
0x15c: {  	v4 =	vld.idx.msk [tilespmem:v6+s13+$0x0], $0xffff  }
0x15d: {  	v5 =	vld.idx.msk [tilespmem:v7+s13+$0x0], $0xffff;
	_ =	sdelay $0x2  }
0x15e: {  	v6 =	vor.u32 s25, v2;
	v7 =	vor.u32 s25, v3;
	_ =	sdelay $0x2  }
0x15f: {  	v4 =	vpack.i.f32.bf16 v5, v4  }
0x160: {  	[tilespmem:s29+$0xFFFFFF30] =	vst v4  }
0x161: {  	v4 =	vld.idx.msk [tilespmem:v6+s13+$0x0], $0xffff  }
0x162: {  	v5 =	vld.idx.msk [tilespmem:v7+s13+$0x0], $0xffff;
	_ =	sdelay $0x2  }
0x163: {  	v6 =	vor.u32 s23, v0;
	v7 =	vor.u32 s23, v1;
	_ =	sdelay $0x2  }
0x164: {  	v4 =	vpack.i.f32.bf16 v5, v4  }
0x165: {  	[tilespmem:s29+$0xFFFFFF40] =	vst v4  }
0x166: {  	v4 =	vld.idx.msk [tilespmem:v6+s13+$0x0], $0xffff  }
0x167: {  	v5 =	vld.idx.msk [tilespmem:v7+s13+$0x0], $0xffff;
	_ =	sdelay $0x2  }
0x168: {  	v6 =	vor.u32 s23, v2;
	v7 =	vor.u32 s23, v3;
	_ =	sdelay $0x2  }
0x169: {  	v4 =	vpack.i.f32.bf16 v5, v4  }
0x16a: {  	[tilespmem:s29+$0xFFFFFF50] =	vst v4  }
0x16b: {  	v4 =	vld.idx.msk [tilespmem:v6+s13+$0x0], $0xffff  }
0x16c: {  	v5 =	vld.idx.msk [tilespmem:v7+s13+$0x0], $0xffff;
	_ =	sdelay $0x2  }
0x16d: {  	v6 =	vor.u32 s10, v0;
	v7 =	vor.u32 s10, v1;
	_ =	sdelay $0x2  }
0x16e: {  	v4 =	vpack.i.f32.bf16 v5, v4  }
0x16f: {  	[tilespmem:s29+$0xFFFFFF60] =	vst v4  }
0x170: {  	v4 =	vld.idx.msk [tilespmem:v6+s13+$0x0], $0xffff  }
0x171: {  	v5 =	vld.idx.msk [tilespmem:v7+s13+$0x0], $0xffff;
	_ =	sdelay $0x2  }
0x172: {  	v6 =	vor.u32 s10, v2;
	v7 =	vor.u32 s10, v3;
	_ =	sdelay $0x2  }
0x173: {  	v4 =	vpack.i.f32.bf16 v5, v4  }
0x174: {  	[tilespmem:s29+$0xFFFFFF70] =	vst v4  }
0x175: {  	v4 =	vld.idx.msk [tilespmem:v6+s13+$0x0], $0xffff  }
0x176: {  	v5 =	vld.idx.msk [tilespmem:v7+s13+$0x0], $0xffff;
	_ =	sdelay $0x2  }
0x177: {  	v6 =	vor.u32 s8, v0;
	v7 =	vor.u32 s8, v1;
	_ =	sdelay $0x2  }
0x178: {  	v4 =	vpack.i.f32.bf16 v5, v4  }
0x179: {  	[tilespmem:s29+$0xFFFFFF80] =	vst v4  }
0x17a: {  	v4 =	vld.idx.msk [tilespmem:v6+s13+$0x0], $0xffff  }
0x17b: {  	v5 =	vld.idx.msk [tilespmem:v7+s13+$0x0], $0xffff;
	_ =	sdelay $0x2  }
0x17c: {  	v6 =	vor.u32 s8, v2;
	v7 =	vor.u32 s8, v3;
	_ =	sdelay $0x2  }
0x17d: {  	v4 =	vpack.i.f32.bf16 v5, v4  }
0x17e: {  	[tilespmem:s29+$0xFFFFFF90] =	vst v4  }
0x17f: {  	v4 =	vld.idx.msk [tilespmem:v6+s13+$0x0], $0xffff  }
0x180: {  	v5 =	vld.idx.msk [tilespmem:v7+s13+$0x0], $0xffff;
	_ =	sdelay $0x2  }
0x181: {  	v6 =	vor.u32 s14, v0;
	v7 =	vor.u32 s14, v1;
	_ =	sdelay $0x2  }
0x182: {  	v4 =	vpack.i.f32.bf16 v5, v4  }
0x183: {  	[tilespmem:s29+$0xFFFFFFA0] =	vst v4  }
0x184: {  	v4 =	vld.idx.msk [tilespmem:v6+s13+$0x0], $0xffff  }
0x185: {  	v5 =	vld.idx.msk [tilespmem:v7+s13+$0x0], $0xffff;
	_ =	sdelay $0x2  }
0x186: {  	v6 =	vor.u32 s14, v2;
	v7 =	vor.u32 s14, v3;
	_ =	sdelay $0x2  }
0x187: {  	v4 =	vpack.i.f32.bf16 v5, v4  }
0x188: {  	[tilespmem:s29+$0xFFFFFFB0] =	vst v4  }
0x189: {  	v4 =	vld.idx.msk [tilespmem:v6+s13+$0x0], $0xffff  }
0x18a: {  	v5 =	vld.idx.msk [tilespmem:v7+s13+$0x0], $0xffff;
	_ =	sdelay $0x2  }
0x18b: {  	v6 =	vor.u32 s1, v0;
	v7 =	vor.u32 s1, v1;
	_ =	sdelay $0x2  }
0x18c: {  	v4 =	vpack.i.f32.bf16 v5, v4  }
0x18d: {  	[tilespmem:s29+$0xFFFFFFC0] =	vst v4  }
0x18e: {  	v4 =	vld.idx.msk [tilespmem:v6+s13+$0x0], $0xffff  }
0x18f: {  	v5 =	vld.idx.msk [tilespmem:v7+s13+$0x0], $0xffff;
	_ =	sdelay $0x2  }
0x190: {  	v6 =	vor.u32 s1, v2;
	v7 =	vor.u32 s1, v3;
	_ =	sdelay $0x2  }
0x191: {  	v4 =	vpack.i.f32.bf16 v5, v4  }
0x192: {  	[tilespmem:s29+$0xFFFFFFD0] =	vst v4  }
0x193: {  	v4 =	vld.idx.msk [tilespmem:v6+s13+$0x0], $0xffff  }
0x194: {  	v6 =	vld.idx.msk [tilespmem:v7+s13+$0x0], $0xffff;
	_ =	sdelay $0x2  }
0x195: {  	v5 =	vor.u32 s0, v1;
	v7 =	vor.u32 s0, v0  }
.Ltmp1:
0x196: {  	(pc) =	sbr.rel @p0 .LBB2_5-.Ltmp1, $4  }
0x197: {  	_ = 	snop  }
0x198: {  	v4 =	vpack.i.f32.bf16 v6, v4  }
0x199: {  	[tilespmem:s29+$0xFFFFFFE0] =	vst v4  }
0x19a: {  	v4 =	vld.idx.msk [tilespmem:v7+s13+$0x0], $0xffff  }
0x19b: {  	_ =	sdelay $0x3  }
0x19c: {  	v5 =	vld.idx.msk [tilespmem:v5+s13+$0x0], $0xffff;
	_ =	sdelay $0x1  }
0x19d: {  	v6 =	vor.u32 s0, v2  }
0x19e: {  	v7 =	vor.u32 s0, v3;
	_ =	sdelay $0x1  }
0x19f: {  	v4 =	vpack.i.f32.bf16 v5, v4  }
0x1a0: {  	[tilespmem:s30+$0xFFFFFFF0] =	vst v4  }
0x1a1: {  	v4 =	vld.idx.msk [tilespmem:v6+s13+$0x0], $0xffff  }
0x1a2: {  	v5 =	vld.idx.msk [tilespmem:v7+s13+$0x0], $0xffff;
	_ =	sdelay $0x2  }
0x1a3: {  	s25 =	sshll.u32 s26, $0x10  }
0x1a4: {  	s0 =	sadd.s32 s7, s25  }
0x1a5: {  	s0 =	sshrl.u32 s0, $0x4;
	v4 =	vpack.i.f32.bf16 v5, v4  }
0x1a6: {  	p0 =	seq.s32 s26, $0xC;
	s0 =	sadd.s32 s6, s0;
	[tilespmem:s30+$0x0] =	vst v4  }
0x1a7: {  	[hbm4b:s0+s3] =	stream.linear.scatter [tilespmem:s20], [sflag:$0x3], $0x4000, $0x38;
	[tilespmem:$0x18400] =	vst v63  }
0x1a8: {  	s0 =	sshll.u32 @!p0 s26, $0xA  }
0x1a9: {  	s0 =	sadd.s32 @!p0 s0, s9  }
0x1aa: {  	s0 =	sshrl.u32 @!p0 s0, $0x3  }
0x1ab: {  	s1 =	simm.s32 @!p0 $0x0;
	s0 =	sadd.s32 @!p0 s2, s0  }
0x1ac: {  	[tilespmem:s1], [sflag:$0x5] =	stream.linear.gather @!p0 [hbm4b:s0+s1], $0x200, $0x38;
	[tilespmem:$0x18400] =	vst v63  }
0x1ad: {  	s0 =	simm.s32 @!p0 $0x5  }
0x1ae: {  	_ =	swait.ge @!p0 [sflag:s0], $0x200  }
0x1af: {  	[sflag:s0] =	ssyncset.done @!p0 $0x0  }
0x1b0: {  	s8 =	simm.s32 @!p0 $0x400;
	[sflag:s0] =	ssyncadd.s32 @!p0 $0xFFFFFE00;
	s0 =	simm.s32 @!p0 $0x100  }
0x1b1: {  	[tilespmem:s8], [sflag:$0x1] =	stream.indirect.gather @!p0 [hbm4b:s5+s0], $0x40, s1, s0, $0xb8;
	[tilespmem:$0x18400] =	vst v63  }
0x1b2: {  	p1 =	seq.s32 @!p0 s26, $0x0;
	s1 =	simm.s32 @!p0 $0x4400  }
0x1b3: {  	[tilespmem:s1], [sflag:$0x1] =	stream.indirect.gather @!p0 [hbm4b:s5+s0], $0x40, s0, s0, $0xb8;
	[tilespmem:$0x18400] =	vst v63  }
0x1b4: {  	p0 =	por p0, !p1  }
0x1b5: {  	s1 =	simm.s32 $0x0;
	_ =	swait.ge @p0 [sflag:s24], $0x4000  }
0x1b6: {  	v4 =	vor.u32 s1, v0;
	[sflag:s24] =	ssyncset.done @p0 $0x0  }
0x1b7: {  	v5 =	vor.u32 s1, v1;
	[sflag:s24] =	ssyncadd.s32 @p0 $0xFFFFC000  }
0x1b8: {  	_ =	swait.ge [sflag:s21], $0x4000  }
0x1b9: {  	[sflag:s21] =	ssyncset.done $0x0  }
0x1ba: {  	[sflag:s21] =	ssyncadd.s32 $0xFFFFC000  }
0x1bb: {  	v4 =	vld.idx.msk [tilespmem:v4+s16+$0x0], $0xffff  }
0x1bc: {  	v5 =	vld.idx.msk [tilespmem:v5+s16+$0x0], $0xffff;
	_ =	sdelay $0x1  }
0x1bd: {  	v6 =	vor.u32 s1, v2  }
0x1be: {  	v7 =	vor.u32 s1, v3;
	_ =	sdelay $0x1  }
0x1bf: {  	s29 =	simm.s32 $0x14480;
	v4 =	vpack.i.f32.bf16 v5, v4  }
0x1c0: {  	[tilespmem:s29+$0xFFFFFF80] =	vst v4  }
0x1c1: {  	v4 =	vld.idx.msk [tilespmem:v6+s16+$0x0], $0xffff  }
0x1c2: {  	v5 =	vld.idx.msk [tilespmem:v7+s16+$0x0], $0xffff  }
0x1c3: {  	s8 =	simm.s32 $0x40  }
0x1c4: {  	v6 =	vor.u32 s8, v0  }
0x1c5: {  	v7 =	vor.u32 s8, v1;
	_ =	sdelay $0x1  }
0x1c6: {  	v4 =	vpack.i.f32.bf16 v5, v4  }
0x1c7: {  	[tilespmem:s29+$0xFFFFFF90] =	vst v4  }
0x1c8: {  	v4 =	vld.idx.msk [tilespmem:v6+s16+$0x0], $0xffff  }
0x1c9: {  	v5 =	vld.idx.msk [tilespmem:v7+s16+$0x0], $0xffff;
	_ =	sdelay $0x1  }
0x1ca: {  	v6 =	vor.u32 s8, v2  }
0x1cb: {  	v7 =	vor.u32 s8, v3;
	_ =	sdelay $0x1  }
0x1cc: {  	v4 =	vpack.i.f32.bf16 v5, v4  }
0x1cd: {  	[tilespmem:s29+$0xFFFFFFA0] =	vst v4  }
0x1ce: {  	v4 =	vld.idx.msk [tilespmem:v6+s16+$0x0], $0xffff  }
0x1cf: {  	v5 =	vld.idx.msk [tilespmem:v7+s16+$0x0], $0xffff  }
0x1d0: {  	s10 =	simm.s32 $0x80  }
0x1d1: {  	v6 =	vor.u32 s10, v0  }
0x1d2: {  	v7 =	vor.u32 s10, v1;
	_ =	sdelay $0x1  }
0x1d3: {  	v4 =	vpack.i.f32.bf16 v5, v4  }
0x1d4: {  	[tilespmem:s29+$0xFFFFFFB0] =	vst v4  }
0x1d5: {  	v4 =	vld.idx.msk [tilespmem:v6+s16+$0x0], $0xffff  }
0x1d6: {  	v5 =	vld.idx.msk [tilespmem:v7+s16+$0x0], $0xffff;
	_ =	sdelay $0x1  }
0x1d7: {  	v6 =	vor.u32 s10, v2  }
0x1d8: {  	v7 =	vor.u32 s10, v3;
	_ =	sdelay $0x1  }
0x1d9: {  	v4 =	vpack.i.f32.bf16 v5, v4  }
0x1da: {  	[tilespmem:s29+$0xFFFFFFC0] =	vst v4  }
0x1db: {  	v4 =	vld.idx.msk [tilespmem:v6+s16+$0x0], $0xffff  }
0x1dc: {  	v5 =	vld.idx.msk [tilespmem:v7+s16+$0x0], $0xffff  }
0x1dd: {  	s14 =	simm.s32 $0xC0  }
0x1de: {  	v6 =	vor.u32 s14, v0  }
0x1df: {  	v7 =	vor.u32 s14, v1;
	_ =	sdelay $0x1  }
0x1e0: {  	v4 =	vpack.i.f32.bf16 v5, v4  }
0x1e1: {  	[tilespmem:s29+$0xFFFFFFD0] =	vst v4  }
0x1e2: {  	v4 =	vld.idx.msk [tilespmem:v6+s16+$0x0], $0xffff  }
0x1e3: {  	v5 =	vld.idx.msk [tilespmem:v7+s16+$0x0], $0xffff;
	_ =	sdelay $0x1  }
0x1e4: {  	v6 =	vor.u32 s14, v2  }
0x1e5: {  	v7 =	vor.u32 s14, v3;
	_ =	sdelay $0x1  }
0x1e6: {  	v4 =	vpack.i.f32.bf16 v5, v4  }
0x1e7: {  	[tilespmem:s29+$0xFFFFFFE0] =	vst v4  }
0x1e8: {  	v4 =	vld.idx.msk [tilespmem:v6+s16+$0x0], $0xffff  }
0x1e9: {  	v5 =	vld.idx.msk [tilespmem:v7+s16+$0x0], $0xffff  }
0x1ea: {  	s17 =	simm.s32 $0x100  }
0x1eb: {  	v6 =	vor.u32 s17, v0  }
0x1ec: {  	v7 =	vor.u32 s17, v1;
	_ =	sdelay $0x1  }
0x1ed: {  	v4 =	vpack.i.f32.bf16 v5, v4  }
0x1ee: {  	[tilespmem:s29+$0xFFFFFFF0] =	vst v4  }
0x1ef: {  	v4 =	vld.idx.msk [tilespmem:v6+s16+$0x0], $0xffff  }
0x1f0: {  	v5 =	vld.idx.msk [tilespmem:v7+s16+$0x0], $0xffff;
	_ =	sdelay $0x1  }
0x1f1: {  	v6 =	vor.u32 s17, v2  }
0x1f2: {  	v7 =	vor.u32 s17, v3;
	_ =	sdelay $0x1  }
0x1f3: {  	v4 =	vpack.i.f32.bf16 v5, v4  }
0x1f4: {  	[tilespmem:s29+$0x0] =	vst v4  }
0x1f5: {  	v4 =	vld.idx.msk [tilespmem:v6+s16+$0x0], $0xffff  }
0x1f6: {  	v5 =	vld.idx.msk [tilespmem:v7+s16+$0x0], $0xffff  }
0x1f7: {  	s23 =	simm.s32 $0x140  }
0x1f8: {  	v6 =	vor.u32 s23, v0  }
0x1f9: {  	v7 =	vor.u32 s23, v1;
	_ =	sdelay $0x1  }
0x1fa: {  	v4 =	vpack.i.f32.bf16 v5, v4  }
0x1fb: {  	[tilespmem:s29+$0x10] =	vst v4  }
0x1fc: {  	v4 =	vld.idx.msk [tilespmem:v6+s16+$0x0], $0xffff  }
0x1fd: {  	v5 =	vld.idx.msk [tilespmem:v7+s16+$0x0], $0xffff;
	_ =	sdelay $0x1  }
0x1fe: {  	v6 =	vor.u32 s23, v2  }
0x1ff: {  	v7 =	vor.u32 s23, v3;
	_ =	sdelay $0x1  }
0x200: {  	v4 =	vpack.i.f32.bf16 v5, v4  }
0x201: {  	[tilespmem:s29+$0x20] =	vst v4  }
0x202: {  	v4 =	vld.idx.msk [tilespmem:v6+s16+$0x0], $0xffff  }
0x203: {  	v5 =	vld.idx.msk [tilespmem:v7+s16+$0x0], $0xffff  }
0x204: {  	s25 =	simm.s32 $0x180  }
0x205: {  	v6 =	vor.u32 s25, v0  }
0x206: {  	v7 =	vor.u32 s25, v1;
	_ =	sdelay $0x1  }
0x207: {  	v4 =	vpack.i.f32.bf16 v5, v4  }
0x208: {  	[tilespmem:s29+$0x30] =	vst v4  }
0x209: {  	v4 =	vld.idx.msk [tilespmem:v6+s16+$0x0], $0xffff  }
0x20a: {  	v5 =	vld.idx.msk [tilespmem:v7+s16+$0x0], $0xffff;
	_ =	sdelay $0x1  }
0x20b: {  	v6 =	vor.u32 s25, v2  }
0x20c: {  	v7 =	vor.u32 s25, v3;
	_ =	sdelay $0x1  }
0x20d: {  	v4 =	vpack.i.f32.bf16 v5, v4  }
0x20e: {  	[tilespmem:s29+$0x40] =	vst v4  }
0x20f: {  	v4 =	vld.idx.msk [tilespmem:v6+s16+$0x0], $0xffff  }
0x210: {  	v5 =	vld.idx.msk [tilespmem:v7+s16+$0x0], $0xffff;
	_ =	sdelay $0x1  }
0x211: {  	s0 =	simm.s32 $0x1C0  }
0x212: {  	v6 =	vor.u32 s0, v0;
	_ =	sdelay $0x1  }
0x213: {  	v4 =	vpack.i.f32.bf16 v5, v4;
	v5 =	vor.u32 s0, v1;
	_ =	sdelay $0x1  }
0x214: {  	[tilespmem:s29+$0x50] =	vst v4  }
0x215: {  	s31 =	simm.s32 $0xF;
	s30 =	simm.s32 $0x14480;
	v4 =	vld.idx.msk [tilespmem:v6+s16+$0x0], $0xffff  }
.LBB2_7:
0x216: {  	p0 =	sne.s32 s31, $0xFF  }
0x217: {  	v5 =	vld.idx.msk [tilespmem:v5+s16+$0x0], $0xffff;
	s29 =	sadd.s32 $0x100, s29;
	s1 =	smov.u32 s31;
	s31 =	sadd.s32 $0x8, s31  }
0x218: {  	_ =	sdelay $0x1  }
0x219: {  	v6 =	vor.u32 s0, v2;
	v7 =	vor.u32 s0, v3;
	_ =	sdelay $0x2  }
0x21a: {  	v4 =	vpack.i.f32.bf16 v5, v4  }
0x21b: {  	[tilespmem:s30+$0x60] =	vst v4  }
0x21c: {  	v4 =	vld.idx.msk [tilespmem:v6+s16+$0x0], $0xffff  }
0x21d: {  	v5 =	vld.idx.msk [tilespmem:v7+s16+$0x0], $0xffff  }
0x21e: {  	s0 =	sshll.u32 s1, $0x6  }
0x21f: {  	s17 =	sadd.s32 $0xFFFFFE40, s0;
	s25 =	sadd.s32 $0xFFFFFE80, s0;
	s23 =	sadd.s32 $0xFFFFFEC0, s0  }
0x220: {  	s10 =	sadd.s32 $0xFFFFFF00, s0;
	s8 =	sadd.s32 $0xFFFFFF40, s0;
	s14 =	sadd.s32 $0xFFFFFF80, s0;
	v6 =	vor.u32 s17, v0;
	v7 =	vor.u32 s17, v1  }
0x221: {  	s1 =	sadd.s32 $0xFFFFFFC0, s0;
	_ =	sdelay $0x1  }
0x222: {  	v4 =	vpack.i.f32.bf16 v5, v4  }
0x223: {  	[tilespmem:s30+$0x70] =	vst v4;
	s30 =	smov.u32 s29  }
0x224: {  	v4 =	vld.idx.msk [tilespmem:v6+s16+$0x0], $0xffff  }
0x225: {  	v5 =	vld.idx.msk [tilespmem:v7+s16+$0x0], $0xffff;
	_ =	sdelay $0x2  }
0x226: {  	v6 =	vor.u32 s17, v2;
	v7 =	vor.u32 s17, v3;
	_ =	sdelay $0x2  }
0x227: {  	v4 =	vpack.i.f32.bf16 v5, v4  }
0x228: {  	[tilespmem:s29+$0xFFFFFF80] =	vst v4  }
0x229: {  	v4 =	vld.idx.msk [tilespmem:v6+s16+$0x0], $0xffff  }
0x22a: {  	v5 =	vld.idx.msk [tilespmem:v7+s16+$0x0], $0xffff;
	_ =	sdelay $0x2  }
0x22b: {  	v6 =	vor.u32 s25, v0;
	v7 =	vor.u32 s25, v1;
	_ =	sdelay $0x2  }
0x22c: {  	v4 =	vpack.i.f32.bf16 v5, v4  }
0x22d: {  	[tilespmem:s29+$0xFFFFFF90] =	vst v4  }
0x22e: {  	v4 =	vld.idx.msk [tilespmem:v6+s16+$0x0], $0xffff  }
0x22f: {  	v5 =	vld.idx.msk [tilespmem:v7+s16+$0x0], $0xffff;
	_ =	sdelay $0x2  }
0x230: {  	v6 =	vor.u32 s25, v2;
	v7 =	vor.u32 s25, v3;
	_ =	sdelay $0x2  }
0x231: {  	v4 =	vpack.i.f32.bf16 v5, v4  }
0x232: {  	[tilespmem:s29+$0xFFFFFFA0] =	vst v4  }
0x233: {  	v4 =	vld.idx.msk [tilespmem:v6+s16+$0x0], $0xffff  }
0x234: {  	v5 =	vld.idx.msk [tilespmem:v7+s16+$0x0], $0xffff;
	_ =	sdelay $0x2  }
0x235: {  	v6 =	vor.u32 s23, v0;
	v7 =	vor.u32 s23, v1;
	_ =	sdelay $0x2  }
0x236: {  	v4 =	vpack.i.f32.bf16 v5, v4  }
0x237: {  	[tilespmem:s29+$0xFFFFFFB0] =	vst v4  }
0x238: {  	v4 =	vld.idx.msk [tilespmem:v6+s16+$0x0], $0xffff  }
0x239: {  	v5 =	vld.idx.msk [tilespmem:v7+s16+$0x0], $0xffff;
	_ =	sdelay $0x2  }
0x23a: {  	v6 =	vor.u32 s23, v2;
	v7 =	vor.u32 s23, v3;
	_ =	sdelay $0x2  }
0x23b: {  	v4 =	vpack.i.f32.bf16 v5, v4  }
0x23c: {  	[tilespmem:s29+$0xFFFFFFC0] =	vst v4  }
0x23d: {  	v4 =	vld.idx.msk [tilespmem:v6+s16+$0x0], $0xffff  }
0x23e: {  	v5 =	vld.idx.msk [tilespmem:v7+s16+$0x0], $0xffff;
	_ =	sdelay $0x2  }
0x23f: {  	v6 =	vor.u32 s10, v0;
	v7 =	vor.u32 s10, v1;
	_ =	sdelay $0x2  }
0x240: {  	v4 =	vpack.i.f32.bf16 v5, v4  }
0x241: {  	[tilespmem:s29+$0xFFFFFFD0] =	vst v4  }
0x242: {  	v4 =	vld.idx.msk [tilespmem:v6+s16+$0x0], $0xffff  }
0x243: {  	v5 =	vld.idx.msk [tilespmem:v7+s16+$0x0], $0xffff;
	_ =	sdelay $0x2  }
0x244: {  	v6 =	vor.u32 s10, v2;
	v7 =	vor.u32 s10, v3;
	_ =	sdelay $0x2  }
0x245: {  	v4 =	vpack.i.f32.bf16 v5, v4  }
0x246: {  	[tilespmem:s29+$0xFFFFFFE0] =	vst v4  }
0x247: {  	v4 =	vld.idx.msk [tilespmem:v6+s16+$0x0], $0xffff  }
0x248: {  	v5 =	vld.idx.msk [tilespmem:v7+s16+$0x0], $0xffff;
	_ =	sdelay $0x2  }
0x249: {  	v6 =	vor.u32 s8, v0;
	v7 =	vor.u32 s8, v1;
	_ =	sdelay $0x2  }
0x24a: {  	v4 =	vpack.i.f32.bf16 v5, v4  }
0x24b: {  	[tilespmem:s29+$0xFFFFFFF0] =	vst v4  }
0x24c: {  	v4 =	vld.idx.msk [tilespmem:v6+s16+$0x0], $0xffff  }
0x24d: {  	v5 =	vld.idx.msk [tilespmem:v7+s16+$0x0], $0xffff;
	_ =	sdelay $0x2  }
0x24e: {  	v6 =	vor.u32 s8, v2;
	v7 =	vor.u32 s8, v3;
	_ =	sdelay $0x2  }
0x24f: {  	v4 =	vpack.i.f32.bf16 v5, v4  }
0x250: {  	[tilespmem:s29+$0x0] =	vst v4  }
0x251: {  	v4 =	vld.idx.msk [tilespmem:v6+s16+$0x0], $0xffff  }
0x252: {  	v5 =	vld.idx.msk [tilespmem:v7+s16+$0x0], $0xffff;
	_ =	sdelay $0x2  }
0x253: {  	v6 =	vor.u32 s14, v0;
	v7 =	vor.u32 s14, v1;
	_ =	sdelay $0x2  }
0x254: {  	v4 =	vpack.i.f32.bf16 v5, v4  }
0x255: {  	[tilespmem:s29+$0x10] =	vst v4  }
0x256: {  	v4 =	vld.idx.msk [tilespmem:v6+s16+$0x0], $0xffff  }
0x257: {  	v5 =	vld.idx.msk [tilespmem:v7+s16+$0x0], $0xffff;
	_ =	sdelay $0x2  }
0x258: {  	v6 =	vor.u32 s14, v2;
	v7 =	vor.u32 s14, v3;
	_ =	sdelay $0x2  }
0x259: {  	v4 =	vpack.i.f32.bf16 v5, v4  }
0x25a: {  	[tilespmem:s29+$0x20] =	vst v4  }
0x25b: {  	v4 =	vld.idx.msk [tilespmem:v6+s16+$0x0], $0xffff  }
0x25c: {  	v5 =	vld.idx.msk [tilespmem:v7+s16+$0x0], $0xffff;
	_ =	sdelay $0x2  }
0x25d: {  	v6 =	vor.u32 s1, v0;
	v7 =	vor.u32 s1, v1;
	_ =	sdelay $0x2  }
0x25e: {  	v4 =	vpack.i.f32.bf16 v5, v4  }
0x25f: {  	[tilespmem:s29+$0x30] =	vst v4  }
0x260: {  	v4 =	vld.idx.msk [tilespmem:v6+s16+$0x0], $0xffff  }
0x261: {  	v5 =	vld.idx.msk [tilespmem:v7+s16+$0x0], $0xffff;
	_ =	sdelay $0x2  }
0x262: {  	v6 =	vor.u32 s1, v2;
	v7 =	vor.u32 s1, v3;
	_ =	sdelay $0x2  }
0x263: {  	v4 =	vpack.i.f32.bf16 v5, v4  }
0x264: {  	[tilespmem:s29+$0x40] =	vst v4  }
0x265: {  	v4 =	vld.idx.msk [tilespmem:v6+s16+$0x0], $0xffff  }
0x266: {  	v6 =	vld.idx.msk [tilespmem:v7+s16+$0x0], $0xffff;
	_ =	sdelay $0x2  }
0x267: {  	v5 =	vor.u32 s0, v1;
	v7 =	vor.u32 s0, v0  }
.Ltmp2:
0x268: {  	(pc) =	sbr.rel @p0 .LBB2_7-.Ltmp2, $4  }
0x269: {  	_ = 	snop  }
0x26a: {  	v4 =	vpack.i.f32.bf16 v6, v4  }
0x26b: {  	[tilespmem:s29+$0x50] =	vst v4  }
0x26c: {  	v4 =	vld.idx.msk [tilespmem:v7+s16+$0x0], $0xffff  }
0x26d: {  	_ =	sdelay $0x3  }
0x26e: {  	v5 =	vld.idx.msk [tilespmem:v5+s16+$0x0], $0xffff;
	_ =	sdelay $0x1  }
0x26f: {  	v6 =	vor.u32 s0, v2  }
0x270: {  	v7 =	vor.u32 s0, v3;
	_ =	sdelay $0x1  }
0x271: {  	v4 =	vpack.i.f32.bf16 v5, v4  }
0x272: {  	[tilespmem:s30+$0x60] =	vst v4  }
0x273: {  	v4 =	vld.idx.msk [tilespmem:v6+s16+$0x0], $0xffff  }
0x274: {  	v5 =	vld.idx.msk [tilespmem:v7+s16+$0x0], $0xffff;
	_ =	sdelay $0x3  }
0x275: {  	s1 =	simm.s32 $0x4000  }
0x276: {  	v4 =	vpack.i.f32.bf16 v5, v4;
	v5 =	vor.u32 s1, v0  }
0x277: {  	[tilespmem:s30+$0x70] =	vst v4;
	v4 =	vor.u32 s1, v1  }
0x278: {  	_ =	swait.ge [sflag:s21], $0x4000  }
0x279: {  	[sflag:s21] =	ssyncset.done $0x0  }
0x27a: {  	[sflag:s21] =	ssyncadd.s32 $0xFFFFC000  }
0x27b: {  	v5 =	vld.idx.msk [tilespmem:v5+s16+$0x0], $0xffff  }
0x27c: {  	v4 =	vld.idx.msk [tilespmem:v4+s16+$0x0], $0xffff;
	_ =	sdelay $0x1  }
0x27d: {  	v6 =	vor.u32 s1, v2  }
0x27e: {  	v7 =	vor.u32 s1, v3;
	_ =	sdelay $0x1  }
0x27f: {  	s29 =	simm.s32 $0x164F0;
	v4 =	vpack.i.f32.bf16 v4, v5  }
0x280: {  	[tilespmem:s29+$0xFFFFFF10] =	vst v4  }
0x281: {  	v4 =	vld.idx.msk [tilespmem:v6+s16+$0x0], $0xffff  }
0x282: {  	v5 =	vld.idx.msk [tilespmem:v7+s16+$0x0], $0xffff  }
0x283: {  	s8 =	simm.s32 $0x4040  }
0x284: {  	v6 =	vor.u32 s8, v0  }
0x285: {  	v7 =	vor.u32 s8, v1;
	_ =	sdelay $0x1  }
0x286: {  	v4 =	vpack.i.f32.bf16 v5, v4  }
0x287: {  	[tilespmem:s29+$0xFFFFFF20] =	vst v4  }
0x288: {  	v4 =	vld.idx.msk [tilespmem:v6+s16+$0x0], $0xffff  }
0x289: {  	v5 =	vld.idx.msk [tilespmem:v7+s16+$0x0], $0xffff;
	_ =	sdelay $0x1  }
0x28a: {  	v6 =	vor.u32 s8, v2  }
0x28b: {  	v7 =	vor.u32 s8, v3;
	_ =	sdelay $0x1  }
0x28c: {  	v4 =	vpack.i.f32.bf16 v5, v4  }
0x28d: {  	[tilespmem:s29+$0xFFFFFF30] =	vst v4  }
0x28e: {  	v4 =	vld.idx.msk [tilespmem:v6+s16+$0x0], $0xffff  }
0x28f: {  	v5 =	vld.idx.msk [tilespmem:v7+s16+$0x0], $0xffff  }
0x290: {  	s10 =	simm.s32 $0x4080  }
0x291: {  	v6 =	vor.u32 s10, v0  }
0x292: {  	v7 =	vor.u32 s10, v1;
	_ =	sdelay $0x1  }
0x293: {  	v4 =	vpack.i.f32.bf16 v5, v4  }
0x294: {  	[tilespmem:s29+$0xFFFFFF40] =	vst v4  }
0x295: {  	v4 =	vld.idx.msk [tilespmem:v6+s16+$0x0], $0xffff  }
0x296: {  	v5 =	vld.idx.msk [tilespmem:v7+s16+$0x0], $0xffff;
	_ =	sdelay $0x1  }
0x297: {  	v6 =	vor.u32 s10, v2  }
0x298: {  	v7 =	vor.u32 s10, v3;
	_ =	sdelay $0x1  }
0x299: {  	v4 =	vpack.i.f32.bf16 v5, v4  }
0x29a: {  	[tilespmem:s29+$0xFFFFFF50] =	vst v4  }
0x29b: {  	v4 =	vld.idx.msk [tilespmem:v6+s16+$0x0], $0xffff  }
0x29c: {  	v5 =	vld.idx.msk [tilespmem:v7+s16+$0x0], $0xffff  }
0x29d: {  	s14 =	simm.s32 $0x40C0  }
0x29e: {  	v6 =	vor.u32 s14, v0  }
0x29f: {  	v7 =	vor.u32 s14, v1;
	_ =	sdelay $0x1  }
0x2a0: {  	v4 =	vpack.i.f32.bf16 v5, v4  }
0x2a1: {  	[tilespmem:s29+$0xFFFFFF60] =	vst v4  }
0x2a2: {  	v4 =	vld.idx.msk [tilespmem:v6+s16+$0x0], $0xffff  }
0x2a3: {  	v5 =	vld.idx.msk [tilespmem:v7+s16+$0x0], $0xffff;
	_ =	sdelay $0x1  }
0x2a4: {  	v6 =	vor.u32 s14, v2  }
0x2a5: {  	v7 =	vor.u32 s14, v3;
	_ =	sdelay $0x1  }
0x2a6: {  	v4 =	vpack.i.f32.bf16 v5, v4  }
0x2a7: {  	[tilespmem:s29+$0xFFFFFF70] =	vst v4  }
0x2a8: {  	v4 =	vld.idx.msk [tilespmem:v6+s16+$0x0], $0xffff  }
0x2a9: {  	v5 =	vld.idx.msk [tilespmem:v7+s16+$0x0], $0xffff  }
0x2aa: {  	s17 =	simm.s32 $0x4100  }
0x2ab: {  	v6 =	vor.u32 s17, v0  }
0x2ac: {  	v7 =	vor.u32 s17, v1;
	_ =	sdelay $0x1  }
0x2ad: {  	v4 =	vpack.i.f32.bf16 v5, v4  }
0x2ae: {  	[tilespmem:s29+$0xFFFFFF80] =	vst v4  }
0x2af: {  	v4 =	vld.idx.msk [tilespmem:v6+s16+$0x0], $0xffff  }
0x2b0: {  	v5 =	vld.idx.msk [tilespmem:v7+s16+$0x0], $0xffff;
	_ =	sdelay $0x1  }
0x2b1: {  	v6 =	vor.u32 s17, v2  }
0x2b2: {  	v7 =	vor.u32 s17, v3;
	_ =	sdelay $0x1  }
0x2b3: {  	v4 =	vpack.i.f32.bf16 v5, v4  }
0x2b4: {  	[tilespmem:s29+$0xFFFFFF90] =	vst v4  }
0x2b5: {  	v4 =	vld.idx.msk [tilespmem:v6+s16+$0x0], $0xffff  }
0x2b6: {  	v5 =	vld.idx.msk [tilespmem:v7+s16+$0x0], $0xffff  }
0x2b7: {  	s23 =	simm.s32 $0x4140  }
0x2b8: {  	v6 =	vor.u32 s23, v0  }
0x2b9: {  	v7 =	vor.u32 s23, v1;
	_ =	sdelay $0x1  }
0x2ba: {  	v4 =	vpack.i.f32.bf16 v5, v4  }
0x2bb: {  	[tilespmem:s29+$0xFFFFFFA0] =	vst v4  }
0x2bc: {  	v4 =	vld.idx.msk [tilespmem:v6+s16+$0x0], $0xffff  }
0x2bd: {  	v5 =	vld.idx.msk [tilespmem:v7+s16+$0x0], $0xffff;
	_ =	sdelay $0x1  }
0x2be: {  	v6 =	vor.u32 s23, v2  }
0x2bf: {  	v7 =	vor.u32 s23, v3;
	_ =	sdelay $0x1  }
0x2c0: {  	v4 =	vpack.i.f32.bf16 v5, v4  }
0x2c1: {  	[tilespmem:s29+$0xFFFFFFB0] =	vst v4  }
0x2c2: {  	v4 =	vld.idx.msk [tilespmem:v6+s16+$0x0], $0xffff  }
0x2c3: {  	v5 =	vld.idx.msk [tilespmem:v7+s16+$0x0], $0xffff  }
0x2c4: {  	s25 =	simm.s32 $0x4180  }
0x2c5: {  	v6 =	vor.u32 s25, v0  }
0x2c6: {  	v7 =	vor.u32 s25, v1;
	_ =	sdelay $0x1  }
0x2c7: {  	v4 =	vpack.i.f32.bf16 v5, v4  }
0x2c8: {  	[tilespmem:s29+$0xFFFFFFC0] =	vst v4  }
0x2c9: {  	v4 =	vld.idx.msk [tilespmem:v6+s16+$0x0], $0xffff  }
0x2ca: {  	v5 =	vld.idx.msk [tilespmem:v7+s16+$0x0], $0xffff;
	_ =	sdelay $0x1  }
0x2cb: {  	v6 =	vor.u32 s25, v2  }
0x2cc: {  	v7 =	vor.u32 s25, v3;
	_ =	sdelay $0x1  }
0x2cd: {  	v4 =	vpack.i.f32.bf16 v5, v4  }
0x2ce: {  	[tilespmem:s29+$0xFFFFFFD0] =	vst v4  }
0x2cf: {  	v4 =	vld.idx.msk [tilespmem:v6+s16+$0x0], $0xffff  }
0x2d0: {  	v5 =	vld.idx.msk [tilespmem:v7+s16+$0x0], $0xffff;
	_ =	sdelay $0x1  }
0x2d1: {  	s0 =	simm.s32 $0x41C0  }
0x2d2: {  	v6 =	vor.u32 s0, v0;
	_ =	sdelay $0x1  }
0x2d3: {  	v4 =	vpack.i.f32.bf16 v5, v4;
	v5 =	vor.u32 s0, v1;
	_ =	sdelay $0x1  }
0x2d4: {  	[tilespmem:s29+$0xFFFFFFE0] =	vst v4  }
0x2d5: {  	s31 =	simm.s32 $0x10F;
	s30 =	simm.s32 $0x164F0;
	v4 =	vld.idx.msk [tilespmem:v6+s16+$0x0], $0xffff  }
.LBB2_9:
0x2d6: {  	p0 =	sne.s32 s31, $0x1FF  }
0x2d7: {  	v5 =	vld.idx.msk [tilespmem:v5+s16+$0x0], $0xffff;
	s29 =	sadd.s32 $0x100, s29;
	s1 =	smov.u32 s31;
	s31 =	sadd.s32 $0x8, s31  }
0x2d8: {  	_ =	sdelay $0x1  }
0x2d9: {  	v6 =	vor.u32 s0, v2;
	v7 =	vor.u32 s0, v3;
	_ =	sdelay $0x2  }
0x2da: {  	v4 =	vpack.i.f32.bf16 v5, v4  }
0x2db: {  	[tilespmem:s30+$0xFFFFFFF0] =	vst v4  }
0x2dc: {  	v4 =	vld.idx.msk [tilespmem:v6+s16+$0x0], $0xffff  }
0x2dd: {  	v5 =	vld.idx.msk [tilespmem:v7+s16+$0x0], $0xffff  }
0x2de: {  	s0 =	sshll.u32 s1, $0x6  }
0x2df: {  	s17 =	sadd.s32 $0xFFFFFE40, s0;
	s25 =	sadd.s32 $0xFFFFFE80, s0;
	s23 =	sadd.s32 $0xFFFFFEC0, s0  }
0x2e0: {  	s10 =	sadd.s32 $0xFFFFFF00, s0;
	s8 =	sadd.s32 $0xFFFFFF40, s0;
	s14 =	sadd.s32 $0xFFFFFF80, s0;
	v6 =	vor.u32 s17, v0;
	v7 =	vor.u32 s17, v1  }
0x2e1: {  	s1 =	sadd.s32 $0xFFFFFFC0, s0;
	_ =	sdelay $0x1  }
0x2e2: {  	v4 =	vpack.i.f32.bf16 v5, v4  }
0x2e3: {  	[tilespmem:s30+$0x0] =	vst v4;
	s30 =	smov.u32 s29  }
0x2e4: {  	v4 =	vld.idx.msk [tilespmem:v6+s16+$0x0], $0xffff  }
0x2e5: {  	v5 =	vld.idx.msk [tilespmem:v7+s16+$0x0], $0xffff;
	_ =	sdelay $0x2  }
0x2e6: {  	v6 =	vor.u32 s17, v2;
	v7 =	vor.u32 s17, v3;
	_ =	sdelay $0x2  }
0x2e7: {  	v4 =	vpack.i.f32.bf16 v5, v4  }
0x2e8: {  	[tilespmem:s29+$0xFFFFFF10] =	vst v4  }
0x2e9: {  	v4 =	vld.idx.msk [tilespmem:v6+s16+$0x0], $0xffff  }
0x2ea: {  	v5 =	vld.idx.msk [tilespmem:v7+s16+$0x0], $0xffff;
	_ =	sdelay $0x2  }
0x2eb: {  	v6 =	vor.u32 s25, v0;
	v7 =	vor.u32 s25, v1;
	_ =	sdelay $0x2  }
0x2ec: {  	v4 =	vpack.i.f32.bf16 v5, v4  }
0x2ed: {  	[tilespmem:s29+$0xFFFFFF20] =	vst v4  }
0x2ee: {  	v4 =	vld.idx.msk [tilespmem:v6+s16+$0x0], $0xffff  }
0x2ef: {  	v5 =	vld.idx.msk [tilespmem:v7+s16+$0x0], $0xffff;
	_ =	sdelay $0x2  }
0x2f0: {  	v6 =	vor.u32 s25, v2;
	v7 =	vor.u32 s25, v3;
	_ =	sdelay $0x2  }
0x2f1: {  	v4 =	vpack.i.f32.bf16 v5, v4  }
0x2f2: {  	[tilespmem:s29+$0xFFFFFF30] =	vst v4  }
0x2f3: {  	v4 =	vld.idx.msk [tilespmem:v6+s16+$0x0], $0xffff  }
0x2f4: {  	v5 =	vld.idx.msk [tilespmem:v7+s16+$0x0], $0xffff;
	_ =	sdelay $0x2  }
0x2f5: {  	v6 =	vor.u32 s23, v0;
	v7 =	vor.u32 s23, v1;
	_ =	sdelay $0x2  }
0x2f6: {  	v4 =	vpack.i.f32.bf16 v5, v4  }
0x2f7: {  	[tilespmem:s29+$0xFFFFFF40] =	vst v4  }
0x2f8: {  	v4 =	vld.idx.msk [tilespmem:v6+s16+$0x0], $0xffff  }
0x2f9: {  	v5 =	vld.idx.msk [tilespmem:v7+s16+$0x0], $0xffff;
	_ =	sdelay $0x2  }
0x2fa: {  	v6 =	vor.u32 s23, v2;
	v7 =	vor.u32 s23, v3;
	_ =	sdelay $0x2  }
0x2fb: {  	v4 =	vpack.i.f32.bf16 v5, v4  }
0x2fc: {  	[tilespmem:s29+$0xFFFFFF50] =	vst v4  }
0x2fd: {  	v4 =	vld.idx.msk [tilespmem:v6+s16+$0x0], $0xffff  }
0x2fe: {  	v5 =	vld.idx.msk [tilespmem:v7+s16+$0x0], $0xffff;
	_ =	sdelay $0x2  }
0x2ff: {  	v6 =	vor.u32 s10, v0;
	v7 =	vor.u32 s10, v1;
	_ =	sdelay $0x2  }
0x300: {  	v4 =	vpack.i.f32.bf16 v5, v4  }
0x301: {  	[tilespmem:s29+$0xFFFFFF60] =	vst v4  }
0x302: {  	v4 =	vld.idx.msk [tilespmem:v6+s16+$0x0], $0xffff  }
0x303: {  	v5 =	vld.idx.msk [tilespmem:v7+s16+$0x0], $0xffff;
	_ =	sdelay $0x2  }
0x304: {  	v6 =	vor.u32 s10, v2;
	v7 =	vor.u32 s10, v3;
	_ =	sdelay $0x2  }
0x305: {  	v4 =	vpack.i.f32.bf16 v5, v4  }
0x306: {  	[tilespmem:s29+$0xFFFFFF70] =	vst v4  }
0x307: {  	v4 =	vld.idx.msk [tilespmem:v6+s16+$0x0], $0xffff  }
0x308: {  	v5 =	vld.idx.msk [tilespmem:v7+s16+$0x0], $0xffff;
	_ =	sdelay $0x2  }
0x309: {  	v6 =	vor.u32 s8, v0;
	v7 =	vor.u32 s8, v1;
	_ =	sdelay $0x2  }
0x30a: {  	v4 =	vpack.i.f32.bf16 v5, v4  }
0x30b: {  	[tilespmem:s29+$0xFFFFFF80] =	vst v4  }
0x30c: {  	v4 =	vld.idx.msk [tilespmem:v6+s16+$0x0], $0xffff  }
0x30d: {  	v5 =	vld.idx.msk [tilespmem:v7+s16+$0x0], $0xffff;
	_ =	sdelay $0x2  }
0x30e: {  	v6 =	vor.u32 s8, v2;
	v7 =	vor.u32 s8, v3;
	_ =	sdelay $0x2  }
0x30f: {  	v4 =	vpack.i.f32.bf16 v5, v4  }
0x310: {  	[tilespmem:s29+$0xFFFFFF90] =	vst v4  }
0x311: {  	v4 =	vld.idx.msk [tilespmem:v6+s16+$0x0], $0xffff  }
0x312: {  	v5 =	vld.idx.msk [tilespmem:v7+s16+$0x0], $0xffff;
	_ =	sdelay $0x2  }
0x313: {  	v6 =	vor.u32 s14, v0;
	v7 =	vor.u32 s14, v1;
	_ =	sdelay $0x2  }
0x314: {  	v4 =	vpack.i.f32.bf16 v5, v4  }
0x315: {  	[tilespmem:s29+$0xFFFFFFA0] =	vst v4  }
0x316: {  	v4 =	vld.idx.msk [tilespmem:v6+s16+$0x0], $0xffff  }
0x317: {  	v5 =	vld.idx.msk [tilespmem:v7+s16+$0x0], $0xffff;
	_ =	sdelay $0x2  }
0x318: {  	v6 =	vor.u32 s14, v2;
	v7 =	vor.u32 s14, v3;
	_ =	sdelay $0x2  }
0x319: {  	v4 =	vpack.i.f32.bf16 v5, v4  }
0x31a: {  	[tilespmem:s29+$0xFFFFFFB0] =	vst v4  }
0x31b: {  	v4 =	vld.idx.msk [tilespmem:v6+s16+$0x0], $0xffff  }
0x31c: {  	v5 =	vld.idx.msk [tilespmem:v7+s16+$0x0], $0xffff;
	_ =	sdelay $0x2  }
0x31d: {  	v6 =	vor.u32 s1, v0;
	v7 =	vor.u32 s1, v1;
	_ =	sdelay $0x2  }
0x31e: {  	v4 =	vpack.i.f32.bf16 v5, v4  }
0x31f: {  	[tilespmem:s29+$0xFFFFFFC0] =	vst v4  }
0x320: {  	v4 =	vld.idx.msk [tilespmem:v6+s16+$0x0], $0xffff  }
0x321: {  	v5 =	vld.idx.msk [tilespmem:v7+s16+$0x0], $0xffff;
	_ =	sdelay $0x2  }
0x322: {  	v6 =	vor.u32 s1, v2;
	v7 =	vor.u32 s1, v3;
	_ =	sdelay $0x2  }
0x323: {  	v4 =	vpack.i.f32.bf16 v5, v4  }
0x324: {  	[tilespmem:s29+$0xFFFFFFD0] =	vst v4  }
0x325: {  	v4 =	vld.idx.msk [tilespmem:v6+s16+$0x0], $0xffff  }
0x326: {  	v6 =	vld.idx.msk [tilespmem:v7+s16+$0x0], $0xffff;
	_ =	sdelay $0x2  }
0x327: {  	v5 =	vor.u32 s0, v1;
	v7 =	vor.u32 s0, v0  }
.Ltmp3:
0x328: {  	(pc) =	sbr.rel @p0 .LBB2_9-.Ltmp3, $4  }
0x329: {  	_ = 	snop  }
0x32a: {  	v4 =	vpack.i.f32.bf16 v6, v4  }
0x32b: {  	[tilespmem:s29+$0xFFFFFFE0] =	vst v4  }
0x32c: {  	v4 =	vld.idx.msk [tilespmem:v7+s16+$0x0], $0xffff  }
0x32d: {  	_ =	sdelay $0x3  }
0x32e: {  	v5 =	vld.idx.msk [tilespmem:v5+s16+$0x0], $0xffff;
	_ =	sdelay $0x1  }
0x32f: {  	v6 =	vor.u32 s0, v2  }
0x330: {  	v7 =	vor.u32 s0, v3;
	_ =	sdelay $0x1  }
0x331: {  	v4 =	vpack.i.f32.bf16 v5, v4  }
0x332: {  	[tilespmem:s30+$0xFFFFFFF0] =	vst v4  }
0x333: {  	v4 =	vld.idx.msk [tilespmem:v6+s16+$0x0], $0xffff  }
0x334: {  	v5 =	vld.idx.msk [tilespmem:v7+s16+$0x0], $0xffff  }
0x335: {  	s26 =	sadd.s32 $0x1, s26  }
0x336: {  	p0 =	sne.s32 s26, $0xD  }
.Ltmp4:
0x337: {  	s31 =	sshll.u32 s28, $0xF;
	(pc) =	sbr.rel @p0 .LBB2_2-.Ltmp4, $4  }
0x338: {  	s0 =	sadd.s32 s7, s31  }
0x339: {  	s0 =	sshrl.u32 s0, $0x4;
	v4 =	vpack.i.f32.bf16 v5, v4  }
0x33a: {  	s0 =	sadd.s32 s6, s0;
	[tilespmem:s30+$0x0] =	vst v4  }
0x33b: {  	[hbm4b:s0+s3] =	stream.linear.scatter [tilespmem:s22], [sflag:$0x4], $0x4000, $0x38;
	[tilespmem:$0x18400] =	vst v63  }
0x33c: {  	s0 =	simm.s32 $0x3  }
0x33d: {  	_ =	swait.ge [sflag:s0], $0x4000  }
0x33e: {  	[sflag:s0] =	ssyncset.done $0x0  }
0x33f: {  	[sflag:s0] =	ssyncadd.s32 $0xFFFFC000  }
0x340: {  	_ =	swait.ge [sflag:s24], $0x4000  }
0x341: {  	s1 =	rddreg [dreg:$0x5]  }
0x342: {  	s31 =	rddreg [dreg:$0x4];
	s1 =	sadd.s32 $0x1, s1  }
0x343: {  	p0 =	sne.s32 s1, s31  }
.Ltmp5:
0x344: {  	_ = 	snop;
	(pc) =	sbr.rel @p0 .LBB2_1-.Ltmp5, $3  }
0x345: {  	_ =	sdelay $0x1  }
0x346: {  	[sflag:s24] =	ssyncset.done $0x0  }
0x347: {  	[sflag:s24] =	ssyncadd.s32 $0xFFFFC000  }
0x348: {  	_ =	sfence.sel $0x180000  }
0x349: {  	[bflag:$0x0] =	sbarrier.arrive $0xFFFF  }
0x34a: {  	_ =	strace $0x90000047  }
0x34b: {  	s0 =	stileid.u32;
	[bflag:$0x2] =	sbarrier.arrive $0xFFFF  }
0x34c: {  	p0 =	sne.s32 s0, $0x0;
	s0 =	rddreg [dreg:$0x2]  }
0x34d: {  	s0 =	sadd.s32 @!p0 $0x100000, s0  }
0x34e: {  	[sflag:s0] =	ssyncadd.tile.s32 @!p0 $0x1;
	_ =	shalt  }
.Lfunc_end2:
_tile_overlayer_lowered:
.L_overlay_start_2:
0x34f: {  	(tag) =	ssettag $0x2  }
0x350: {  	s0 =	rddreg [dreg:$0x0];
	s2 =	stileid.u32  }
0x351: {  	s1 =	rddreg [dreg:$0x1];
	p0 =	sne.s32 s2, $0x0  }
0x352: {  	s3 =	rddreg [dreg:$0x2];
	[bflag:$0x3] =	sbarrier.arrive $0xFFFF;
	s2 =	simm.s32 @!p0 $0x1C05  }
0x353: {  	[timem:s3], [sflag:s2] =	dma.local @!p0 [hbm:s0], s1  }
0x354: {  	s0 =	simm.s32 @!p0 $0x5  }
0x355: {  	_ =	swait.ge @!p0 [sflag:s0], s1  }
0x356: {  	s1 =	ssub.s32 @!p0 $0x0, s1;
	[sflag:s0] =	ssyncset.done @!p0 $0x0  }
0x357: {  	[sflag:s0] =	ssyncadd.s32 @!p0 s1  }
0x358: {  	[bflag:$0x3] =	sbarrier.arrive $0xFFFF  }
0x359: {  	_ =	shalt  }

// kernel: sparse-core-data-format-call.cloned.1.call-start
scs
called_computation_lowered:
.L_overlay_start_0:
0x0: {  	s2 =	sld [smem:$0x3FD9]  }
0x1: {  	s3 =	sld [smem:$0x3FFE];
	_ =	sdelay $0x1  }
0x2: {  	s1 =	srdreg.scid  }
0x3: {  	s0 =	sand.u32 $0x1, s1  }
0x4: {  	s18 =	sshll.u32 s0, $0xA;
	s2 =	sadd.s32 s3, s2  }
0x5: {  	s2 =	sadd.s32 s2, s18  }
0x6: {  	[smem:$0x3FC6] =	sst s2  }
0x7: {  	_ = 	snop  }
0x8: {  	s2 =	sld [smem:$0x3FD0];
	(tm) =	ssettm $0x1  }
0x9: {  	s19 =	sld [smem:$0x3FFB];
	_ =	sdelay $0x3  }
0xa: {  	_ =	strace s19  }
0xb: {  	s3 =	sld [smem:$0x3FFC];
	_ =	sdelay $0x3  }
0xc: {  	_ =	strace s3  }
0xd: {  	s3 =	sld [smem:$0x3FFD];
	_ =	sdelay $0x3  }
0xe: {  	_ =	strace s3  }
0xf: {  	_ =	strace $0x8FFFFFFF  }
0x10: {  	s20 =	sld [smem:$0x3FDB];
	_ =	sdelay $0x1  }
0x11: {  	s4 =	simm.s32 $_scs_section_size  }
0x12: {  	s5 =	simm.s32 $_size__tile_overlayer_lowered;
	s6 =	simm.s32 $_tile_overlayer_lowered  }
0x13: {  	s23 =	simm.s32 $0x1BFF;
	s22 =	sshll.u32 s6, $0x1;
	s3 =	sadd.s32 s4, s20  }
0x14: {  	s7 =	simm.s32 $0x0;
	s21 =	sshll.u32 s5, $0x1;
	s5 =	sadd.s32 s22, s3  }
0x15: {  	[timem:s7], [sflag:s23] =	dma.local [hbm:s5], s21  }
0x16: {  	_ =	swait.ge [sflag:s23], s21  }
0x17: {  	s4 =	ssub.s32 $0x0, s21;
	[sflag:s23] =	ssyncset.done $0x0  }
0x18: {  	[sflag:s23] =	ssyncadd.s32 s4;
	_ =	sdelay $0x1  }
0x19: {  	s24 =	simm.s32 $0x1B8B  }
0x1a: {  	_ =	swait.ge [sflag:s24], $0x1  }
0x1b: {  	[sflag:s24] =	ssyncset.done $0x0  }
0x1c: {  	s26 =	simm.s32 $0x1B8E;
	s25 =	sld [smem:$0x3FFE];
	[sflag:s24] =	ssyncadd.s32 $0xFFFFFFFF  }
0x1d: {  	s27 =	simm.s32 $execute0_lowered;
	[smem:$0x3FD2] =	sst s26  }
0x1e: {  	s5 =	sshll.u32 s27, $0x1;
	_ =	strace $0x80000049;
	[dreg:$0x1] =	wrdreg $0xFFFFFFFF  }
0x1f: {  	s28 =	simm.s32 $_size_execute0_lowered;
	s3 =	sadd.s32 s3, s5;
	[dreg:$0x0] =	wrdreg $0x0  }
0x20: {  	s5 =	sshll.u32 s28, $0x1;
	[dreg:$0x2] =	wrdreg s3  }
0x21: {  	[dreg:$0x3] =	wrdreg s5  }
0x22: {  	[dreg:$0x4] =	wrdreg $0xC0  }
0x23: {  	_ =	task [dreg:s7], $0x5FFFF  }
0x24: {  	[dreg:$0x1] =	wrdreg $0xFFFFFFFF  }
0x25: {  	[dreg:$0x0] =	wrdreg $0x60  }
0x26: {  	[dreg:$0x2] =	wrdreg s25  }
0x27: {  	[dreg:$0x3] =	wrdreg s2  }
0x28: {  	[dreg:$0x4] =	wrdreg $0x9  }
0x29: {  	_ =	task.clear_ibuf [dreg:s7], $0x5FFFF;
	_ =	strace $0x90000049  }
0x2a: {  	s29 =	simm.s32 $0x9;
	_ =	strace $0x8000004B  }
0x2b: {  	_ =	swait.ge [sflag:s29], $0x1  }
0x2c: {  	[sflag:s29] =	ssyncadd.s32 $0xFFFFFFFF  }
0x2d: {  	_ =	strace $0x9000004B  }
0x2e: {  	_ =	sfence  }
0x2f: {  	s30 =	sld [smem:$0x0];
	_ =	sdelay $0x2  }
0x30: {  	s31 =	sshll.u32 s1, $0xD;
	s1 =	sshrl.u32 s1, $0x2  }
0x31: {  	s3 =	sand.u32 $0x4000, s31;
	s1 =	sadd.s32 s1, s30  }
0x32: {  	s0 =	sor.u32 s3, s0;
	s1 =	sshll.u32 s1, $0x11  }
0x33: {  	s0 =	sor.u32 s1, s0  }
0x34: {  	s0 =	sadd.s32 $0x8F2B, s0  }
0x35: {  	[sflag:s0] =	ssyncadd.remote.s32 $0x1  }
0x36: {  	_ =	sfence.sel $0xFFFF  }
0x37: {  	[dreg:$0x0] =	wrdreg $0xFFFFFFFF;
	(pc) =	sbr.abs _section_cstart, $3  }
0x38: {  	[dreg:$0x1] =	wrdreg $0xFFFFFFFF  }
0x39: {  	_ =	task.clear_ibuf [dreg:s7], $0x2FFFF;
	_ =	strace $0x9FFFFFFF  }
0x3a: {  	(tm) =	ssettm $0x7FFFFFFF  }
0x3b: {  	_ =	shalt  }
tec
execute0_lowered:
.L_overlay_start_1:
0x0: {  	(tag) =	ssettag $0x1  }
0x1: {  	s0 =	srdreg.scid  }
0x2: {  	s1 =	sshll.u32 s0, $0x4  }
0x3: {  	s0 =	stileid.u32;
	s1 =	sand.u32 $0x10, s1  }
0x4: {  	s1 =	sor.u32 s0, s1  }
0x5: {  	s6 =	rddreg [dreg:$0x0];
	s4 =	simm.s32 $0x1;
	s2 =	sshll.u32 s1, $0x7  }
0x6: {  	s7 =	simm.s32 $0x2;
	s13 =	simm.s32 $0x0;
	s1 =	ssub.s32 $0x4000, s2  }
0x7: {  	s8 =	simm.s32 $0x10000;
	s12 =	simm.s32 $0x0;
	s3 =	sand.u32 $0xF80, s1  }
0x8: {  	s9 =	simm.s32 $0x0;
	s5 =	sshrl.u32 s1, $0xC;
	p0 =	sne.s32 s3, $0x0  }
.Ltmp0:
0x9: {  	s1 =	rddreg [dreg:$0x2];
	s4 =	simm.s32 @!p0 $0x0;
	(pc) =	sbr.rel .LBB1_1-.Ltmp0, $4  }
0xa: {  	s11 =	simm.s32 $0x0;
	s3 =	rddreg [dreg:$0x1];
	s5 =	sadd.s32 s4, s5  }
0xb: {  	_ =	strace $0x8000004A;
	s4 =	simm.s32 $0x1;
	s5 =	smul.u32 $0xD, s5  }
0xc: {  	s6 =	sadd.s32 $0x1A0A00, s6;
	s10 =	smov.u32 s2;
	[sflag:s4] =	ssyncpa.u1 $0x0  }
0xd: {  	p0 =	por $0x0, $0x0;
	[sflag:s7] =	ssyncpa.u1 $0x0;
	s7 =	sadd.s32 $0x1, s5  }
.LBB1_4:
0xe: {  	v1 =	vperm.xlane.i2c.b16 v1;
	v0 =	vperm.xlane.i2c.b16 v0  }
0xf: {  	v2 =	vperm.xlane.i2c.b16 v2;
	v3 =	vperm.xlane.i2c.b16 v3  }
0x10: {  	[tilespmem:s16+$0x0 ss:$0x81] =	vst.msk $0xffff, v5;
	s17 =	sshra.s32 s17, $0x2;
	s18 =	sshll.u32 s12, $0x3;
	s19 =	sshll.u32 s12, $0x1;
	v62 =	vcombine.low v0, v1  }
0x11: {  	s13 =	sshll.u32 s13, $0x10;
	s30 =	sshrl.u32 s12, $0x1;
	[tilespmem:s16+$0x1020 ss:$0x81] =	vst.msk $0xffff, v4;
	s15 =	sadd.s32 s17, s15;
	v63 =	vcombine.low v3, v2  }
0x12: {  	s31 =	sand.u32 $0x7, s12;
	s28 =	sand.u32 $0xF0, s19;
	s29 =	sand.u32 $0x3C00, s18;
	v0 =	vcombine.high v0, v1;
	[tilespmem:s15+$0x810 ss:$0x81] =	vst.msk $0xffff, v62  }
0x13: {  	s17 =	sand.u32 $0xFC00, s30;
	s13 =	sadd.s32 s3, s13;
	s16 =	sor.u32 s28, s29;
	v2 =	vcombine.high v3, v2;
	[tilespmem:s15+$0x0 ss:$0x81] =	vst.msk $0xffff, v63  }
0x14: {  	s12 =	sshll.u32 s31, $0x12;
	s13 =	sadd.s32 s17, s13;
	s16 =	sshrl.u32 s16, $0x4;
	[tilespmem:s15+$0x1830 ss:$0x81] =	vst.msk $0xffff, v0  }
0x15: {  	s12 =	sor.u32 $0x200, s12;
	s13 =	sadd.s32 s16, s13;
	[tilespmem:s15+$0x1020 ss:$0x81] =	vst.msk $0xffff, v2  }
0x16: {  	[hbm4b:s13+s12] =	stream.strided.scatter [tilespmem:s14], [sflag:$0x2], $0x2000, s8, s12, $0x20;
	[tilespmem:$0x8080] =	vst v63  }
.LBB1_5:
0x17: {  	s14 =	sadd.s32 $0x2, s9  }
0x18: {  	s12 =	sadd.s32 $0x1000, s10;
	s16 =	smov.u32 s10;
	p2 =	sgt.s32 s14, $0x19  }
0x19: {  	s16 =	smov.u32 @p2 s12  }
0x1a: {  	s14 =	simm.s32 @p2 $0x0;
	p2 =	sgt.s32 s16, $0x3FFF  }
0x1b: {  	s16 =	smov.u32 @p2 s2;
	p2 =	sne.s32 s11, s7  }
.Ltmp1:
0x1c: {  	p1 =	slt.u32 s11, $0x2;
	(pc) =	sbr.rel @!p2 .LBB1_6-.Ltmp1, $4  }
0x1d: {  	s15 =	simm.s32 @!p1 $0x2  }
0x1e: {  	s13 =	smov.u32 s9;
	p0 =	por !p0, !p0;
	_ =	swait.ge @!p1 [sflag:s15], $0x2000  }
0x1f: {  	s12 =	smov.u32 s10;
	[sflag:s15] =	ssyncset.done @!p1 $0x0;
	s9 =	smov.u32 s14  }
0x20: {  	s11 =	sadd.s32 $0x1, s11;
	[sflag:s15] =	ssyncadd.s32 @!p1 $0xFFFFE000;
	s10 =	smov.u32 s16  }
.LBB1_1:
0x21: {  	p1 =	sge.u32 s11, s5  }
0x22: {  	s14 =	sshll.u32 @!p1 s10, $0x8;
	s15 =	sshll.u32 @!p1 s9, $0x3  }
0x23: {  	s16 =	sxor.u32 @!p1 $0xFFFFFFFF, s11;
	s15 =	sand.u32 @!p1 $0xF0, s15;
	s14 =	sadd.s32 @!p1 s6, s14  }
0x24: {  	s31 =	sadd.s32 $0xFFFFFFFF, s11;
	s14 =	sadd.s32 @!p1 s15, s14;
	s15 =	sshll.u32 @!p1 s16, $0xD  }
0x25: {  	s17 =	simm.s32 @!p1 $0x800;
	s16 =	simm.s32 @!p1 $0x40;
	s15 =	sand.u32 @!p1 $0x2000, s15  }
0x26: {  	[tilespmem:s15], [sflag:$0x1] =	stream.strided.gather @!p1 [hbm4b:s14+s16], $0x2000, s17, s16, $0x38;
	[tilespmem:$0x8080] =	vst v63  }
0x27: {  	p1 =	sge.u32 s31, s5  }
.Ltmp2:
0x28: {  	_ = 	snop;
	(pc) =	sbr.rel @p1 .LBB1_5-.Ltmp2, $1  }
0x29: {  	_ =	sdelay $0x3  }
0x2a: {  	s14 =	simm.s32 $0x1  }
0x2b: {  	_ =	swait.ge [sflag:s4], $0x2000;
	s14 =	simm.s32 @!p0 $0x0  }
0x2c: {  	[sflag:s4] =	ssyncset.done $0x0;
	s15 =	sshll.u32 s14, $0xD  }
0x2d: {  	[sflag:s4] =	ssyncadd.s32 $0xFFFFE000;
	s15 =	sor.u32 $0x20, s15  }
0x2e: {  	v0 =	vld [tilespmem:s15+$0x0]  }
0x2f: {  	v1 =	vld [tilespmem:s15+$0x10]  }
0x30: {  	v2 =	vld [tilespmem:s15+$0xFFFFFFF0]  }
0x31: {  	v3 =	vld [tilespmem:s15+$0xFFFFFFE0];
	_ =	sdelay $0x1  }
0x32: {  	s14 =	smul.u32 $0x8100, s14;
	s19 =	sadd.s32 $0x40, s15  }
0x33: {  	s16 =	sand.u32 $0x1, s11;
	v4 =	vperm.xlane.i2c.b16 v1;
	v5 =	vperm.xlane.i2c.b16 v0;
	v0 =	vld [tilespmem:s19+$0x0]  }
0x34: {  	s16 =	smul.u32 $0x8100, s16;
	s14 =	sshrl.u32 s14, $0x2;
	v6 =	vperm.xlane.i2c.b16 v2;
	v1 =	vld [tilespmem:s19+$0x10]  }
0x35: {  	s15 =	sor.u32 $0x4000, s14;
	v8 =	vperm.xlane.i2c.b16 v3;
	v2 =	vld [tilespmem:s19+$0xFFFFFFF0];
	v7 =	vcombine.low v5, v4  }
0x36: {  	s31 =	sshrl.u32 s16, $0x2;
	s16 =	sadd.s32 $0x0, s15;
	v3 =	vld [tilespmem:s19+$0xFFFFFFE0];
	v9 =	vcombine.high v5, v4  }
0x37: {  	s17 =	simm.s32 $0x4;
	v5 =	vcombine.low v8, v6;
	[tilespmem:s16+$0x810 ss:$0x81] =	vst.msk $0xffff, v7  }
0x38: {  	s18 =	simm.s32 $0x8;
	s14 =	sor.u32 $0x4000, s31;
	s19 =	sadd.s32 $0x40, s19;
	v4 =	vcombine.high v8, v6;
	[tilespmem:s16+$0x1830 ss:$0x81] =	vst.msk $0xffff, v9  }
.LBB1_3:
0x39: {  	v6 =	vperm.xlane.i2c.b16 v1;
	v7 =	vperm.xlane.i2c.b16 v0;
	v0 =	vld [tilespmem:s19+$0x0];
	[tilespmem:s16+$0x0 ss:$0x81] =	vst.msk $0xffff, v5;
	s20 =	smov.u32 s18;
	p1 =	sne.s32 s18, $0x1FC  }
.Ltmp3:
0x3a: {  	v8 =	vperm.xlane.i2c.b16 v2;
	v1 =	vld [tilespmem:s19+$0x10];
	[tilespmem:s16+$0x1020 ss:$0x81] =	vst.msk $0xffff, v4;
	(pc) =	sbr.rel @p1 .LBB1_3-.Ltmp3, $4  }
0x3b: {  	s18 =	sadd.s32 $0x4, s18;
	v4 =	vperm.xlane.i2c.b16 v3;
	s16 =	sshra.s32 s17, $0x2;
	v2 =	vld [tilespmem:s19+$0xFFFFFFF0];
	v9 =	vcombine.low v7, v6  }
0x3c: {  	s17 =	smov.u32 s20;
	s16 =	sadd.s32 s16, s15;
	v6 =	vcombine.high v7, v6;
	v3 =	vld [tilespmem:s19+$0xFFFFFFE0]  }
0x3d: {  	v5 =	vcombine.low v4, v8;
	v4 =	vcombine.high v4, v8;
	[tilespmem:s16+$0x810 ss:$0x81] =	vst.msk $0xffff, v9  }
0x3e: {  	s19 =	sadd.s32 $0x40, s19;
	[tilespmem:s16+$0x1830 ss:$0x81] =	vst.msk $0xffff, v6  }
.Ltmp4:
0x3f: {  	_ = 	snop;
	(pc) =	sbr.rel .LBB1_4-.Ltmp4, $1  }
0x40: {  	_ =	sdelay $0x3  }
.LBB1_6:
0x41: {  	_ =	sfence.sel $0x180000  }
0x42: {  	s2 =	simm.s32 $0x1;
	[bflag:$0x0] =	sbarrier.arrive $0xFFFF  }
0x43: {  	s31 =	simm.s32 $0x2;
	[sflag:s2] =	ssyncpa.u1 $0x1  }
0x44: {  	[sflag:s31] =	ssyncpa.u1 $0x1  }
0x45: {  	p0 =	sne.s32 s0, $0x0;
	_ =	strace $0x9000004A  }
0x46: {  	s0 =	sadd.s32 @!p0 $0x100000, s1;
	[bflag:$0x2] =	sbarrier.arrive $0xFFFF  }
0x47: {  	[sflag:s0] =	ssyncadd.tile.s32 @!p0 $0x1;
	_ =	shalt  }
.Lfunc_end1:
_tile_overlayer_lowered:
.L_overlay_start_2:
0x48: {  	(tag) =	ssettag $0x2  }
0x49: {  	s0 =	rddreg [dreg:$0x0];
	s2 =	stileid.u32  }
0x4a: {  	s1 =	rddreg [dreg:$0x1];
	p0 =	sne.s32 s2, $0x0  }
0x4b: {  	s3 =	rddreg [dreg:$0x2];
	[bflag:$0x3] =	sbarrier.arrive $0xFFFF;
	s2 =	simm.s32 @!p0 $0x1C01  }
0x4c: {  	[timem:s3], [sflag:s2] =	dma.local @!p0 [hbm:s0], s1  }
0x4d: {  	s0 =	simm.s32 @!p0 $0x1  }
0x4e: {  	_ =	swait.ge @!p0 [sflag:s0], s1  }
0x4f: {  	s1 =	ssub.s32 @!p0 $0x0, s1;
	[sflag:s0] =	ssyncset.done @!p0 $0x0  }
0x50: {  	[sflag:s0] =	ssyncadd.s32 @!p0 s1  }
0x51: {  	[bflag:$0x3] =	sbarrier.arrive $0xFFFF  }
0x52: {  	_ =	shalt  }

</sc_bundles>
